<compile_context>
chip_gen: v7x
topology: tpu7x:2x2x1
jax: 0.10.2.dev20260603
libtpu: 0.0.44.dev20260713+nightly
codegen_flags: <defaults>
</compile_context>

<pallas_src>
import functools

import jax
import jax.numpy as jnp
from jax import lax
from jax.experimental import pallas as pl
from jax.experimental.pallas import tpu as pltpu
from jax.experimental.pallas import tpu_sc as plsc

N = 50000
E = 800000
H = 2
C = 32
NI = 100000
T = N - 1

NC = 2
NS = 16
NW = NC * NS

EPW = E // NW
EVEC = EPW // 16 + 1
ETAIL = EPW - (EVEC - 1) * 16

NVEC = N // 16
NBV = (NVEC + NW - 1) // NW

L2CAP = 16
L2BUF = 32
KK = NW * L2BUF
L1CAP = 128
L1BUF = 160
SLOTS = NW * L1CAP

_mesh = plsc.VectorSubcoreMesh(
    core_axis_name="c", subcore_axis_name="s", num_cores=NC, num_subcores=NS)


def _wid():
  return lax.axis_index("s") * NC + lax.axis_index("c")


def _lanes():
  return lax.iota(jnp.int32, 16)


def _splat(val):
  return jnp.broadcast_to(jnp.asarray(val, jnp.int32), (16,))


def _prefill(ref, nwords, value):
  v = _splat(value)
  for i in range(nwords // 16):
    ref[pl.ds(i * 16, 16)] = v


def _append(pairs, m, o, cap):
  pc = plsc.all_reduce_population_count(m)

  @pl.when(pc[0] > 0)
  def _():
    c = jnp.cumsum(m.astype(jnp.int32))
    tgt = o + c - 1
    for ref, v in pairs:
      plsc.store_scatter(ref, [tgt], v, mask=m)

  return jnp.minimum(o + pc, cap)


@functools.partial(
    pl.kernel,
    out_type=(
        jax.ShapeDtypeStruct((NW, L2BUF), jnp.int32),
        jax.ShapeDtypeStruct((NW, 16), jnp.int32),
    ),
    mesh=_mesh,
    compiler_params=pltpu.CompilerParams(needs_layout_passes=False, use_tc_tiling_on_sc=False),
    scratch_types=[
        pltpu.VMEM((EVEC * 16,), jnp.int32),
        pltpu.VMEM((EVEC * 16,), jnp.int32),
        pltpu.VMEM((L2BUF + 16,), jnp.int32),
        pltpu.VMEM((16,), jnp.int32),
    ],
)
def _k_scan_t(ei_hbm, l2_out, cnt_out, dstb, srcb, outb, cntb):
  w = _wid()
  pltpu.sync_copy(ei_hbm.at[1, pl.ds(w * EPW, EPW)], dstb.at[pl.ds(0, EPW)])
  pltpu.sync_copy(ei_hbm.at[0, pl.ds(w * EPW, EPW)], srcb.at[pl.ds(0, EPW)])
  _prefill(outb, L2BUF + 16, T)
  lanes = _lanes()

  def body(i, o):
    for k in range(2):
      v = i * 2 + k
      dv = dstb[pl.ds(v * 16, 16)]
      sv = srcb[pl.ds(v * 16, 16)]
      o = _append([(outb, sv)], dv == T, o, L2CAP)
    return o

  o = lax.fori_loop(0, (EVEC - 1) // 2, body, _splat(0))
  dv = dstb[pl.ds((EVEC - 1) * 16, 16)]
  sv = srcb[pl.ds((EVEC - 1) * 16, 16)]
  o = _append([(outb, sv)], (dv == T) & (lanes < ETAIL), o, L2CAP)
  cntb[...] = o
  pltpu.sync_copy(cntb, cnt_out.at[w])
  pltpu.sync_copy(outb.at[pl.ds(0, L2BUF)], l2_out.at[w])


@functools.partial(
    pl.kernel,
    out_type=jax.ShapeDtypeStruct((N,), jnp.int32),
    mesh=_mesh,
    compiler_params=pltpu.CompilerParams(needs_layout_passes=False, use_tc_tiling_on_sc=False),
    scratch_types=[
        pltpu.VMEM((N,), jnp.int32),
        pltpu.VMEM((KK,), jnp.int32),
    ],
)
def _k_mask(zeros_hbm, l2_hbm, mask_out, maskv, idxb):
  w = _wid()

  @pl.when(w == 0)
  def _():
    pltpu.sync_copy(zeros_hbm, maskv)
    pltpu.sync_copy(l2_hbm, idxb)
    ones = _splat(1)
    for i in range(KK // 16):
      iv = idxb[pl.ds(i * 16, 16)]
      plsc.store_scatter(maskv, [iv], ones)
    pltpu.sync_copy(maskv, mask_out)


@functools.partial(
    pl.kernel,
    out_type=(
        jax.ShapeDtypeStruct((NW, L1CAP), jnp.int32),
        jax.ShapeDtypeStruct((NW, 16), jnp.int32),
        jax.ShapeDtypeStruct((SLOTS, C), jnp.float32),
        jax.ShapeDtypeStruct((SLOTS, C), jnp.float32),
    ),
    mesh=_mesh,
    compiler_params=pltpu.CompilerParams(needs_layout_passes=False, use_tc_tiling_on_sc=False),
    scratch_types=[
        pltpu.VMEM((N,), jnp.int32),
        pltpu.VMEM((EVEC * 16,), jnp.int32),
        pltpu.VMEM((EVEC * 16,), jnp.int32),
        pltpu.VMEM((L1BUF,), jnp.int32),
        pltpu.VMEM((L1BUF,), jnp.int32),
        pltpu.VMEM((16,), jnp.int32),
        pltpu.VMEM((L1CAP,), jnp.int32),
        pltpu.VMEM((L1CAP,), jnp.int32),
        pltpu.VMEM((L1CAP, C), jnp.float32),
        pltpu.SemaphoreType.DMA,
    ],
)
def _k_scan_mask(ei_hbm, mask_hbm, y_hbm, emb_hbm,
                 l1d_out, cnt_out, embs_out, embd_out,
                 maskb, dstb, srcb, l1s, l1d, cntb, idxs, yv, rows, sem):
  w = _wid()
  pltpu.sync_copy(mask_hbm, maskb)
  pltpu.sync_copy(ei_hbm.at[1, pl.ds(w * EPW, EPW)], dstb.at[pl.ds(0, EPW)])
  pltpu.sync_copy(ei_hbm.at[0, pl.ds(w * EPW, EPW)], srcb.at[pl.ds(0, EPW)])
  _prefill(l1s, L1BUF, T)
  _prefill(l1d, L1BUF, T)
  lanes = _lanes()

  def ebody(i, o):
    for k in range(2):
      v = i * 2 + k
      dv = dstb[pl.ds(v * 16, 16)]
      sv = srcb[pl.ds(v * 16, 16)]
      g = plsc.load_gather(maskb, [dv])
      o = _append([(l1s, sv), (l1d, dv)], g != 0, o, L1CAP)
    return o

  o = lax.fori_loop(0, (EVEC - 1) // 2, ebody, _splat(0))
  lv = lanes < ETAIL
  dv = dstb[pl.ds((EVEC - 1) * 16, 16)]
  sv = srcb[pl.ds((EVEC - 1) * 16, 16)]
  g = plsc.load_gather(maskb, [dv], mask=lv)
  o = _append([(l1s, sv), (l1d, dv)], lv & (g != 0), o, L1CAP)

  nbv = jnp.clip(NVEC - w * NBV, 0, NBV)

  def nbody(i, o):
    ids = (w * NBV + i) * 16 + lanes
    g = plsc.load_gather(maskb, [ids])
    m = g != 0
    return _append([(l1s, ids), (l1d, ids)], m, o, L1CAP)

  o = lax.fori_loop(0, nbv, nbody, o)

  cntb[...] = o
  pltpu.sync_copy(cntb, cnt_out.at[w])
  pltpu.sync_copy(l1d.at[pl.ds(0, L1CAP)], l1d_out.at[w])

  for buf, out in ((l1s, embs_out), (l1d, embd_out)):
    for v in range(L1CAP // 16):
      idxs[pl.ds(v * 16, 16)] = buf[pl.ds(v * 16, 16)]
    pltpu.async_copy(y_hbm.at[idxs], yv, sem).wait()
    pltpu.async_copy(emb_hbm.at[yv], rows, sem).wait()
    pltpu.sync_copy(rows, out.at[pl.ds(w * L1CAP, L1CAP)])


_PREC = lax.Precision.HIGHEST
_CHUNK = 512


def _dot(a, b):
  return lax.dot_general(a, b, (((0,), (0,)), ((), ())), precision=_PREC)


def _elu(x):
  return jnp.where(x > 0, x, jnp.exp(x) - 1.0)


def _leaky(x):
  return jnp.where(x > 0, x, 0.2 * x)


def _l2n(x):
  n = jnp.sqrt(jnp.sum(x * x, axis=1, keepdims=True))
  return x / jnp.maximum(n, 1e-12)


def _gat_body(embs_ref, embd_ref, dst1_ref, jj_ref, cnt1_ref, cnt2_ref,
              w0_ref, as0_ref, ad0_ref, b0_ref,
              w1_ref, as1_ref, ad1_ref, b1_ref,
              pw0_ref, pb0_ref, out_ref, nums, dens, numt, dent):
  c = pl.program_id(0)
  nsteps = pl.num_programs(0)

  @pl.when(c == 0)
  def _():
    nums[...] = jnp.zeros_like(nums)
    dens[...] = jnp.zeros_like(dens)
    numt[...] = jnp.zeros_like(numt)
    dent[...] = jnp.zeros_like(dent)

  xws = jnp.dot(embs_ref[...], w0_ref[...], precision=_PREC)
  xwd = jnp.dot(embd_ref[...], w0_ref[...], precision=_PREC)
  as0 = as0_ref[...]
  ad0 = ad0_ref[...]
  dst_c = dst1_ref[...]
  jj = jj_ref[...]
  cnt1 = cnt1_ref[...]
  slot_pos = lax.rem(lax.broadcasted_iota(jnp.int32, (_CHUNK, 1), 0),
                     jnp.int32(L1CAP))
  valid1 = (slot_pos < cnt1).astype(jnp.float32)

  m_c = (dst_c == jj).astype(jnp.float32)
  mt_c = (dst_c == T).astype(jnp.float32)
  ones_col = jnp.ones((_CHUNK, 1), jnp.float32)
  for h in range(H):
    hs = slice(h * C, (h + 1) * C)
    s0 = jnp.dot(xws[:, hs], as0[:, h:h + 1], precision=_PREC)
    d0 = jnp.dot(xwd[:, hs], ad0[:, h:h + 1], precision=_PREC)
    w1_c = jnp.exp(_leaky(s0 + d0)) * valid1
    a_c = m_c * w1_c
    at_c = mt_c * w1_c
    nums[:, hs] += _dot(a_c, xws[:, hs])
    dens[:, h:h + 1] += _dot(a_c, ones_col)
    numt[:, hs] += _dot(at_c, xws[:, hs])
    dent[:, h:h + 1] += _dot(at_c, ones_col)

  @pl.when(c == nsteps - 1)
  def _():
    num = nums[...]
    den = dens[...]
    num_t = numt[...]
    den_t = dent[...]
    x1 = jnp.concatenate(
        [num[:, h * C:(h + 1) * C] / (den[:, h:h + 1] + 1e-16)
         for h in range(H)], axis=1) + b0_ref[...]
    x1 = _l2n(_elu(x1))
    x1_t = jnp.concatenate(
        [num_t[:, h * C:(h + 1) * C] / (den_t[:, h:h + 1] + 1e-16)
         for h in range(H)], axis=1) + b0_ref[...]
    x1_t = _l2n(_elu(x1_t))

    x1w = jnp.dot(x1, w1_ref[...], precision=_PREC)
    x1w_t = jnp.dot(x1_t, w1_ref[...], precision=_PREC)
    as1 = as1_ref[...]
    ad1 = ad1_ref[...]
    cnt2 = cnt2_ref[...]
    slot2 = lax.rem(lax.broadcasted_iota(jnp.int32, (KK, 1), 0),
                    jnp.int32(L2BUF))
    valid2 = (slot2 < cnt2).astype(jnp.float32)

    num2 = []
    den2 = []
    for h in range(H):
      hs = slice(h * C, (h + 1) * C)
      s1 = jnp.dot(x1w[:, hs], as1[:, h:h + 1], precision=_PREC)
      s1_t = jnp.dot(x1w_t[:, hs], as1[:, h:h + 1], precision=_PREC)
      d1 = jnp.dot(x1w_t[:, hs], ad1[:, h:h + 1], precision=_PREC)
      w2 = jnp.exp(_leaky(s1 + d1)) * valid2
      w2_t = jnp.exp(_leaky(s1_t + d1))
      num2.append(_dot(w2, x1w[:, hs]) + w2_t * x1w_t[:, hs])
      den2.append(jnp.sum(w2, axis=0, keepdims=True) + w2_t)

    ctx = jnp.concatenate(
        [num2[h] / (den2[h] + 1e-16) for h in range(H)], axis=1) + b1_ref[...]
    ctx = _l2n(_elu(ctx))
    hv = jnp.maximum(
        jnp.dot(ctx, pw0_ref[...], precision=_PREC) + pb0_ref[...], 0.0)
    out_ref[...] = hv


def _gat_dense(embs, embd, dst1, jj, cnt1, cnt2, w0, as0, ad0, b0,
               w1, as1, ad1, b1, pw0, pb0):
  nsteps = SLOTS // _CHUNK
  full = lambda shape: pl.BlockSpec(shape, lambda c: tuple(0 for _ in shape))
  return pl.pallas_call(
      _gat_body,
      grid=(nsteps,),
      in_specs=[
          pl.BlockSpec((_CHUNK, C), lambda c: (c, 0)),
          pl.BlockSpec((_CHUNK, C), lambda c: (c, 0)),
          pl.BlockSpec((_CHUNK, 1), lambda c: (c, 0)),
          full((1, KK)),
          pl.BlockSpec((_CHUNK, 1), lambda c: (c, 0)),
          full((KK, 1)),
          full((C, H * C)),
          full((C, H)), full((C, H)), full((1, H * C)),
          full((H * C, H * C)),
          full((C, H)), full((C, H)), full((1, H * C)),
          full((H * C, C)), full((1, C)),
      ],
      out_specs=full((1, C)),
      out_shape=jax.ShapeDtypeStruct((1, C), jnp.float32),
      scratch_shapes=[
          pltpu.VMEM((KK, H * C), jnp.float32),
          pltpu.VMEM((KK, H), jnp.float32),
          pltpu.VMEM((1, H * C), jnp.float32),
          pltpu.VMEM((1, H), jnp.float32),
      ],
  )(embs, embd, dst1, jj, cnt1, cnt2, w0, as0, ad0, b0,
    w1, as1, ad1, b1, pw0, pb0)


_VBLK = 2048


def _proj_body(hv_ref, pw1_ref, pb1_ref, out_ref):
  out_ref[...] = (jnp.dot(hv_ref[...], pw1_ref[...], precision=_PREC)
                  + pb1_ref[...])


def _proj(hv, pw1, pb1):
  grid = (NI + _VBLK - 1) // _VBLK
  return pl.pallas_call(
      _proj_body,
      grid=(grid,),
      in_specs=[
          pl.BlockSpec((1, C), lambda j: (0, 0)),
          pl.BlockSpec((C, _VBLK), lambda j: (0, j)),
          pl.BlockSpec((1, _VBLK), lambda j: (0, j)),
      ],
      out_specs=pl.BlockSpec((1, _VBLK), lambda j: (0, j)),
      out_shape=jax.ShapeDtypeStruct((1, NI), jnp.float32),
  )(hv, pw1, pb1)


def kernel(y, edge_index, emb, W0, att_src0, att_dst0, b0,
           W1, att_src1, att_dst1, b1, pw0, pb0, pw1, pb1):
  zeros = lax.optimization_barrier(jnp.zeros((N,), jnp.int32))

  l2, cnt2 = _k_scan_t(edge_index)
  l2flat = lax.optimization_barrier(l2.reshape(KK))
  mask = _k_mask(zeros, l2flat)
  l1d, cnt1, embs, embd = _k_scan_mask(edge_index, mask, y, emb)

  jj = l2.reshape(1, KK)
  dst1 = l1d.reshape(SLOTS, 1)
  cnt1r = jnp.repeat(cnt1[:, 0], L1CAP).reshape(SLOTS, 1)
  cnt2r = jnp.repeat(cnt2[:, 0], L2BUF).reshape(KK, 1)

  hv = _gat_dense(embs, embd, dst1, jj, cnt1r, cnt2r,
                  W0, att_src0.T, att_dst0.T, b0.reshape(1, H * C),
                  W1, att_src1.T, att_dst1.T, b1.reshape(1, H * C),
                  pw0, pb0.reshape(1, C))
  return _proj(hv, pw1, pb1.reshape(1, NI)).reshape(NI)

# --- scband reference (transcript-rebuilt; emitter-appended) ---
"""Pipeline reference for scband-transaction-gnn-69887707840602 (READ-ONLY COPY).

The authoritative reference and input builder live on the scoring server;
editing this copy changes nothing except your own understanding.
"""

import jax, jax.numpy as jnp
import numpy as np

N = 50000
E = 800000
H = 2
C = 32
NUM_ITEMS = 100000


def setup_inputs(seed: int = 0) -> dict:
    key = jax.random.key(seed)
    ks = jax.random.split(key, 16)

    def p(k, shape, s=0.05):
        return jax.random.normal(k, shape, dtype=jnp.float32) * s

    inp = {}
    inp['y'] = jax.random.randint(ks[0], (N,), 0, NUM_ITEMS)
    inp['edge_index'] = jax.random.randint(ks[1], (2, E), 0, N)
    # item embedding table
    inp['emb'] = p(ks[2], (NUM_ITEMS, C), 0.02)
    # GAT layer 0: in=C, out per head=C, heads=H (concat)
    inp['W0'] = p(ks[3], (C, H * C))
    inp['att_src0'] = p(ks[4], (H, C))
    inp['att_dst0'] = p(ks[5], (H, C))
    inp['b0'] = jnp.zeros((H * C,), jnp.float32)
    # GAT layer 1: in=H*C, out per head=C, heads=H (concat)
    inp['W1'] = p(ks[6], (H * C, H * C))
    inp['att_src1'] = p(ks[7], (H, C))
    inp['att_dst1'] = p(ks[8], (H, C))
    inp['b1'] = jnp.zeros((H * C,), jnp.float32)
    # predictor: Linear(H*C -> C), ReLU, Linear(C -> NUM_ITEMS)
    inp['pw0'] = p(ks[9], (H * C, C))
    inp['pb0'] = jnp.zeros((C,), jnp.float32)
    inp['pw1'] = p(ks[10], (C, NUM_ITEMS), 0.02)
    inp['pb1'] = jnp.zeros((NUM_ITEMS,), jnp.float32)
    return inp


def _gat(x, src, dst, W, a_s, a_d, b):
    # PyG GATConv (concat=True, negative_slope=0.2), eval mode (dropout off)
    xw = (x @ W).reshape(-1, H, C)
    a_src_n = (xw * a_s[None, :, :]).sum(-1)  # [N, H]
    a_dst_n = (xw * a_d[None, :, :]).sum(-1)  # [N, H]
    e = a_src_n[src] + a_dst_n[dst]           # [E, H]
    e = jnp.where(e > 0, e, 0.2 * e)          # leaky_relu
    m = jax.ops.segment_max(e, dst, num_segments=N)
    m = jnp.where(jnp.isfinite(m), m, 0.0)
    ex = jnp.exp(e - m[dst])
    den = jax.ops.segment_sum(ex, dst, num_segments=N)
    alpha = ex / (den[dst] + 1e-16)
    out = jax.ops.segment_sum(xw[src] * alpha[:, :, None], dst, num_segments=N)
    return out.reshape(-1, H * C) + b


def _l2n(x):
    n = jnp.sqrt((x * x).sum(-1, keepdims=True))
    return x / jnp.maximum(n, 1e-12)


def _forward(y, edge_index, emb, W0, att_src0, att_dst0, b0, W1, att_src1, att_dst1, b1, pw0, pb0, pw1, pb1):
    loop = jnp.arange(N)
    src = jnp.concatenate([edge_index[0], loop])  # add_self_loops=True
    dst = jnp.concatenate([edge_index[1], loop])
    x = emb[y]
    x = _l2n(jax.nn.elu(_gat(x, src, dst, W0, att_src0, att_dst0, b0)))
    x = _l2n(jax.nn.elu(_gat(x, src, dst, W1, att_src1, att_dst1, b1)))
    ctx = x[-1]
    h = jax.nn.relu(ctx @ pw0 + pb0)
    logits = h @ pw1 + pb1
    return logits


def reference(y, edge_index, emb, W0, att_src0, att_dst0, b0, W1, att_src1, att_dst1, b1, pw0, pb0, pw1, pb1):
    return _forward(y, edge_index, emb, W0, att_src0, att_dst0, b0, W1, att_src1, att_dst1, b1, pw0, pb0, pw1, pb1)

if __name__ == "__main__":
    import jax
    _d = setup_inputs()
    print(jax.jit(kernel)(*tuple(_d.values())))

</pallas_src>

<mosaic_0001>
#map = affine_map<(d0, d1) -> (0, 0)>
module attributes {stable_mosaic.version = 14 : i64} {
  func.func @_k_scan_t(%arg0: i32, %arg1: i32, %arg2: memref<2x800000xi32, #tpu.memory_space<hbm>>, %arg3: memref<32x32xi32, #tpu.memory_space<hbm>>, %arg4: memref<32x16xi32, #tpu.memory_space<hbm>>, %arg5: memref<25008xi32, #tpu.memory_space<vmem>>, %arg6: memref<25008xi32, #tpu.memory_space<vmem>>, %arg7: memref<48xi32, #tpu.memory_space<vmem>>, %arg8: memref<16xi32, #tpu.memory_space<vmem>>) attributes {dimension_semantics = [#tpu.dimension_semantics<core_parallel>, #tpu.dimension_semantics<subcore_parallel>], iteration_bounds = array<i64: 2, 16>, scalar_prefetch = 0 : i64, scratch_operands = 4 : i64, tpu.core_type = #tpu.core_type<sc_vector_subcore>, window_params = [{transform_indices = #map}, {transform_indices = #map}, {transform_indices = #map}]} {
    %mul3A = arith.constant 2 : i32
    %mul3A_0 = arith.muli %arg1, %mul3A : i32
    %add3A = arith.addi %mul3A_0, %arg0 : i32
    %mul3A_1 = arith.constant 25000 : i32
    %mul3A_2 = arith.muli %add3A, %mul3A_1 : i32
    %run_scoped3A = arith.constant 1 : i32
    "tpu.region"() ({
      %run_scoped3A_33 = tpu.sem_alloc : memref<!tpu.dma_semaphore, #tpu.memory_space<semaphore_mem>>
      %dma_start3A = arith.constant 0 : i32
      %dma_start3A_34 = tpu.memref_slice %arg5[%dma_start3A] : memref<25008xi32, #tpu.memory_space<vmem>> -> memref<25000xi32, #tpu.memory_space<vmem>>
      %dma_start3A_35 = tpu.memref_slice %arg2[%run_scoped3A, %mul3A_2] : memref<2x800000xi32, #tpu.memory_space<hbm>> -> memref<1x25000xi32, #tpu.memory_space<hbm>>
      %dma_start3A_36 = tpu.memref_squeeze %dma_start3A_35 : memref<1x25000xi32, #tpu.memory_space<hbm>> -> memref<25000xi32, #tpu.memory_space<hbm>>
      %dma_start3A_37 = arith.constant 0 : i32
      %dma_start3A_38 = tpu.memref_slice %arg5[%dma_start3A_37] : memref<25008xi32, #tpu.memory_space<vmem>> -> memref<25000xi32, #tpu.memory_space<vmem>>
      %dma_start3A_39 = tpu.memref_slice %arg2[%run_scoped3A, %mul3A_2] : memref<2x800000xi32, #tpu.memory_space<hbm>> -> memref<1x25000xi32, #tpu.memory_space<hbm>>
      %dma_start3A_40 = tpu.memref_squeeze %dma_start3A_39 : memref<1x25000xi32, #tpu.memory_space<hbm>> -> memref<25000xi32, #tpu.memory_space<hbm>>
      tpu.enqueue_dma source(%dma_start3A_40 : memref<25000xi32, #tpu.memory_space<hbm>>) target(%dma_start3A_38 : memref<25000xi32, #tpu.memory_space<vmem>>) target_semaphore(%run_scoped3A_33 : memref<!tpu.dma_semaphore, #tpu.memory_space<semaphore_mem>>)
      %dma_wait3A = arith.constant 0 : i32
      %dma_wait3A_41 = tpu.memref_slice %arg5[%dma_wait3A] : memref<25008xi32, #tpu.memory_space<vmem>> -> memref<25000xi32, #tpu.memory_space<vmem>>
      %dma_wait3A_42 = tpu.memref_slice %arg2[%run_scoped3A, %mul3A_2] : memref<2x800000xi32, #tpu.memory_space<hbm>> -> memref<1x25000xi32, #tpu.memory_space<hbm>>
      %dma_wait3A_43 = tpu.memref_squeeze %dma_wait3A_42 : memref<1x25000xi32, #tpu.memory_space<hbm>> -> memref<25000xi32, #tpu.memory_space<hbm>>
      %dma_wait3A_44 = arith.constant 0 : i32
      %dma_wait3A_45 = tpu.memref_slice %arg5[%dma_wait3A_44] : memref<25008xi32, #tpu.memory_space<vmem>> -> memref<25000xi32, #tpu.memory_space<vmem>>
      %dma_wait3A_46 = tpu.memref_slice %arg2[%run_scoped3A, %mul3A_2] : memref<2x800000xi32, #tpu.memory_space<hbm>> -> memref<1x25000xi32, #tpu.memory_space<hbm>>
      %dma_wait3A_47 = tpu.memref_squeeze %dma_wait3A_46 : memref<1x25000xi32, #tpu.memory_space<hbm>> -> memref<25000xi32, #tpu.memory_space<hbm>>
      tpu.wait_dma2 semaphore(%run_scoped3A_33 : memref<!tpu.dma_semaphore, #tpu.memory_space<semaphore_mem>>) src(%dma_wait3A_47 : memref<25000xi32, #tpu.memory_space<hbm>>) dst(%dma_wait3A_45 : memref<25000xi32, #tpu.memory_space<vmem>>)
      tpu.yield
    }) : () -> ()
    %mul3A_3 = arith.constant 25000 : i32
    %mul3A_4 = arith.muli %add3A, %mul3A_3 : i32
    %run_scoped3A_5 = arith.constant 0 : i32
    "tpu.region"() ({
      %run_scoped3A_33 = tpu.sem_alloc : memref<!tpu.dma_semaphore, #tpu.memory_space<semaphore_mem>>
      %dma_start3A = arith.constant 0 : i32
      %dma_start3A_34 = tpu.memref_slice %arg6[%dma_start3A] : memref<25008xi32, #tpu.memory_space<vmem>> -> memref<25000xi32, #tpu.memory_space<vmem>>
      %dma_start3A_35 = tpu.memref_slice %arg2[%run_scoped3A_5, %mul3A_4] : memref<2x800000xi32, #tpu.memory_space<hbm>> -> memref<1x25000xi32, #tpu.memory_space<hbm>>
      %dma_start3A_36 = tpu.memref_squeeze %dma_start3A_35 : memref<1x25000xi32, #tpu.memory_space<hbm>> -> memref<25000xi32, #tpu.memory_space<hbm>>
      %dma_start3A_37 = arith.constant 0 : i32
      %dma_start3A_38 = tpu.memref_slice %arg6[%dma_start3A_37] : memref<25008xi32, #tpu.memory_space<vmem>> -> memref<25000xi32, #tpu.memory_space<vmem>>
      %dma_start3A_39 = tpu.memref_slice %arg2[%run_scoped3A_5, %mul3A_4] : memref<2x800000xi32, #tpu.memory_space<hbm>> -> memref<1x25000xi32, #tpu.memory_space<hbm>>
      %dma_start3A_40 = tpu.memref_squeeze %dma_start3A_39 : memref<1x25000xi32, #tpu.memory_space<hbm>> -> memref<25000xi32, #tpu.memory_space<hbm>>
      tpu.enqueue_dma source(%dma_start3A_40 : memref<25000xi32, #tpu.memory_space<hbm>>) target(%dma_start3A_38 : memref<25000xi32, #tpu.memory_space<vmem>>) target_semaphore(%run_scoped3A_33 : memref<!tpu.dma_semaphore, #tpu.memory_space<semaphore_mem>>)
      %dma_wait3A = arith.constant 0 : i32
      %dma_wait3A_41 = tpu.memref_slice %arg6[%dma_wait3A] : memref<25008xi32, #tpu.memory_space<vmem>> -> memref<25000xi32, #tpu.memory_space<vmem>>
      %dma_wait3A_42 = tpu.memref_slice %arg2[%run_scoped3A_5, %mul3A_4] : memref<2x800000xi32, #tpu.memory_space<hbm>> -> memref<1x25000xi32, #tpu.memory_space<hbm>>
      %dma_wait3A_43 = tpu.memref_squeeze %dma_wait3A_42 : memref<1x25000xi32, #tpu.memory_space<hbm>> -> memref<25000xi32, #tpu.memory_space<hbm>>
      %dma_wait3A_44 = arith.constant 0 : i32
      %dma_wait3A_45 = tpu.memref_slice %arg6[%dma_wait3A_44] : memref<25008xi32, #tpu.memory_space<vmem>> -> memref<25000xi32, #tpu.memory_space<vmem>>
      %dma_wait3A_46 = tpu.memref_slice %arg2[%run_scoped3A_5, %mul3A_4] : memref<2x800000xi32, #tpu.memory_space<hbm>> -> memref<1x25000xi32, #tpu.memory_space<hbm>>
      %dma_wait3A_47 = tpu.memref_squeeze %dma_wait3A_46 : memref<1x25000xi32, #tpu.memory_space<hbm>> -> memref<25000xi32, #tpu.memory_space<hbm>>
      tpu.wait_dma2 semaphore(%run_scoped3A_33 : memref<!tpu.dma_semaphore, #tpu.memory_space<semaphore_mem>>) src(%dma_wait3A_47 : memref<25000xi32, #tpu.memory_space<hbm>>) dst(%dma_wait3A_45 : memref<25000xi32, #tpu.memory_space<vmem>>)
      tpu.yield
    }) : () -> ()
    %broadcast_in_dim3A = arith.constant 49999 : i32
    %broadcast_in_dim3A_6 = vector.broadcast %broadcast_in_dim3A : i32 to vector<16xi32>
    %swap3A = arith.constant 0 : index
    %swap3A_7 = tpu.vector_load %arg7[%swap3A] {strides = array<i32>} : memref<48xi32, #tpu.memory_space<vmem>>, vector<16xi32>,
    tpu.vector_store %arg7[%swap3A], %broadcast_in_dim3A_6 {strides = array<i32>} : memref<48xi32, #tpu.memory_space<vmem>>, vector<16xi32>,
    %swap3A_8 = arith.constant 16 : index
    %swap3A_9 = tpu.vector_load %arg7[%swap3A_8] {strides = array<i32>} : memref<48xi32, #tpu.memory_space<vmem>>, vector<16xi32>,
    tpu.vector_store %arg7[%swap3A_8], %broadcast_in_dim3A_6 {strides = array<i32>} : memref<48xi32, #tpu.memory_space<vmem>>, vector<16xi32>,
    %swap3A_10 = arith.constant 32 : index
    %swap3A_11 = tpu.vector_load %arg7[%swap3A_10] {strides = array<i32>} : memref<48xi32, #tpu.memory_space<vmem>>, vector<16xi32>,
    tpu.vector_store %arg7[%swap3A_10], %broadcast_in_dim3A_6 {strides = array<i32>} : memref<48xi32, #tpu.memory_space<vmem>>, vector<16xi32>,
    %iota3A = tpu.iota {dimensions = array<i32: 0>} : vector<16xi32>
    %broadcast_in_dim3A_12 = arith.constant 0 : i32
    %broadcast_in_dim3A_13 = vector.broadcast %broadcast_in_dim3A_12 : i32 to vector<16xi32>
    %scan3A = arith.constant 0 : i32
    %scan3A_14 = arith.constant 781 : i32
    %scan3A_15 = arith.addi %scan3A, %scan3A_14 : i32
    %scan3A_16 = arith.constant 1 : i32
    %scan3A_17 = scf.for %scan3A_33 = %scan3A to %scan3A_15 step %scan3A_16 iter_args(%scan3A_34 = %broadcast_in_dim3A_13) -> (vector<16xi32>)  : i32 {
      %mul3A_35 = arith.constant 2 : i32
      %mul3A_36 = arith.muli %scan3A_33, %mul3A_35 : i32
      %add3A_37 = arith.constant 0 : i32
      %add3A_38 = arith.addi %mul3A_36, %add3A_37 : i32
      %mul3A_39 = arith.constant 16 : i32
      %mul3A_40 = arith.muli %add3A_38, %mul3A_39 : i32
      %get3A_41 = arith.index_cast %mul3A_40 : i32 to index
      %get3A_42 = tpu.vector_load %arg5[%get3A_41] {strides = array<i32>} : memref<25008xi32, #tpu.memory_space<vmem>>, vector<16xi32>,
      %mul3A_43 = arith.constant 16 : i32
      %mul3A_44 = arith.muli %add3A_38, %mul3A_43 : i32
      %get3A_45 = arith.index_cast %mul3A_44 : i32 to index
      %get3A_46 = tpu.vector_load %arg6[%get3A_45] {strides = array<i32>} : memref<25008xi32, #tpu.memory_space<vmem>>, vector<16xi32>,
      %eq3A_47 = arith.constant 49999 : i32
      %eq3A_48 = vector.broadcast %eq3A_47 : i32 to vector<16xi32>
      %eq3A_49 = arith.cmpi eq, %get3A_42, %eq3A_48 : vector<16xi32>
      %all_reduce_population_count3A_50 = tpu.all_reduce %eq3A_49 {dim = 0 : i64, kind = #tpu.reduction_kind<sum>} : vector<16xi1> -> vector<16xi32>
      %slice3A_51 = vector.extract_strided_slice %all_reduce_population_count3A_50 {offsets = [0], sizes = [1], strides = [1]} : vector<16xi32> to vector<1xi32>
      %squeeze3A_52 = vector.extract %slice3A_51[0] : i32 from vector<1xi32>
      %gt3A_53 = arith.constant 0 : i32
      %gt3A_54 = arith.cmpi sgt, %squeeze3A_52, %gt3A_53 : i32
      %convert_element_type3A_55 = arith.extui %gt3A_54 : i1 to i32
      %cond3A_56 = arith.constant 0 : i32
      %cond3A_57 = arith.cmpi ne, %convert_element_type3A_55, %cond3A_56 : i32
      scf.if %cond3A_57 {
        %convert_element_type3A_89 = arith.extui %eq3A_49 : vector<16xi1> to vector<16xi32>
        %cumsum3A = arith.constant true
        %cumsum3A_90 = vector.broadcast %cumsum3A : i1 to vector<16xi1>
        %cumsum3A_91 = tpu.scan <sum>, %convert_element_type3A_89 masked %cumsum3A_90 : vector<16xi32>, vector<16xi1> -> vector<16xi32>
        %add3A_92 = arith.addi %scan3A_34, %cumsum3A_91 : vector<16xi32>
        %sub3A = arith.constant 1 : i32
        %sub3A_93 = vector.broadcast %sub3A : i32 to vector<16xi32>
        %sub3A_94 = arith.subi %add3A_92, %sub3A_93 : vector<16xi32>
        tpu.vector_store_idx %arg7[%sub3A_94], %get3A_46 masked %eq3A_49 : memref<48xi32, #tpu.memory_space<vmem>>[vector<16xi32>], vector<16xi32>, vector<16xi1>
      } else {
      }
      %add3A_58 = arith.addi %scan3A_34, %all_reduce_population_count3A_50 : vector<16xi32>
      %min3A_59 = arith.constant 16 : i32
      %min3A_60 = vector.broadcast %min3A_59 : i32 to vector<16xi32>
      %min3A_61 = arith.minsi %add3A_58, %min3A_60 : vector<16xi32>
      %mul3A_62 = arith.constant 2 : i32
      %mul3A_63 = arith.muli %scan3A_33, %mul3A_62 : i32
      %add3A_64 = arith.constant 1 : i32
      %add3A_65 = arith.addi %mul3A_63, %add3A_64 : i32
      %mul3A_66 = arith.constant 16 : i32
      %mul3A_67 = arith.muli %add3A_65, %mul3A_66 : i32
      %get3A_68 = arith.index_cast %mul3A_67 : i32 to index
      %get3A_69 = tpu.vector_load %arg5[%get3A_68] {strides = array<i32>} : memref<25008xi32, #tpu.memory_space<vmem>>, vector<16xi32>,
      %mul3A_70 = arith.constant 16 : i32
      %mul3A_71 = arith.muli %add3A_65, %mul3A_70 : i32
      %get3A_72 = arith.index_cast %mul3A_71 : i32 to index
      %get3A_73 = tpu.vector_load %arg6[%get3A_72] {strides = array<i32>} : memref<25008xi32, #tpu.memory_space<vmem>>, vector<16xi32>,
      %eq3A_74 = arith.constant 49999 : i32
      %eq3A_75 = vector.broadcast %eq3A_74 : i32 to vector<16xi32>
      %eq3A_76 = arith.cmpi eq, %get3A_69, %eq3A_75 : vector<16xi32>
      %all_reduce_population_count3A_77 = tpu.all_reduce %eq3A_76 {dim = 0 : i64, kind = #tpu.reduction_kind<sum>} : vector<16xi1> -> vector<16xi32>
      %slice3A_78 = vector.extract_strided_slice %all_reduce_population_count3A_77 {offsets = [0], sizes = [1], strides = [1]} : vector<16xi32> to vector<1xi32>
      %squeeze3A_79 = vector.extract %slice3A_78[0] : i32 from vector<1xi32>
      %gt3A_80 = arith.constant 0 : i32
      %gt3A_81 = arith.cmpi sgt, %squeeze3A_79, %gt3A_80 : i32
      %convert_element_type3A_82 = arith.extui %gt3A_81 : i1 to i32
      %cond3A_83 = arith.constant 0 : i32
      %cond3A_84 = arith.cmpi ne, %convert_element_type3A_82, %cond3A_83 : i32
      scf.if %cond3A_84 {
        %convert_element_type3A_89 = arith.extui %eq3A_76 : vector<16xi1> to vector<16xi32>
        %cumsum3A = arith.constant true
        %cumsum3A_90 = vector.broadcast %cumsum3A : i1 to vector<16xi1>
        %cumsum3A_91 = tpu.scan <sum>, %convert_element_type3A_89 masked %cumsum3A_90 : vector<16xi32>, vector<16xi1> -> vector<16xi32>
        %add3A_92 = arith.addi %min3A_61, %cumsum3A_91 : vector<16xi32>
        %sub3A = arith.constant 1 : i32
        %sub3A_93 = vector.broadcast %sub3A : i32 to vector<16xi32>
        %sub3A_94 = arith.subi %add3A_92, %sub3A_93 : vector<16xi32>
        tpu.vector_store_idx %arg7[%sub3A_94], %get3A_73 masked %eq3A_76 : memref<48xi32, #tpu.memory_space<vmem>>[vector<16xi32>], vector<16xi32>, vector<16xi1>
      } else {
      }
      %add3A_85 = arith.addi %min3A_61, %all_reduce_population_count3A_77 : vector<16xi32>
      %min3A_86 = arith.constant 16 : i32
      %min3A_87 = vector.broadcast %min3A_86 : i32 to vector<16xi32>
      %min3A_88 = arith.minsi %add3A_85, %min3A_87 : vector<16xi32>
      scf.yield %min3A_88 : vector<16xi32>
    }
    %scan3A_18 = arith.constant 781 : i32
    %get3A = arith.constant 24992 : index
    %get3A_19 = tpu.vector_load %arg5[%get3A] {strides = array<i32>} : memref<25008xi32, #tpu.memory_space<vmem>>, vector<16xi32>,
    %get3A_20 = arith.constant 24992 : index
    %get3A_21 = tpu.vector_load %arg6[%get3A_20] {strides = array<i32>} : memref<25008xi32, #tpu.memory_space<vmem>>, vector<16xi32>,
    %eq3A = arith.constant 49999 : i32
    %eq3A_22 = vector.broadcast %eq3A : i32 to vector<16xi32>
    %eq3A_23 = arith.cmpi eq, %get3A_19, %eq3A_22 : vector<16xi32>
    %lt3A = arith.constant 8 : i32
    %lt3A_24 = vector.broadcast %lt3A : i32 to vector<16xi32>
    %lt3A_25 = arith.cmpi slt, %iota3A, %lt3A_24 : vector<16xi32>
    %and3A = arith.andi %eq3A_23, %lt3A_25 : vector<16xi1>
    %all_reduce_population_count3A = tpu.all_reduce %and3A {dim = 0 : i64, kind = #tpu.reduction_kind<sum>} : vector<16xi1> -> vector<16xi32>
    %slice3A = vector.extract_strided_slice %all_reduce_population_count3A {offsets = [0], sizes = [1], strides = [1]} : vector<16xi32> to vector<1xi32>
    %squeeze3A = vector.extract %slice3A[0] : i32 from vector<1xi32>
    %gt3A = arith.constant 0 : i32
    %gt3A_26 = arith.cmpi sgt, %squeeze3A, %gt3A : i32
    %convert_element_type3A = arith.extui %gt3A_26 : i1 to i32
    %cond3A = arith.constant 0 : i32
    %cond3A_27 = arith.cmpi ne, %convert_element_type3A, %cond3A : i32
    scf.if %cond3A_27 {
      %convert_element_type3A_33 = arith.extui %and3A : vector<16xi1> to vector<16xi32>
      %cumsum3A = arith.constant true
      %cumsum3A_34 = vector.broadcast %cumsum3A : i1 to vector<16xi1>
      %cumsum3A_35 = tpu.scan <sum>, %convert_element_type3A_33 masked %cumsum3A_34 : vector<16xi32>, vector<16xi1> -> vector<16xi32>
      %add3A_36 = arith.addi %scan3A_17, %cumsum3A_35 : vector<16xi32>
      %sub3A = arith.constant 1 : i32
      %sub3A_37 = vector.broadcast %sub3A : i32 to vector<16xi32>
      %sub3A_38 = arith.subi %add3A_36, %sub3A_37 : vector<16xi32>
      tpu.vector_store_idx %arg7[%sub3A_38], %get3A_21 masked %and3A : memref<48xi32, #tpu.memory_space<vmem>>[vector<16xi32>], vector<16xi32>, vector<16xi1>
    } else {
    }
    %add3A_28 = arith.addi %scan3A_17, %all_reduce_population_count3A : vector<16xi32>
    %min3A = arith.constant 16 : i32
    %min3A_29 = vector.broadcast %min3A : i32 to vector<16xi32>
    %min3A_30 = arith.minsi %add3A_28, %min3A_29 : vector<16xi32>
    %swap3A_31 = arith.constant 0 : index
    %swap3A_32 = tpu.vector_load %arg8[%swap3A_31] {strides = array<i32>} : memref<16xi32, #tpu.memory_space<vmem>>, vector<16xi32>,
    tpu.vector_store %arg8[%swap3A_31], %min3A_30 {strides = array<i32>} : memref<16xi32, #tpu.memory_space<vmem>>, vector<16xi32>,
    "tpu.region"() ({
      %run_scoped3A_33 = tpu.sem_alloc : memref<!tpu.dma_semaphore, #tpu.memory_space<semaphore_mem>>
      %dma_start3A = arith.constant 0 : i32
      %dma_start3A_34 = tpu.memref_slice %arg4[%add3A, %dma_start3A] : memref<32x16xi32, #tpu.memory_space<hbm>> -> memref<1x16xi32, #tpu.memory_space<hbm>>
      %dma_start3A_35 = tpu.memref_squeeze %dma_start3A_34 : memref<1x16xi32, #tpu.memory_space<hbm>> -> memref<16xi32, #tpu.memory_space<hbm>>
      %dma_start3A_36 = arith.constant 0 : i32
      %dma_start3A_37 = tpu.memref_slice %arg4[%add3A, %dma_start3A_36] : memref<32x16xi32, #tpu.memory_space<hbm>> -> memref<1x16xi32, #tpu.memory_space<hbm>>
      %dma_start3A_38 = tpu.memref_squeeze %dma_start3A_37 : memref<1x16xi32, #tpu.memory_space<hbm>> -> memref<16xi32, #tpu.memory_space<hbm>>
      tpu.enqueue_dma source(%arg8 : memref<16xi32, #tpu.memory_space<vmem>>) target(%dma_start3A_38 : memref<16xi32, #tpu.memory_space<hbm>>) target_semaphore(%run_scoped3A_33 : memref<!tpu.dma_semaphore, #tpu.memory_space<semaphore_mem>>)
      %dma_wait3A = arith.constant 0 : i32
      %dma_wait3A_39 = tpu.memref_slice %arg4[%add3A, %dma_wait3A] : memref<32x16xi32, #tpu.memory_space<hbm>> -> memref<1x16xi32, #tpu.memory_space<hbm>>
      %dma_wait3A_40 = tpu.memref_squeeze %dma_wait3A_39 : memref<1x16xi32, #tpu.memory_space<hbm>> -> memref<16xi32, #tpu.memory_space<hbm>>
      %dma_wait3A_41 = arith.constant 0 : i32
      %dma_wait3A_42 = tpu.memref_slice %arg4[%add3A, %dma_wait3A_41] : memref<32x16xi32, #tpu.memory_space<hbm>> -> memref<1x16xi32, #tpu.memory_space<hbm>>
      %dma_wait3A_43 = tpu.memref_squeeze %dma_wait3A_42 : memref<1x16xi32, #tpu.memory_space<hbm>> -> memref<16xi32, #tpu.memory_space<hbm>>
      tpu.wait_dma2 semaphore(%run_scoped3A_33 : memref<!tpu.dma_semaphore, #tpu.memory_space<semaphore_mem>>) src(%arg8 : memref<16xi32, #tpu.memory_space<vmem>>) dst(%dma_wait3A_43 : memref<16xi32, #tpu.memory_space<hbm>>)
      tpu.yield
    }) : () -> ()
    "tpu.region"() ({
      %run_scoped3A_33 = tpu.sem_alloc : memref<!tpu.dma_semaphore, #tpu.memory_space<semaphore_mem>>
      %dma_start3A = arith.constant 0 : i32
      %dma_start3A_34 = tpu.memref_slice %arg7[%dma_start3A] : memref<48xi32, #tpu.memory_space<vmem>> -> memref<32xi32, #tpu.memory_space<vmem>>
      %dma_start3A_35 = arith.constant 0 : i32
      %dma_start3A_36 = tpu.memref_slice %arg3[%add3A, %dma_start3A_35] : memref<32x32xi32, #tpu.memory_space<hbm>> -> memref<1x32xi32, #tpu.memory_space<hbm>>
      %dma_start3A_37 = tpu.memref_squeeze %dma_start3A_36 : memref<1x32xi32, #tpu.memory_space<hbm>> -> memref<32xi32, #tpu.memory_space<hbm>>
      %dma_start3A_38 = arith.constant 0 : i32
      %dma_start3A_39 = tpu.memref_slice %arg3[%add3A, %dma_start3A_38] : memref<32x32xi32, #tpu.memory_space<hbm>> -> memref<1x32xi32, #tpu.memory_space<hbm>>
      %dma_start3A_40 = tpu.memref_squeeze %dma_start3A_39 : memref<1x32xi32, #tpu.memory_space<hbm>> -> memref<32xi32, #tpu.memory_space<hbm>>
      %dma_start3A_41 = arith.constant 0 : i32
      %dma_start3A_42 = tpu.memref_slice %arg7[%dma_start3A_41] : memref<48xi32, #tpu.memory_space<vmem>> -> memref<32xi32, #tpu.memory_space<vmem>>
      tpu.enqueue_dma source(%dma_start3A_42 : memref<32xi32, #tpu.memory_space<vmem>>) target(%dma_start3A_40 : memref<32xi32, #tpu.memory_space<hbm>>) target_semaphore(%run_scoped3A_33 : memref<!tpu.dma_semaphore, #tpu.memory_space<semaphore_mem>>)
      %dma_wait3A = arith.constant 0 : i32
      %dma_wait3A_43 = tpu.memref_slice %arg7[%dma_wait3A] : memref<48xi32, #tpu.memory_space<vmem>> -> memref<32xi32, #tpu.memory_space<vmem>>
      %dma_wait3A_44 = arith.constant 0 : i32
      %dma_wait3A_45 = tpu.memref_slice %arg3[%add3A, %dma_wait3A_44] : memref<32x32xi32, #tpu.memory_space<hbm>> -> memref<1x32xi32, #tpu.memory_space<hbm>>
      %dma_wait3A_46 = tpu.memref_squeeze %dma_wait3A_45 : memref<1x32xi32, #tpu.memory_space<hbm>> -> memref<32xi32, #tpu.memory_space<hbm>>
      %dma_wait3A_47 = arith.constant 0 : i32
      %dma_wait3A_48 = tpu.memref_slice %arg3[%add3A, %dma_wait3A_47] : memref<32x32xi32, #tpu.memory_space<hbm>> -> memref<1x32xi32, #tpu.memory_space<hbm>>
      %dma_wait3A_49 = tpu.memref_squeeze %dma_wait3A_48 : memref<1x32xi32, #tpu.memory_space<hbm>> -> memref<32xi32, #tpu.memory_space<hbm>>
      %dma_wait3A_50 = arith.constant 0 : i32
      %dma_wait3A_51 = tpu.memref_slice %arg7[%dma_wait3A_50] : memref<48xi32, #tpu.memory_space<vmem>> -> memref<32xi32, #tpu.memory_space<vmem>>
      tpu.wait_dma2 semaphore(%run_scoped3A_33 : memref<!tpu.dma_semaphore, #tpu.memory_space<semaphore_mem>>) src(%dma_wait3A_51 : memref<32xi32, #tpu.memory_space<vmem>>) dst(%dma_wait3A_49 : memref<32xi32, #tpu.memory_space<hbm>>)
      tpu.yield
    }) : () -> ()
    return
  }
}

#map = affine_map<(d0, d1) -> (0)>
module attributes {stable_mosaic.version = 14 : i64} {
  func.func @_k_mask(%arg0: i32, %arg1: i32, %arg2: memref<50000xi32, #tpu.memory_space<hbm>>, %arg3: memref<1024xi32, #tpu.memory_space<hbm>>, %arg4: memref<50000xi32, #tpu.memory_space<hbm>>, %arg5: memref<50000xi32, #tpu.memory_space<vmem>>, %arg6: memref<1024xi32, #tpu.memory_space<vmem>>) attributes {dimension_semantics = [#tpu.dimension_semantics<core_parallel>, #tpu.dimension_semantics<subcore_parallel>], iteration_bounds = array<i64: 2, 16>, scalar_prefetch = 0 : i64, scratch_operands = 2 : i64, tpu.core_type = #tpu.core_type<sc_vector_subcore>, window_params = [{transform_indices = #map}, {transform_indices = #map}, {transform_indices = #map}]} {
    %mul3A = arith.constant 2 : i32
    %mul3A_0 = arith.muli %arg1, %mul3A : i32
    %add3A = arith.addi %mul3A_0, %arg0 : i32
    %eq3A = arith.constant 0 : i32
    %eq3A_1 = arith.cmpi eq, %add3A, %eq3A : i32
    %convert_element_type3A = arith.extui %eq3A_1 : i1 to i32
    %cond3A = arith.constant 0 : i32
    %cond3A_2 = arith.cmpi ne, %convert_element_type3A, %cond3A : i32
    scf.if %cond3A_2 {
      "tpu.region"() ({
        %run_scoped3A = tpu.sem_alloc : memref<!tpu.dma_semaphore, #tpu.memory_space<semaphore_mem>>
        tpu.enqueue_dma source(%arg2 : memref<50000xi32, #tpu.memory_space<hbm>>) target(%arg5 : memref<50000xi32, #tpu.memory_space<vmem>>) target_semaphore(%run_scoped3A : memref<!tpu.dma_semaphore, #tpu.memory_space<semaphore_mem>>)
        tpu.wait_dma2 semaphore(%run_scoped3A : memref<!tpu.dma_semaphore, #tpu.memory_space<semaphore_mem>>) src(%arg2 : memref<50000xi32, #tpu.memory_space<hbm>>) dst(%arg5 : memref<50000xi32, #tpu.memory_space<vmem>>)
        tpu.yield
      }) : () -> ()
      "tpu.region"() ({
        %run_scoped3A = tpu.sem_alloc : memref<!tpu.dma_semaphore, #tpu.memory_space<semaphore_mem>>
        tpu.enqueue_dma source(%arg3 : memref<1024xi32, #tpu.memory_space<hbm>>) target(%arg6 : memref<1024xi32, #tpu.memory_space<vmem>>) target_semaphore(%run_scoped3A : memref<!tpu.dma_semaphore, #tpu.memory_space<semaphore_mem>>)
        tpu.wait_dma2 semaphore(%run_scoped3A : memref<!tpu.dma_semaphore, #tpu.memory_space<semaphore_mem>>) src(%arg3 : memref<1024xi32, #tpu.memory_space<hbm>>) dst(%arg6 : memref<1024xi32, #tpu.memory_space<vmem>>)
        tpu.yield
      }) : () -> ()
      %broadcast_in_dim3A = arith.constant 1 : i32
      %broadcast_in_dim3A_3 = vector.broadcast %broadcast_in_dim3A : i32 to vector<16xi32>
      %get3A = arith.constant 0 : index
      %get3A_4 = tpu.vector_load %arg6[%get3A] {strides = array<i32>} : memref<1024xi32, #tpu.memory_space<vmem>>, vector<16xi32>,
      tpu.vector_store_idx %arg5[%get3A_4], %broadcast_in_dim3A_3 : memref<50000xi32, #tpu.memory_space<vmem>>[vector<16xi32>], vector<16xi32>,
      %get3A_5 = arith.constant 16 : index
      %get3A_6 = tpu.vector_load %arg6[%get3A_5] {strides = array<i32>} : memref<1024xi32, #tpu.memory_space<vmem>>, vector<16xi32>,
      tpu.vector_store_idx %arg5[%get3A_6], %broadcast_in_dim3A_3 : memref<50000xi32, #tpu.memory_space<vmem>>[vector<16xi32>], vector<16xi32>,
      %get3A_7 = arith.constant 32 : index
      %get3A_8 = tpu.vector_load %arg6[%get3A_7] {strides = array<i32>} : memref<1024xi32, #tpu.memory_space<vmem>>, vector<16xi32>,
      tpu.vector_store_idx %arg5[%get3A_8], %broadcast_in_dim3A_3 : memref<50000xi32, #tpu.memory_space<vmem>>[vector<16xi32>], vector<16xi32>,
      %get3A_9 = arith.constant 48 : index
      %get3A_10 = tpu.vector_load %arg6[%get3A_9] {strides = array<i32>} : memref<1024xi32, #tpu.memory_space<vmem>>, vector<16xi32>,
      tpu.vector_store_idx %arg5[%get3A_10], %broadcast_in_dim3A_3 : memref<50000xi32, #tpu.memory_space<vmem>>[vector<16xi32>], vector<16xi32>,
      %get3A_11 = arith.constant 64 : index
      %get3A_12 = tpu.vector_load %arg6[%get3A_11] {strides = array<i32>} : memref<1024xi32, #tpu.memory_space<vmem>>, vector<16xi32>,
      tpu.vector_store_idx %arg5[%get3A_12], %broadcast_in_dim3A_3 : memref<50000xi32, #tpu.memory_space<vmem>>[vector<16xi32>], vector<16xi32>,
      %get3A_13 = arith.constant 80 : index
      %get3A_14 = tpu.vector_load %arg6[%get3A_13] {strides = array<i32>} : memref<1024xi32, #tpu.memory_space<vmem>>, vector<16xi32>,
      tpu.vector_store_idx %arg5[%get3A_14], %broadcast_in_dim3A_3 : memref<50000xi32, #tpu.memory_space<vmem>>[vector<16xi32>], vector<16xi32>,
      %get3A_15 = arith.constant 96 : index
      %get3A_16 = tpu.vector_load %arg6[%get3A_15] {strides = array<i32>} : memref<1024xi32, #tpu.memory_space<vmem>>, vector<16xi32>,
      tpu.vector_store_idx %arg5[%get3A_16], %broadcast_in_dim3A_3 : memref<50000xi32, #tpu.memory_space<vmem>>[vector<16xi32>], vector<16xi32>,
      %get3A_17 = arith.constant 112 : index
      %get3A_18 = tpu.vector_load %arg6[%get3A_17] {strides = array<i32>} : memref<1024xi32, #tpu.memory_space<vmem>>, vector<16xi32>,
      tpu.vector_store_idx %arg5[%get3A_18], %broadcast_in_dim3A_3 : memref<50000xi32, #tpu.memory_space<vmem>>[vector<16xi32>], vector<16xi32>,
      %get3A_19 = arith.constant 128 : index
      %get3A_20 = tpu.vector_load %arg6[%get3A_19] {strides = array<i32>} : memref<1024xi32, #tpu.memory_space<vmem>>, vector<16xi32>,
      tpu.vector_store_idx %arg5[%get3A_20], %broadcast_in_dim3A_3 : memref<50000xi32, #tpu.memory_space<vmem>>[vector<16xi32>], vector<16xi32>,
      %get3A_21 = arith.constant 144 : index
      %get3A_22 = tpu.vector_load %arg6[%get3A_21] {strides = array<i32>} : memref<1024xi32, #tpu.memory_space<vmem>>, vector<16xi32>,
      tpu.vector_store_idx %arg5[%get3A_22], %broadcast_in_dim3A_3 : memref<50000xi32, #tpu.memory_space<vmem>>[vector<16xi32>], vector<16xi32>,
      %get3A_23 = arith.constant 160 : index
      %get3A_24 = tpu.vector_load %arg6[%get3A_23] {strides = array<i32>} : memref<1024xi32, #tpu.memory_space<vmem>>, vector<16xi32>,
      tpu.vector_store_idx %arg5[%get3A_24], %broadcast_in_dim3A_3 : memref<50000xi32, #tpu.memory_space<vmem>>[vector<16xi32>], vector<16xi32>,
      %get3A_25 = arith.constant 176 : index
      %get3A_26 = tpu.vector_load %arg6[%get3A_25] {strides = array<i32>} : memref<1024xi32, #tpu.memory_space<vmem>>, vector<16xi32>,
      tpu.vector_store_idx %arg5[%get3A_26], %broadcast_in_dim3A_3 : memref<50000xi32, #tpu.memory_space<vmem>>[vector<16xi32>], vector<16xi32>,
      %get3A_27 = arith.constant 192 : index
      %get3A_28 = tpu.vector_load %arg6[%get3A_27] {strides = array<i32>} : memref<1024xi32, #tpu.memory_space<vmem>>, vector<16xi32>,
      tpu.vector_store_idx %arg5[%get3A_28], %broadcast_in_dim3A_3 : memref<50000xi32, #tpu.memory_space<vmem>>[vector<16xi32>], vector<16xi32>,
      %get3A_29 = arith.constant 208 : index
      %get3A_30 = tpu.vector_load %arg6[%get3A_29] {strides = array<i32>} : memref<1024xi32, #tpu.memory_space<vmem>>, vector<16xi32>,
      tpu.vector_store_idx %arg5[%get3A_30], %broadcast_in_dim3A_3 : memref<50000xi32, #tpu.memory_space<vmem>>[vector<16xi32>], vector<16xi32>,
      %get3A_31 = arith.constant 224 : index
      %get3A_32 = tpu.vector_load %arg6[%get3A_31] {strides = array<i32>} : memref<1024xi32, #tpu.memory_space<vmem>>, vector<16xi32>,
      tpu.vector_store_idx %arg5[%get3A_32], %broadcast_in_dim3A_3 : memref<50000xi32, #tpu.memory_space<vmem>>[vector<16xi32>], vector<16xi32>,
      %get3A_33 = arith.constant 240 : index
      %get3A_34 = tpu.vector_load %arg6[%get3A_33] {strides = array<i32>} : memref<1024xi32, #tpu.memory_space<vmem>>, vector<16xi32>,
      tpu.vector_store_idx %arg5[%get3A_34], %broadcast_in_dim3A_3 : memref<50000xi32, #tpu.memory_space<vmem>>[vector<16xi32>], vector<16xi32>,
      %get3A_35 = arith.constant 256 : index
      %get3A_36 = tpu.vector_load %arg6[%get3A_35] {strides = array<i32>} : memref<1024xi32, #tpu.memory_space<vmem>>, vector<16xi32>,
      tpu.vector_store_idx %arg5[%get3A_36], %broadcast_in_dim3A_3 : memref<50000xi32, #tpu.memory_space<vmem>>[vector<16xi32>], vector<16xi32>,
      %get3A_37 = arith.constant 272 : index
      %get3A_38 = tpu.vector_load %arg6[%get3A_37] {strides = array<i32>} : memref<1024xi32, #tpu.memory_space<vmem>>, vector<16xi32>,
      tpu.vector_store_idx %arg5[%get3A_38], %broadcast_in_dim3A_3 : memref<50000xi32, #tpu.memory_space<vmem>>[vector<16xi32>], vector<16xi32>,
      %get3A_39 = arith.constant 288 : index
      %get3A_40 = tpu.vector_load %arg6[%get3A_39] {strides = array<i32>} : memref<1024xi32, #tpu.memory_space<vmem>>, vector<16xi32>,
      tpu.vector_store_idx %arg5[%get3A_40], %broadcast_in_dim3A_3 : memref<50000xi32, #tpu.memory_space<vmem>>[vector<16xi32>], vector<16xi32>,
      %get3A_41 = arith.constant 304 : index
      %get3A_42 = tpu.vector_load %arg6[%get3A_41] {strides = array<i32>} : memref<1024xi32, #tpu.memory_space<vmem>>, vector<16xi32>,
      tpu.vector_store_idx %arg5[%get3A_42], %broadcast_in_dim3A_3 : memref<50000xi32, #tpu.memory_space<vmem>>[vector<16xi32>], vector<16xi32>,
      %get3A_43 = arith.constant 320 : index
      %get3A_44 = tpu.vector_load %arg6[%get3A_43] {strides = array<i32>} : memref<1024xi32, #tpu.memory_space<vmem>>, vector<16xi32>,
      tpu.vector_store_idx %arg5[%get3A_44], %broadcast_in_dim3A_3 : memref<50000xi32, #tpu.memory_space<vmem>>[vector<16xi32>], vector<16xi32>,
      %get3A_45 = arith.constant 336 : index
      %get3A_46 = tpu.vector_load %arg6[%get3A_45] {strides = array<i32>} : memref<1024xi32, #tpu.memory_space<vmem>>, vector<16xi32>,
      tpu.vector_store_idx %arg5[%get3A_46], %broadcast_in_dim3A_3 : memref<50000xi32, #tpu.memory_space<vmem>>[vector<16xi32>], vector<16xi32>,
      %get3A_47 = arith.constant 352 : index
      %get3A_48 = tpu.vector_load %arg6[%get3A_47] {strides = array<i32>} : memref<1024xi32, #tpu.memory_space<vmem>>, vector<16xi32>,
      tpu.vector_store_idx %arg5[%get3A_48], %broadcast_in_dim3A_3 : memref<50000xi32, #tpu.memory_space<vmem>>[vector<16xi32>], vector<16xi32>,
      %get3A_49 = arith.constant 368 : index
      %get3A_50 = tpu.vector_load %arg6[%get3A_49] {strides = array<i32>} : memref<1024xi32, #tpu.memory_space<vmem>>, vector<16xi32>,
      tpu.vector_store_idx %arg5[%get3A_50], %broadcast_in_dim3A_3 : memref<50000xi32, #tpu.memory_space<vmem>>[vector<16xi32>], vector<16xi32>,
      %get3A_51 = arith.constant 384 : index
      %get3A_52 = tpu.vector_load %arg6[%get3A_51] {strides = array<i32>} : memref<1024xi32, #tpu.memory_space<vmem>>, vector<16xi32>,
      tpu.vector_store_idx %arg5[%get3A_52], %broadcast_in_dim3A_3 : memref<50000xi32, #tpu.memory_space<vmem>>[vector<16xi32>], vector<16xi32>,
      %get3A_53 = arith.constant 400 : index
      %get3A_54 = tpu.vector_load %arg6[%get3A_53] {strides = array<i32>} : memref<1024xi32, #tpu.memory_space<vmem>>, vector<16xi32>,
      tpu.vector_store_idx %arg5[%get3A_54], %broadcast_in_dim3A_3 : memref<50000xi32, #tpu.memory_space<vmem>>[vector<16xi32>], vector<16xi32>,
      %get3A_55 = arith.constant 416 : index
      %get3A_56 = tpu.vector_load %arg6[%get3A_55] {strides = array<i32>} : memref<1024xi32, #tpu.memory_space<vmem>>, vector<16xi32>,
      tpu.vector_store_idx %arg5[%get3A_56], %broadcast_in_dim3A_3 : memref<50000xi32, #tpu.memory_space<vmem>>[vector<16xi32>], vector<16xi32>,
      %get3A_57 = arith.constant 432 : index
      %get3A_58 = tpu.vector_load %arg6[%get3A_57] {strides = array<i32>} : memref<1024xi32, #tpu.memory_space<vmem>>, vector<16xi32>,
      tpu.vector_store_idx %arg5[%get3A_58], %broadcast_in_dim3A_3 : memref<50000xi32, #tpu.memory_space<vmem>>[vector<16xi32>], vector<16xi32>,
      %get3A_59 = arith.constant 448 : index
      %get3A_60 = tpu.vector_load %arg6[%get3A_59] {strides = array<i32>} : memref<1024xi32, #tpu.memory_space<vmem>>, vector<16xi32>,
      tpu.vector_store_idx %arg5[%get3A_60], %broadcast_in_dim3A_3 : memref<50000xi32, #tpu.memory_space<vmem>>[vector<16xi32>], vector<16xi32>,
      %get3A_61 = arith.constant 464 : index
      %get3A_62 = tpu.vector_load %arg6[%get3A_61] {strides = array<i32>} : memref<1024xi32, #tpu.memory_space<vmem>>, vector<16xi32>,
      tpu.vector_store_idx %arg5[%get3A_62], %broadcast_in_dim3A_3 : memref<50000xi32, #tpu.memory_space<vmem>>[vector<16xi32>], vector<16xi32>,
      %get3A_63 = arith.constant 480 : index
      %get3A_64 = tpu.vector_load %arg6[%get3A_63] {strides = array<i32>} : memref<1024xi32, #tpu.memory_space<vmem>>, vector<16xi32>,
      tpu.vector_store_idx %arg5[%get3A_64], %broadcast_in_dim3A_3 : memref<50000xi32, #tpu.memory_space<vmem>>[vector<16xi32>], vector<16xi32>,
      %get3A_65 = arith.constant 496 : index
      %get3A_66 = tpu.vector_load %arg6[%get3A_65] {strides = array<i32>} : memref<1024xi32, #tpu.memory_space<vmem>>, vector<16xi32>,
      tpu.vector_store_idx %arg5[%get3A_66], %broadcast_in_dim3A_3 : memref<50000xi32, #tpu.memory_space<vmem>>[vector<16xi32>], vector<16xi32>,
      %get3A_67 = arith.constant 512 : index
      %get3A_68 = tpu.vector_load %arg6[%get3A_67] {strides = array<i32>} : memref<1024xi32, #tpu.memory_space<vmem>>, vector<16xi32>,
      tpu.vector_store_idx %arg5[%get3A_68], %broadcast_in_dim3A_3 : memref<50000xi32, #tpu.memory_space<vmem>>[vector<16xi32>], vector<16xi32>,
      %get3A_69 = arith.constant 528 : index
      %get3A_70 = tpu.vector_load %arg6[%get3A_69] {strides = array<i32>} : memref<1024xi32, #tpu.memory_space<vmem>>, vector<16xi32>,
      tpu.vector_store_idx %arg5[%get3A_70], %broadcast_in_dim3A_3 : memref<50000xi32, #tpu.memory_space<vmem>>[vector<16xi32>], vector<16xi32>,
      %get3A_71 = arith.constant 544 : index
      %get3A_72 = tpu.vector_load %arg6[%get3A_71] {strides = array<i32>} : memref<1024xi32, #tpu.memory_space<vmem>>, vector<16xi32>,
      tpu.vector_store_idx %arg5[%get3A_72], %broadcast_in_dim3A_3 : memref<50000xi32, #tpu.memory_space<vmem>>[vector<16xi32>], vector<16xi32>,
      %get3A_73 = arith.constant 560 : index
      %get3A_74 = tpu.vector_load %arg6[%get3A_73] {strides = array<i32>} : memref<1024xi32, #tpu.memory_space<vmem>>, vector<16xi32>,
      tpu.vector_store_idx %arg5[%get3A_74], %broadcast_in_dim3A_3 : memref<50000xi32, #tpu.memory_space<vmem>>[vector<16xi32>], vector<16xi32>,
      %get3A_75 = arith.constant 576 : index
      %get3A_76 = tpu.vector_load %arg6[%get3A_75] {strides = array<i32>} : memref<1024xi32, #tpu.memory_space<vmem>>, vector<16xi32>,
      tpu.vector_store_idx %arg5[%get3A_76], %broadcast_in_dim3A_3 : memref<50000xi32, #tpu.memory_space<vmem>>[vector<16xi32>], vector<16xi32>,
      %get3A_77 = arith.constant 592 : index
      %get3A_78 = tpu.vector_load %arg6[%get3A_77] {strides = array<i32>} : memref<1024xi32, #tpu.memory_space<vmem>>, vector<16xi32>,
      tpu.vector_store_idx %arg5[%get3A_78], %broadcast_in_dim3A_3 : memref<50000xi32, #tpu.memory_space<vmem>>[vector<16xi32>], vector<16xi32>,
      %get3A_79 = arith.constant 608 : index
      %get3A_80 = tpu.vector_load %arg6[%get3A_79] {strides = array<i32>} : memref<1024xi32, #tpu.memory_space<vmem>>, vector<16xi32>,
      tpu.vector_store_idx %arg5[%get3A_80], %broadcast_in_dim3A_3 : memref<50000xi32, #tpu.memory_space<vmem>>[vector<16xi32>], vector<16xi32>,
      %get3A_81 = arith.constant 624 : index
      %get3A_82 = tpu.vector_load %arg6[%get3A_81] {strides = array<i32>} : memref<1024xi32, #tpu.memory_space<vmem>>, vector<16xi32>,
      tpu.vector_store_idx %arg5[%get3A_82], %broadcast_in_dim3A_3 : memref<50000xi32, #tpu.memory_space<vmem>>[vector<16xi32>], vector<16xi32>,
      %get3A_83 = arith.constant 640 : index
      %get3A_84 = tpu.vector_load %arg6[%get3A_83] {strides = array<i32>} : memref<1024xi32, #tpu.memory_space<vmem>>, vector<16xi32>,
      tpu.vector_store_idx %arg5[%get3A_84], %broadcast_in_dim3A_3 : memref<50000xi32, #tpu.memory_space<vmem>>[vector<16xi32>], vector<16xi32>,
      %get3A_85 = arith.constant 656 : index
      %get3A_86 = tpu.vector_load %arg6[%get3A_85] {strides = array<i32>} : memref<1024xi32, #tpu.memory_space<vmem>>, vector<16xi32>,
      tpu.vector_store_idx %arg5[%get3A_86], %broadcast_in_dim3A_3 : memref<50000xi32, #tpu.memory_space<vmem>>[vector<16xi32>], vector<16xi32>,
      %get3A_87 = arith.constant 672 : index
      %get3A_88 = tpu.vector_load %arg6[%get3A_87] {strides = array<i32>} : memref<1024xi32, #tpu.memory_space<vmem>>, vector<16xi32>,
      tpu.vector_store_idx %arg5[%get3A_88], %broadcast_in_dim3A_3 : memref<50000xi32, #tpu.memory_space<vmem>>[vector<16xi32>], vector<16xi32>,
      %get3A_89 = arith.constant 688 : index
      %get3A_90 = tpu.vector_load %arg6[%get3A_89] {strides = array<i32>} : memref<1024xi32, #tpu.memory_space<vmem>>, vector<16xi32>,
      tpu.vector_store_idx %arg5[%get3A_90], %broadcast_in_dim3A_3 : memref<50000xi32, #tpu.memory_space<vmem>>[vector<16xi32>], vector<16xi32>,
      %get3A_91 = arith.constant 704 : index
      %get3A_92 = tpu.vector_load %arg6[%get3A_91] {strides = array<i32>} : memref<1024xi32, #tpu.memory_space<vmem>>, vector<16xi32>,
      tpu.vector_store_idx %arg5[%get3A_92], %broadcast_in_dim3A_3 : memref<50000xi32, #tpu.memory_space<vmem>>[vector<16xi32>], vector<16xi32>,
      %get3A_93 = arith.constant 720 : index
      %get3A_94 = tpu.vector_load %arg6[%get3A_93] {strides = array<i32>} : memref<1024xi32, #tpu.memory_space<vmem>>, vector<16xi32>,
      tpu.vector_store_idx %arg5[%get3A_94], %broadcast_in_dim3A_3 : memref<50000xi32, #tpu.memory_space<vmem>>[vector<16xi32>], vector<16xi32>,
      %get3A_95 = arith.constant 736 : index
      %get3A_96 = tpu.vector_load %arg6[%get3A_95] {strides = array<i32>} : memref<1024xi32, #tpu.memory_space<vmem>>, vector<16xi32>,
      tpu.vector_store_idx %arg5[%get3A_96], %broadcast_in_dim3A_3 : memref<50000xi32, #tpu.memory_space<vmem>>[vector<16xi32>], vector<16xi32>,
      %get3A_97 = arith.constant 752 : index
      %get3A_98 = tpu.vector_load %arg6[%get3A_97] {strides = array<i32>} : memref<1024xi32, #tpu.memory_space<vmem>>, vector<16xi32>,
      tpu.vector_store_idx %arg5[%get3A_98], %broadcast_in_dim3A_3 : memref<50000xi32, #tpu.memory_space<vmem>>[vector<16xi32>], vector<16xi32>,
      %get3A_99 = arith.constant 768 : index
      %get3A_100 = tpu.vector_load %arg6[%get3A_99] {strides = array<i32>} : memref<1024xi32, #tpu.memory_space<vmem>>, vector<16xi32>,
      tpu.vector_store_idx %arg5[%get3A_100], %broadcast_in_dim3A_3 : memref<50000xi32, #tpu.memory_space<vmem>>[vector<16xi32>], vector<16xi32>,
      %get3A_101 = arith.constant 784 : index
      %get3A_102 = tpu.vector_load %arg6[%get3A_101] {strides = array<i32>} : memref<1024xi32, #tpu.memory_space<vmem>>, vector<16xi32>,
      tpu.vector_store_idx %arg5[%get3A_102], %broadcast_in_dim3A_3 : memref<50000xi32, #tpu.memory_space<vmem>>[vector<16xi32>], vector<16xi32>,
      %get3A_103 = arith.constant 800 : index
      %get3A_104 = tpu.vector_load %arg6[%get3A_103] {strides = array<i32>} : memref<1024xi32, #tpu.memory_space<vmem>>, vector<16xi32>,
      tpu.vector_store_idx %arg5[%get3A_104], %broadcast_in_dim3A_3 : memref<50000xi32, #tpu.memory_space<vmem>>[vector<16xi32>], vector<16xi32>,
      %get3A_105 = arith.constant 816 : index
      %get3A_106 = tpu.vector_load %arg6[%get3A_105] {strides = array<i32>} : memref<1024xi32, #tpu.memory_space<vmem>>, vector<16xi32>,
      tpu.vector_store_idx %arg5[%get3A_106], %broadcast_in_dim3A_3 : memref<50000xi32, #tpu.memory_space<vmem>>[vector<16xi32>], vector<16xi32>,
      %get3A_107 = arith.constant 832 : index
      %get3A_108 = tpu.vector_load %arg6[%get3A_107] {strides = array<i32>} : memref<1024xi32, #tpu.memory_space<vmem>>, vector<16xi32>,
      tpu.vector_store_idx %arg5[%get3A_108], %broadcast_in_dim3A_3 : memref<50000xi32, #tpu.memory_space<vmem>>[vector<16xi32>], vector<16xi32>,
      %get3A_109 = arith.constant 848 : index
      %get3A_110 = tpu.vector_load %arg6[%get3A_109] {strides = array<i32>} : memref<1024xi32, #tpu.memory_space<vmem>>, vector<16xi32>,
      tpu.vector_store_idx %arg5[%get3A_110], %broadcast_in_dim3A_3 : memref<50000xi32, #tpu.memory_space<vmem>>[vector<16xi32>], vector<16xi32>,
      %get3A_111 = arith.constant 864 : index
      %get3A_112 = tpu.vector_load %arg6[%get3A_111] {strides = array<i32>} : memref<1024xi32, #tpu.memory_space<vmem>>, vector<16xi32>,
      tpu.vector_store_idx %arg5[%get3A_112], %broadcast_in_dim3A_3 : memref<50000xi32, #tpu.memory_space<vmem>>[vector<16xi32>], vector<16xi32>,
      %get3A_113 = arith.constant 880 : index
      %get3A_114 = tpu.vector_load %arg6[%get3A_113] {strides = array<i32>} : memref<1024xi32, #tpu.memory_space<vmem>>, vector<16xi32>,
      tpu.vector_store_idx %arg5[%get3A_114], %broadcast_in_dim3A_3 : memref<50000xi32, #tpu.memory_space<vmem>>[vector<16xi32>], vector<16xi32>,
      %get3A_115 = arith.constant 896 : index
      %get3A_116 = tpu.vector_load %arg6[%get3A_115] {strides = array<i32>} : memref<1024xi32, #tpu.memory_space<vmem>>, vector<16xi32>,
      tpu.vector_store_idx %arg5[%get3A_116], %broadcast_in_dim3A_3 : memref<50000xi32, #tpu.memory_space<vmem>>[vector<16xi32>], vector<16xi32>,
      %get3A_117 = arith.constant 912 : index
      %get3A_118 = tpu.vector_load %arg6[%get3A_117] {strides = array<i32>} : memref<1024xi32, #tpu.memory_space<vmem>>, vector<16xi32>,
      tpu.vector_store_idx %arg5[%get3A_118], %broadcast_in_dim3A_3 : memref<50000xi32, #tpu.memory_space<vmem>>[vector<16xi32>], vector<16xi32>,
      %get3A_119 = arith.constant 928 : index
      %get3A_120 = tpu.vector_load %arg6[%get3A_119] {strides = array<i32>} : memref<1024xi32, #tpu.memory_space<vmem>>, vector<16xi32>,
      tpu.vector_store_idx %arg5[%get3A_120], %broadcast_in_dim3A_3 : memref<50000xi32, #tpu.memory_space<vmem>>[vector<16xi32>], vector<16xi32>,
      %get3A_121 = arith.constant 944 : index
      %get3A_122 = tpu.vector_load %arg6[%get3A_121] {strides = array<i32>} : memref<1024xi32, #tpu.memory_space<vmem>>, vector<16xi32>,
      tpu.vector_store_idx %arg5[%get3A_122], %broadcast_in_dim3A_3 : memref<50000xi32, #tpu.memory_space<vmem>>[vector<16xi32>], vector<16xi32>,
      %get3A_123 = arith.constant 960 : index
      %get3A_124 = tpu.vector_load %arg6[%get3A_123] {strides = array<i32>} : memref<1024xi32, #tpu.memory_space<vmem>>, vector<16xi32>,
      tpu.vector_store_idx %arg5[%get3A_124], %broadcast_in_dim3A_3 : memref<50000xi32, #tpu.memory_space<vmem>>[vector<16xi32>], vector<16xi32>,
      %get3A_125 = arith.constant 976 : index
      %get3A_126 = tpu.vector_load %arg6[%get3A_125] {strides = array<i32>} : memref<1024xi32, #tpu.memory_space<vmem>>, vector<16xi32>,
      tpu.vector_store_idx %arg5[%get3A_126], %broadcast_in_dim3A_3 : memref<50000xi32, #tpu.memory_space<vmem>>[vector<16xi32>], vector<16xi32>,
      %get3A_127 = arith.constant 992 : index
      %get3A_128 = tpu.vector_load %arg6[%get3A_127] {strides = array<i32>} : memref<1024xi32, #tpu.memory_space<vmem>>, vector<16xi32>,
      tpu.vector_store_idx %arg5[%get3A_128], %broadcast_in_dim3A_3 : memref<50000xi32, #tpu.memory_space<vmem>>[vector<16xi32>], vector<16xi32>,
      %get3A_129 = arith.constant 1008 : index
      %get3A_130 = tpu.vector_load %arg6[%get3A_129] {strides = array<i32>} : memref<1024xi32, #tpu.memory_space<vmem>>, vector<16xi32>,
      tpu.vector_store_idx %arg5[%get3A_130], %broadcast_in_dim3A_3 : memref<50000xi32, #tpu.memory_space<vmem>>[vector<16xi32>], vector<16xi32>,
      "tpu.region"() ({
        %run_scoped3A = tpu.sem_alloc : memref<!tpu.dma_semaphore, #tpu.memory_space<semaphore_mem>>
        tpu.enqueue_dma source(%arg5 : memref<50000xi32, #tpu.memory_space<vmem>>) target(%arg4 : memref<50000xi32, #tpu.memory_space<hbm>>) target_semaphore(%run_scoped3A : memref<!tpu.dma_semaphore, #tpu.memory_space<semaphore_mem>>)
        tpu.wait_dma2 semaphore(%run_scoped3A : memref<!tpu.dma_semaphore, #tpu.memory_space<semaphore_mem>>) src(%arg5 : memref<50000xi32, #tpu.memory_space<vmem>>) dst(%arg4 : memref<50000xi32, #tpu.memory_space<hbm>>)
        tpu.yield
      }) : () -> ()
    } else {
    }
    return
  }
}

#map = affine_map<(d0, d1) -> (0, 0)>
#map1 = affine_map<(d0, d1) -> (0)>
module attributes {stable_mosaic.version = 14 : i64} {
  func.func @_k_scan_mask(%arg0: i32, %arg1: i32, %arg2: memref<2x800000xi32, #tpu.memory_space<hbm>>, %arg3: memref<50000xi32, #tpu.memory_space<hbm>>, %arg4: memref<50000xi32, #tpu.memory_space<hbm>>, %arg5: memref<100000x32xf32, #tpu.memory_space<hbm>>, %arg6: memref<32x128xi32, #tpu.memory_space<hbm>>, %arg7: memref<32x16xi32, #tpu.memory_space<hbm>>, %arg8: memref<4096x32xf32, #tpu.memory_space<hbm>>, %arg9: memref<4096x32xf32, #tpu.memory_space<hbm>>, %arg10: memref<50000xi32, #tpu.memory_space<vmem>>, %arg11: memref<25008xi32, #tpu.memory_space<vmem>>, %arg12: memref<25008xi32, #tpu.memory_space<vmem>>, %arg13: memref<160xi32, #tpu.memory_space<vmem>>, %arg14: memref<160xi32, #tpu.memory_space<vmem>>, %arg15: memref<16xi32, #tpu.memory_space<vmem>>, %arg16: memref<128xi32, #tpu.memory_space<vmem>>, %arg17: memref<128xi32, #tpu.memory_space<vmem>>, %arg18: memref<128x32xf32, #tpu.memory_space<vmem>>, %arg19: memref<!tpu.dma_semaphore, #tpu.memory_space<semaphore_mem>>) attributes {dimension_semantics = [#tpu.dimension_semantics<core_parallel>, #tpu.dimension_semantics<subcore_parallel>], iteration_bounds = array<i64: 2, 16>, scalar_prefetch = 0 : i64, scratch_operands = 10 : i64, tpu.core_type = #tpu.core_type<sc_vector_subcore>, window_params = [{transform_indices = #map}, {transform_indices = #map1}, {transform_indices = #map1}, {transform_indices = #map}, {transform_indices = #map}, {transform_indices = #map}, {transform_indices = #map}, {transform_indices = #map}]} {
    %mul3A = arith.constant 2 : i32
    %mul3A_0 = arith.muli %arg1, %mul3A : i32
    %add3A = arith.addi %mul3A_0, %arg0 : i32
    "tpu.region"() ({
      %run_scoped3A_170 = tpu.sem_alloc : memref<!tpu.dma_semaphore, #tpu.memory_space<semaphore_mem>>
      tpu.enqueue_dma source(%arg3 : memref<50000xi32, #tpu.memory_space<hbm>>) target(%arg10 : memref<50000xi32, #tpu.memory_space<vmem>>) target_semaphore(%run_scoped3A_170 : memref<!tpu.dma_semaphore, #tpu.memory_space<semaphore_mem>>)
      tpu.wait_dma2 semaphore(%run_scoped3A_170 : memref<!tpu.dma_semaphore, #tpu.memory_space<semaphore_mem>>) src(%arg3 : memref<50000xi32, #tpu.memory_space<hbm>>) dst(%arg10 : memref<50000xi32, #tpu.memory_space<vmem>>)
      tpu.yield
    }) : () -> ()
    %mul3A_1 = arith.constant 25000 : i32
    %mul3A_2 = arith.muli %add3A, %mul3A_1 : i32
    %run_scoped3A = arith.constant 1 : i32
    "tpu.region"() ({
      %run_scoped3A_170 = tpu.sem_alloc : memref<!tpu.dma_semaphore, #tpu.memory_space<semaphore_mem>>
      %dma_start3A_171 = arith.constant 0 : i32
      %dma_start3A_172 = tpu.memref_slice %arg11[%dma_start3A_171] : memref<25008xi32, #tpu.memory_space<vmem>> -> memref<25000xi32, #tpu.memory_space<vmem>>
      %dma_start3A_173 = tpu.memref_slice %arg2[%run_scoped3A, %mul3A_2] : memref<2x800000xi32, #tpu.memory_space<hbm>> -> memref<1x25000xi32, #tpu.memory_space<hbm>>
      %dma_start3A_174 = tpu.memref_squeeze %dma_start3A_173 : memref<1x25000xi32, #tpu.memory_space<hbm>> -> memref<25000xi32, #tpu.memory_space<hbm>>
      %dma_start3A_175 = arith.constant 0 : i32
      %dma_start3A_176 = tpu.memref_slice %arg11[%dma_start3A_175] : memref<25008xi32, #tpu.memory_space<vmem>> -> memref<25000xi32, #tpu.memory_space<vmem>>
      %dma_start3A_177 = tpu.memref_slice %arg2[%run_scoped3A, %mul3A_2] : memref<2x800000xi32, #tpu.memory_space<hbm>> -> memref<1x25000xi32, #tpu.memory_space<hbm>>
      %dma_start3A_178 = tpu.memref_squeeze %dma_start3A_177 : memref<1x25000xi32, #tpu.memory_space<hbm>> -> memref<25000xi32, #tpu.memory_space<hbm>>
      tpu.enqueue_dma source(%dma_start3A_178 : memref<25000xi32, #tpu.memory_space<hbm>>) target(%dma_start3A_176 : memref<25000xi32, #tpu.memory_space<vmem>>) target_semaphore(%run_scoped3A_170 : memref<!tpu.dma_semaphore, #tpu.memory_space<semaphore_mem>>)
      %dma_wait3A_179 = arith.constant 0 : i32
      %dma_wait3A_180 = tpu.memref_slice %arg11[%dma_wait3A_179] : memref<25008xi32, #tpu.memory_space<vmem>> -> memref<25000xi32, #tpu.memory_space<vmem>>
      %dma_wait3A_181 = tpu.memref_slice %arg2[%run_scoped3A, %mul3A_2] : memref<2x800000xi32, #tpu.memory_space<hbm>> -> memref<1x25000xi32, #tpu.memory_space<hbm>>
      %dma_wait3A_182 = tpu.memref_squeeze %dma_wait3A_181 : memref<1x25000xi32, #tpu.memory_space<hbm>> -> memref<25000xi32, #tpu.memory_space<hbm>>
      %dma_wait3A_183 = arith.constant 0 : i32
      %dma_wait3A_184 = tpu.memref_slice %arg11[%dma_wait3A_183] : memref<25008xi32, #tpu.memory_space<vmem>> -> memref<25000xi32, #tpu.memory_space<vmem>>
      %dma_wait3A_185 = tpu.memref_slice %arg2[%run_scoped3A, %mul3A_2] : memref<2x800000xi32, #tpu.memory_space<hbm>> -> memref<1x25000xi32, #tpu.memory_space<hbm>>
      %dma_wait3A_186 = tpu.memref_squeeze %dma_wait3A_185 : memref<1x25000xi32, #tpu.memory_space<hbm>> -> memref<25000xi32, #tpu.memory_space<hbm>>
      tpu.wait_dma2 semaphore(%run_scoped3A_170 : memref<!tpu.dma_semaphore, #tpu.memory_space<semaphore_mem>>) src(%dma_wait3A_186 : memref<25000xi32, #tpu.memory_space<hbm>>) dst(%dma_wait3A_184 : memref<25000xi32, #tpu.memory_space<vmem>>)
      tpu.yield
    }) : () -> ()
    %mul3A_3 = arith.constant 25000 : i32
    %mul3A_4 = arith.muli %add3A, %mul3A_3 : i32
    %run_scoped3A_5 = arith.constant 0 : i32
    "tpu.region"() ({
      %run_scoped3A_170 = tpu.sem_alloc : memref<!tpu.dma_semaphore, #tpu.memory_space<semaphore_mem>>
      %dma_start3A_171 = arith.constant 0 : i32
      %dma_start3A_172 = tpu.memref_slice %arg12[%dma_start3A_171] : memref<25008xi32, #tpu.memory_space<vmem>> -> memref<25000xi32, #tpu.memory_space<vmem>>
      %dma_start3A_173 = tpu.memref_slice %arg2[%run_scoped3A_5, %mul3A_4] : memref<2x800000xi32, #tpu.memory_space<hbm>> -> memref<1x25000xi32, #tpu.memory_space<hbm>>
      %dma_start3A_174 = tpu.memref_squeeze %dma_start3A_173 : memref<1x25000xi32, #tpu.memory_space<hbm>> -> memref<25000xi32, #tpu.memory_space<hbm>>
      %dma_start3A_175 = arith.constant 0 : i32
      %dma_start3A_176 = tpu.memref_slice %arg12[%dma_start3A_175] : memref<25008xi32, #tpu.memory_space<vmem>> -> memref<25000xi32, #tpu.memory_space<vmem>>
      %dma_start3A_177 = tpu.memref_slice %arg2[%run_scoped3A_5, %mul3A_4] : memref<2x800000xi32, #tpu.memory_space<hbm>> -> memref<1x25000xi32, #tpu.memory_space<hbm>>
      %dma_start3A_178 = tpu.memref_squeeze %dma_start3A_177 : memref<1x25000xi32, #tpu.memory_space<hbm>> -> memref<25000xi32, #tpu.memory_space<hbm>>
      tpu.enqueue_dma source(%dma_start3A_178 : memref<25000xi32, #tpu.memory_space<hbm>>) target(%dma_start3A_176 : memref<25000xi32, #tpu.memory_space<vmem>>) target_semaphore(%run_scoped3A_170 : memref<!tpu.dma_semaphore, #tpu.memory_space<semaphore_mem>>)
      %dma_wait3A_179 = arith.constant 0 : i32
      %dma_wait3A_180 = tpu.memref_slice %arg12[%dma_wait3A_179] : memref<25008xi32, #tpu.memory_space<vmem>> -> memref<25000xi32, #tpu.memory_space<vmem>>
      %dma_wait3A_181 = tpu.memref_slice %arg2[%run_scoped3A_5, %mul3A_4] : memref<2x800000xi32, #tpu.memory_space<hbm>> -> memref<1x25000xi32, #tpu.memory_space<hbm>>
      %dma_wait3A_182 = tpu.memref_squeeze %dma_wait3A_181 : memref<1x25000xi32, #tpu.memory_space<hbm>> -> memref<25000xi32, #tpu.memory_space<hbm>>
      %dma_wait3A_183 = arith.constant 0 : i32
      %dma_wait3A_184 = tpu.memref_slice %arg12[%dma_wait3A_183] : memref<25008xi32, #tpu.memory_space<vmem>> -> memref<25000xi32, #tpu.memory_space<vmem>>
      %dma_wait3A_185 = tpu.memref_slice %arg2[%run_scoped3A_5, %mul3A_4] : memref<2x800000xi32, #tpu.memory_space<hbm>> -> memref<1x25000xi32, #tpu.memory_space<hbm>>
      %dma_wait3A_186 = tpu.memref_squeeze %dma_wait3A_185 : memref<1x25000xi32, #tpu.memory_space<hbm>> -> memref<25000xi32, #tpu.memory_space<hbm>>
      tpu.wait_dma2 semaphore(%run_scoped3A_170 : memref<!tpu.dma_semaphore, #tpu.memory_space<semaphore_mem>>) src(%dma_wait3A_186 : memref<25000xi32, #tpu.memory_space<hbm>>) dst(%dma_wait3A_184 : memref<25000xi32, #tpu.memory_space<vmem>>)
      tpu.yield
    }) : () -> ()
    %broadcast_in_dim3A = arith.constant 49999 : i32
    %broadcast_in_dim3A_6 = vector.broadcast %broadcast_in_dim3A : i32 to vector<16xi32>
    %swap3A = arith.constant 0 : index
    %swap3A_7 = tpu.vector_load %arg13[%swap3A] {strides = array<i32>} : memref<160xi32, #tpu.memory_space<vmem>>, vector<16xi32>,
    tpu.vector_store %arg13[%swap3A], %broadcast_in_dim3A_6 {strides = array<i32>} : memref<160xi32, #tpu.memory_space<vmem>>, vector<16xi32>,
    %swap3A_8 = arith.constant 16 : index
    %swap3A_9 = tpu.vector_load %arg13[%swap3A_8] {strides = array<i32>} : memref<160xi32, #tpu.memory_space<vmem>>, vector<16xi32>,
    tpu.vector_store %arg13[%swap3A_8], %broadcast_in_dim3A_6 {strides = array<i32>} : memref<160xi32, #tpu.memory_space<vmem>>, vector<16xi32>,
    %swap3A_10 = arith.constant 32 : index
    %swap3A_11 = tpu.vector_load %arg13[%swap3A_10] {strides = array<i32>} : memref<160xi32, #tpu.memory_space<vmem>>, vector<16xi32>,
    tpu.vector_store %arg13[%swap3A_10], %broadcast_in_dim3A_6 {strides = array<i32>} : memref<160xi32, #tpu.memory_space<vmem>>, vector<16xi32>,
    %swap3A_12 = arith.constant 48 : index
    %swap3A_13 = tpu.vector_load %arg13[%swap3A_12] {strides = array<i32>} : memref<160xi32, #tpu.memory_space<vmem>>, vector<16xi32>,
    tpu.vector_store %arg13[%swap3A_12], %broadcast_in_dim3A_6 {strides = array<i32>} : memref<160xi32, #tpu.memory_space<vmem>>, vector<16xi32>,
    %swap3A_14 = arith.constant 64 : index
    %swap3A_15 = tpu.vector_load %arg13[%swap3A_14] {strides = array<i32>} : memref<160xi32, #tpu.memory_space<vmem>>, vector<16xi32>,
    tpu.vector_store %arg13[%swap3A_14], %broadcast_in_dim3A_6 {strides = array<i32>} : memref<160xi32, #tpu.memory_space<vmem>>, vector<16xi32>,
    %swap3A_16 = arith.constant 80 : index
    %swap3A_17 = tpu.vector_load %arg13[%swap3A_16] {strides = array<i32>} : memref<160xi32, #tpu.memory_space<vmem>>, vector<16xi32>,
    tpu.vector_store %arg13[%swap3A_16], %broadcast_in_dim3A_6 {strides = array<i32>} : memref<160xi32, #tpu.memory_space<vmem>>, vector<16xi32>,
    %swap3A_18 = arith.constant 96 : index
    %swap3A_19 = tpu.vector_load %arg13[%swap3A_18] {strides = array<i32>} : memref<160xi32, #tpu.memory_space<vmem>>, vector<16xi32>,
    tpu.vector_store %arg13[%swap3A_18], %broadcast_in_dim3A_6 {strides = array<i32>} : memref<160xi32, #tpu.memory_space<vmem>>, vector<16xi32>,
    %swap3A_20 = arith.constant 112 : index
    %swap3A_21 = tpu.vector_load %arg13[%swap3A_20] {strides = array<i32>} : memref<160xi32, #tpu.memory_space<vmem>>, vector<16xi32>,
    tpu.vector_store %arg13[%swap3A_20], %broadcast_in_dim3A_6 {strides = array<i32>} : memref<160xi32, #tpu.memory_space<vmem>>, vector<16xi32>,
    %swap3A_22 = arith.constant 128 : index
    %swap3A_23 = tpu.vector_load %arg13[%swap3A_22] {strides = array<i32>} : memref<160xi32, #tpu.memory_space<vmem>>, vector<16xi32>,
    tpu.vector_store %arg13[%swap3A_22], %broadcast_in_dim3A_6 {strides = array<i32>} : memref<160xi32, #tpu.memory_space<vmem>>, vector<16xi32>,
    %swap3A_24 = arith.constant 144 : index
    %swap3A_25 = tpu.vector_load %arg13[%swap3A_24] {strides = array<i32>} : memref<160xi32, #tpu.memory_space<vmem>>, vector<16xi32>,
    tpu.vector_store %arg13[%swap3A_24], %broadcast_in_dim3A_6 {strides = array<i32>} : memref<160xi32, #tpu.memory_space<vmem>>, vector<16xi32>,
    %broadcast_in_dim3A_26 = arith.constant 49999 : i32
    %broadcast_in_dim3A_27 = vector.broadcast %broadcast_in_dim3A_26 : i32 to vector<16xi32>
    %swap3A_28 = arith.constant 0 : index
    %swap3A_29 = tpu.vector_load %arg14[%swap3A_28] {strides = array<i32>} : memref<160xi32, #tpu.memory_space<vmem>>, vector<16xi32>,
    tpu.vector_store %arg14[%swap3A_28], %broadcast_in_dim3A_27 {strides = array<i32>} : memref<160xi32, #tpu.memory_space<vmem>>, vector<16xi32>,
    %swap3A_30 = arith.constant 16 : index
    %swap3A_31 = tpu.vector_load %arg14[%swap3A_30] {strides = array<i32>} : memref<160xi32, #tpu.memory_space<vmem>>, vector<16xi32>,
    tpu.vector_store %arg14[%swap3A_30], %broadcast_in_dim3A_27 {strides = array<i32>} : memref<160xi32, #tpu.memory_space<vmem>>, vector<16xi32>,
    %swap3A_32 = arith.constant 32 : index
    %swap3A_33 = tpu.vector_load %arg14[%swap3A_32] {strides = array<i32>} : memref<160xi32, #tpu.memory_space<vmem>>, vector<16xi32>,
    tpu.vector_store %arg14[%swap3A_32], %broadcast_in_dim3A_27 {strides = array<i32>} : memref<160xi32, #tpu.memory_space<vmem>>, vector<16xi32>,
    %swap3A_34 = arith.constant 48 : index
    %swap3A_35 = tpu.vector_load %arg14[%swap3A_34] {strides = array<i32>} : memref<160xi32, #tpu.memory_space<vmem>>, vector<16xi32>,
    tpu.vector_store %arg14[%swap3A_34], %broadcast_in_dim3A_27 {strides = array<i32>} : memref<160xi32, #tpu.memory_space<vmem>>, vector<16xi32>,
    %swap3A_36 = arith.constant 64 : index
    %swap3A_37 = tpu.vector_load %arg14[%swap3A_36] {strides = array<i32>} : memref<160xi32, #tpu.memory_space<vmem>>, vector<16xi32>,
    tpu.vector_store %arg14[%swap3A_36], %broadcast_in_dim3A_27 {strides = array<i32>} : memref<160xi32, #tpu.memory_space<vmem>>, vector<16xi32>,
    %swap3A_38 = arith.constant 80 : index
    %swap3A_39 = tpu.vector_load %arg14[%swap3A_38] {strides = array<i32>} : memref<160xi32, #tpu.memory_space<vmem>>, vector<16xi32>,
    tpu.vector_store %arg14[%swap3A_38], %broadcast_in_dim3A_27 {strides = array<i32>} : memref<160xi32, #tpu.memory_space<vmem>>, vector<16xi32>,
    %swap3A_40 = arith.constant 96 : index
    %swap3A_41 = tpu.vector_load %arg14[%swap3A_40] {strides = array<i32>} : memref<160xi32, #tpu.memory_space<vmem>>, vector<16xi32>,
    tpu.vector_store %arg14[%swap3A_40], %broadcast_in_dim3A_27 {strides = array<i32>} : memref<160xi32, #tpu.memory_space<vmem>>, vector<16xi32>,
    %swap3A_42 = arith.constant 112 : index
    %swap3A_43 = tpu.vector_load %arg14[%swap3A_42] {strides = array<i32>} : memref<160xi32, #tpu.memory_space<vmem>>, vector<16xi32>,
    tpu.vector_store %arg14[%swap3A_42], %broadcast_in_dim3A_27 {strides = array<i32>} : memref<160xi32, #tpu.memory_space<vmem>>, vector<16xi32>,
    %swap3A_44 = arith.constant 128 : index
    %swap3A_45 = tpu.vector_load %arg14[%swap3A_44] {strides = array<i32>} : memref<160xi32, #tpu.memory_space<vmem>>, vector<16xi32>,
    tpu.vector_store %arg14[%swap3A_44], %broadcast_in_dim3A_27 {strides = array<i32>} : memref<160xi32, #tpu.memory_space<vmem>>, vector<16xi32>,
    %swap3A_46 = arith.constant 144 : index
    %swap3A_47 = tpu.vector_load %arg14[%swap3A_46] {strides = array<i32>} : memref<160xi32, #tpu.memory_space<vmem>>, vector<16xi32>,
    tpu.vector_store %arg14[%swap3A_46], %broadcast_in_dim3A_27 {strides = array<i32>} : memref<160xi32, #tpu.memory_space<vmem>>, vector<16xi32>,
    %iota3A = tpu.iota {dimensions = array<i32: 0>} : vector<16xi32>
    %broadcast_in_dim3A_48 = arith.constant 0 : i32
    %broadcast_in_dim3A_49 = vector.broadcast %broadcast_in_dim3A_48 : i32 to vector<16xi32>
    %scan3A = arith.constant 0 : i32
    %scan3A_50 = arith.constant 781 : i32
    %scan3A_51 = arith.addi %scan3A, %scan3A_50 : i32
    %scan3A_52 = arith.constant 1 : i32
    %scan3A_53 = scf.for %scan3A_170 = %scan3A to %scan3A_51 step %scan3A_52 iter_args(%scan3A_171 = %broadcast_in_dim3A_49) -> (vector<16xi32>)  : i32 {
      %mul3A_172 = arith.constant 2 : i32
      %mul3A_173 = arith.muli %scan3A_170, %mul3A_172 : i32
      %add3A_174 = arith.constant 0 : i32
      %add3A_175 = arith.addi %mul3A_173, %add3A_174 : i32
      %mul3A_176 = arith.constant 16 : i32
      %mul3A_177 = arith.muli %add3A_175, %mul3A_176 : i32
      %get3A_178 = arith.index_cast %mul3A_177 : i32 to index
      %get3A_179 = tpu.vector_load %arg11[%get3A_178] {strides = array<i32>} : memref<25008xi32, #tpu.memory_space<vmem>>, vector<16xi32>,
      %mul3A_180 = arith.constant 16 : i32
      %mul3A_181 = arith.muli %add3A_175, %mul3A_180 : i32
      %get3A_182 = arith.index_cast %mul3A_181 : i32 to index
      %get3A_183 = tpu.vector_load %arg12[%get3A_182] {strides = array<i32>} : memref<25008xi32, #tpu.memory_space<vmem>>, vector<16xi32>,
      %gather3A_184 = tpu.vector_load_idx %arg10[%get3A_179] : memref<50000xi32, #tpu.memory_space<vmem>>[vector<16xi32>], vector<16xi32>,
      %ne3A_185 = arith.constant 0 : i32
      %ne3A_186 = vector.broadcast %ne3A_185 : i32 to vector<16xi32>
      %ne3A_187 = arith.cmpi ne, %gather3A_184, %ne3A_186 : vector<16xi32>
      %all_reduce_population_count3A_188 = tpu.all_reduce %ne3A_187 {dim = 0 : i64, kind = #tpu.reduction_kind<sum>} : vector<16xi1> -> vector<16xi32>
      %slice3A_189 = vector.extract_strided_slice %all_reduce_population_count3A_188 {offsets = [0], sizes = [1], strides = [1]} : vector<16xi32> to vector<1xi32>
      %squeeze3A_190 = vector.extract %slice3A_189[0] : i32 from vector<1xi32>
      %gt3A_191 = arith.constant 0 : i32
      %gt3A_192 = arith.cmpi sgt, %squeeze3A_190, %gt3A_191 : i32
      %convert_element_type3A_193 = arith.extui %gt3A_192 : i1 to i32
      %cond3A_194 = arith.constant 0 : i32
      %cond3A_195 = arith.cmpi ne, %convert_element_type3A_193, %cond3A_194 : i32
      scf.if %cond3A_195 {
        %convert_element_type3A_228 = arith.extui %ne3A_187 : vector<16xi1> to vector<16xi32>
        %cumsum3A = arith.constant true
        %cumsum3A_229 = vector.broadcast %cumsum3A : i1 to vector<16xi1>
        %cumsum3A_230 = tpu.scan <sum>, %convert_element_type3A_228 masked %cumsum3A_229 : vector<16xi32>, vector<16xi1> -> vector<16xi32>
        %add3A_231 = arith.addi %scan3A_171, %cumsum3A_230 : vector<16xi32>
        %sub3A_232 = arith.constant 1 : i32
        %sub3A_233 = vector.broadcast %sub3A_232 : i32 to vector<16xi32>
        %sub3A_234 = arith.subi %add3A_231, %sub3A_233 : vector<16xi32>
        tpu.vector_store_idx %arg13[%sub3A_234], %get3A_183 masked %ne3A_187 : memref<160xi32, #tpu.memory_space<vmem>>[vector<16xi32>], vector<16xi32>, vector<16xi1>
        tpu.vector_store_idx %arg14[%sub3A_234], %get3A_179 masked %ne3A_187 : memref<160xi32, #tpu.memory_space<vmem>>[vector<16xi32>], vector<16xi32>, vector<16xi1>
      } else {
      }
      %add3A_196 = arith.addi %scan3A_171, %all_reduce_population_count3A_188 : vector<16xi32>
      %min3A_197 = arith.constant 128 : i32
      %min3A_198 = vector.broadcast %min3A_197 : i32 to vector<16xi32>
      %min3A_199 = arith.minsi %add3A_196, %min3A_198 : vector<16xi32>
      %mul3A_200 = arith.constant 2 : i32
      %mul3A_201 = arith.muli %scan3A_170, %mul3A_200 : i32
      %add3A_202 = arith.constant 1 : i32
      %add3A_203 = arith.addi %mul3A_201, %add3A_202 : i32
      %mul3A_204 = arith.constant 16 : i32
      %mul3A_205 = arith.muli %add3A_203, %mul3A_204 : i32
      %get3A_206 = arith.index_cast %mul3A_205 : i32 to index
      %get3A_207 = tpu.vector_load %arg11[%get3A_206] {strides = array<i32>} : memref<25008xi32, #tpu.memory_space<vmem>>, vector<16xi32>,
      %mul3A_208 = arith.constant 16 : i32
      %mul3A_209 = arith.muli %add3A_203, %mul3A_208 : i32
      %get3A_210 = arith.index_cast %mul3A_209 : i32 to index
      %get3A_211 = tpu.vector_load %arg12[%get3A_210] {strides = array<i32>} : memref<25008xi32, #tpu.memory_space<vmem>>, vector<16xi32>,
      %gather3A_212 = tpu.vector_load_idx %arg10[%get3A_207] : memref<50000xi32, #tpu.memory_space<vmem>>[vector<16xi32>], vector<16xi32>,
      %ne3A_213 = arith.constant 0 : i32
      %ne3A_214 = vector.broadcast %ne3A_213 : i32 to vector<16xi32>
      %ne3A_215 = arith.cmpi ne, %gather3A_212, %ne3A_214 : vector<16xi32>
      %all_reduce_population_count3A_216 = tpu.all_reduce %ne3A_215 {dim = 0 : i64, kind = #tpu.reduction_kind<sum>} : vector<16xi1> -> vector<16xi32>
      %slice3A_217 = vector.extract_strided_slice %all_reduce_population_count3A_216 {offsets = [0], sizes = [1], strides = [1]} : vector<16xi32> to vector<1xi32>
      %squeeze3A_218 = vector.extract %slice3A_217[0] : i32 from vector<1xi32>
      %gt3A_219 = arith.constant 0 : i32
      %gt3A_220 = arith.cmpi sgt, %squeeze3A_218, %gt3A_219 : i32
      %convert_element_type3A_221 = arith.extui %gt3A_220 : i1 to i32
      %cond3A_222 = arith.constant 0 : i32
      %cond3A_223 = arith.cmpi ne, %convert_element_type3A_221, %cond3A_222 : i32
      scf.if %cond3A_223 {
        %convert_element_type3A_228 = arith.extui %ne3A_215 : vector<16xi1> to vector<16xi32>
        %cumsum3A = arith.constant true
        %cumsum3A_229 = vector.broadcast %cumsum3A : i1 to vector<16xi1>
        %cumsum3A_230 = tpu.scan <sum>, %convert_element_type3A_228 masked %cumsum3A_229 : vector<16xi32>, vector<16xi1> -> vector<16xi32>
        %add3A_231 = arith.addi %min3A_199, %cumsum3A_230 : vector<16xi32>
        %sub3A_232 = arith.constant 1 : i32
        %sub3A_233 = vector.broadcast %sub3A_232 : i32 to vector<16xi32>
        %sub3A_234 = arith.subi %add3A_231, %sub3A_233 : vector<16xi32>
        tpu.vector_store_idx %arg13[%sub3A_234], %get3A_211 masked %ne3A_215 : memref<160xi32, #tpu.memory_space<vmem>>[vector<16xi32>], vector<16xi32>, vector<16xi1>
        tpu.vector_store_idx %arg14[%sub3A_234], %get3A_207 masked %ne3A_215 : memref<160xi32, #tpu.memory_space<vmem>>[vector<16xi32>], vector<16xi32>, vector<16xi1>
      } else {
      }
      %add3A_224 = arith.addi %min3A_199, %all_reduce_population_count3A_216 : vector<16xi32>
      %min3A_225 = arith.constant 128 : i32
      %min3A_226 = vector.broadcast %min3A_225 : i32 to vector<16xi32>
      %min3A_227 = arith.minsi %add3A_224, %min3A_226 : vector<16xi32>
      scf.yield %min3A_227 : vector<16xi32>
    }
    %scan3A_54 = arith.constant 781 : i32
    %lt3A = arith.constant 8 : i32
    %lt3A_55 = vector.broadcast %lt3A : i32 to vector<16xi32>
    %lt3A_56 = arith.cmpi slt, %iota3A, %lt3A_55 : vector<16xi32>
    %get3A = arith.constant 24992 : index
    %get3A_57 = tpu.vector_load %arg11[%get3A] {strides = array<i32>} : memref<25008xi32, #tpu.memory_space<vmem>>, vector<16xi32>,
    %get3A_58 = arith.constant 24992 : index
    %get3A_59 = tpu.vector_load %arg12[%get3A_58] {strides = array<i32>} : memref<25008xi32, #tpu.memory_space<vmem>>, vector<16xi32>,
    %gather3A = tpu.vector_load_idx %arg10[%get3A_57] masked %lt3A_56 : memref<50000xi32, #tpu.memory_space<vmem>>[vector<16xi32>], vector<16xi32>, vector<16xi1>
    %ne3A = arith.constant 0 : i32
    %ne3A_60 = vector.broadcast %ne3A : i32 to vector<16xi32>
    %ne3A_61 = arith.cmpi ne, %gather3A, %ne3A_60 : vector<16xi32>
    %and3A = arith.andi %lt3A_56, %ne3A_61 : vector<16xi1>
    %all_reduce_population_count3A = tpu.all_reduce %and3A {dim = 0 : i64, kind = #tpu.reduction_kind<sum>} : vector<16xi1> -> vector<16xi32>
    %slice3A = vector.extract_strided_slice %all_reduce_population_count3A {offsets = [0], sizes = [1], strides = [1]} : vector<16xi32> to vector<1xi32>
    %squeeze3A = vector.extract %slice3A[0] : i32 from vector<1xi32>
    %gt3A = arith.constant 0 : i32
    %gt3A_62 = arith.cmpi sgt, %squeeze3A, %gt3A : i32
    %convert_element_type3A = arith.extui %gt3A_62 : i1 to i32
    %cond3A = arith.constant 0 : i32
    %cond3A_63 = arith.cmpi ne, %convert_element_type3A, %cond3A : i32
    scf.if %cond3A_63 {
      %convert_element_type3A_170 = arith.extui %and3A : vector<16xi1> to vector<16xi32>
      %cumsum3A = arith.constant true
      %cumsum3A_171 = vector.broadcast %cumsum3A : i1 to vector<16xi1>
      %cumsum3A_172 = tpu.scan <sum>, %convert_element_type3A_170 masked %cumsum3A_171 : vector<16xi32>, vector<16xi1> -> vector<16xi32>
      %add3A_173 = arith.addi %scan3A_53, %cumsum3A_172 : vector<16xi32>
      %sub3A_174 = arith.constant 1 : i32
      %sub3A_175 = vector.broadcast %sub3A_174 : i32 to vector<16xi32>
      %sub3A_176 = arith.subi %add3A_173, %sub3A_175 : vector<16xi32>
      tpu.vector_store_idx %arg13[%sub3A_176], %get3A_59 masked %and3A : memref<160xi32, #tpu.memory_space<vmem>>[vector<16xi32>], vector<16xi32>, vector<16xi1>
      tpu.vector_store_idx %arg14[%sub3A_176], %get3A_57 masked %and3A : memref<160xi32, #tpu.memory_space<vmem>>[vector<16xi32>], vector<16xi32>, vector<16xi1>
    } else {
    }
    %add3A_64 = arith.addi %scan3A_53, %all_reduce_population_count3A : vector<16xi32>
    %min3A = arith.constant 128 : i32
    %min3A_65 = vector.broadcast %min3A : i32 to vector<16xi32>
    %min3A_66 = arith.minsi %add3A_64, %min3A_65 : vector<16xi32>
    %mul3A_67 = arith.constant 98 : i32
    %mul3A_68 = arith.muli %add3A, %mul3A_67 : i32
    %sub3A = arith.constant 3125 : i32
    %sub3A_69 = arith.subi %sub3A, %mul3A_68 : i32
    %jit3A = arith.constant 0 : i32
    %jit3A_70 = arith.constant 98 : i32
    %max3A = arith.maxsi %jit3A, %sub3A_69 : i32
    %min3A_71 = arith.minsi %jit3A_70, %max3A : i32
    %while3A = arith.constant 0 : i32
    %while3A_72 = arith.subi %min3A_71, %while3A : i32
    %while3A_73 = arith.addi %while3A, %while3A_72 : i32
    %while3A_74 = arith.constant 1 : i32
    %while3A_75 = arith.divsi %while3A_72, %while3A_74 : i32
    %while3A_76 = arith.muli %while3A_75, %while3A_74 : i32
    %while3A_77 = arith.addi %while3A, %while3A_76 : i32
    %while3A_78 = arith.constant 1 : i32
    %while3A_79 = scf.for %while3A_170 = %while3A to %while3A_77 step %while3A_78 iter_args(%while3A_171 = %min3A_66) -> (vector<16xi32>)  : i32 {
      %mul3A_172 = arith.constant 98 : i32
      %mul3A_173 = arith.muli %add3A, %mul3A_172 : i32
      %add3A_174 = arith.addi %mul3A_173, %while3A_170 : i32
      %mul3A_175 = arith.constant 16 : i32
      %mul3A_176 = arith.muli %add3A_174, %mul3A_175 : i32
      %add3A_177 = vector.broadcast %mul3A_176 : i32 to vector<16xi32>
      %add3A_178 = arith.addi %add3A_177, %iota3A : vector<16xi32>
      %gather3A_179 = tpu.vector_load_idx %arg10[%add3A_178] : memref<50000xi32, #tpu.memory_space<vmem>>[vector<16xi32>], vector<16xi32>,
      %ne3A_180 = arith.constant 0 : i32
      %ne3A_181 = vector.broadcast %ne3A_180 : i32 to vector<16xi32>
      %ne3A_182 = arith.cmpi ne, %gather3A_179, %ne3A_181 : vector<16xi32>
      %all_reduce_population_count3A_183 = tpu.all_reduce %ne3A_182 {dim = 0 : i64, kind = #tpu.reduction_kind<sum>} : vector<16xi1> -> vector<16xi32>
      %slice3A_184 = vector.extract_strided_slice %all_reduce_population_count3A_183 {offsets = [0], sizes = [1], strides = [1]} : vector<16xi32> to vector<1xi32>
      %squeeze3A_185 = vector.extract %slice3A_184[0] : i32 from vector<1xi32>
      %gt3A_186 = arith.constant 0 : i32
      %gt3A_187 = arith.cmpi sgt, %squeeze3A_185, %gt3A_186 : i32
      %convert_element_type3A_188 = arith.extui %gt3A_187 : i1 to i32
      %cond3A_189 = arith.constant 0 : i32
      %cond3A_190 = arith.cmpi ne, %convert_element_type3A_188, %cond3A_189 : i32
      scf.if %cond3A_190 {
        %convert_element_type3A_195 = arith.extui %ne3A_182 : vector<16xi1> to vector<16xi32>
        %cumsum3A = arith.constant true
        %cumsum3A_196 = vector.broadcast %cumsum3A : i1 to vector<16xi1>
        %cumsum3A_197 = tpu.scan <sum>, %convert_element_type3A_195 masked %cumsum3A_196 : vector<16xi32>, vector<16xi1> -> vector<16xi32>
        %add3A_198 = arith.addi %while3A_171, %cumsum3A_197 : vector<16xi32>
        %sub3A_199 = arith.constant 1 : i32
        %sub3A_200 = vector.broadcast %sub3A_199 : i32 to vector<16xi32>
        %sub3A_201 = arith.subi %add3A_198, %sub3A_200 : vector<16xi32>
        tpu.vector_store_idx %arg13[%sub3A_201], %add3A_178 masked %ne3A_182 : memref<160xi32, #tpu.memory_space<vmem>>[vector<16xi32>], vector<16xi32>, vector<16xi1>
        tpu.vector_store_idx %arg14[%sub3A_201], %add3A_178 masked %ne3A_182 : memref<160xi32, #tpu.memory_space<vmem>>[vector<16xi32>], vector<16xi32>, vector<16xi1>
      } else {
      }
      %add3A_191 = arith.addi %while3A_171, %all_reduce_population_count3A_183 : vector<16xi32>
      %min3A_192 = arith.constant 128 : i32
      %min3A_193 = vector.broadcast %min3A_192 : i32 to vector<16xi32>
      %min3A_194 = arith.minsi %add3A_191, %min3A_193 : vector<16xi32>
      scf.yield %min3A_194 : vector<16xi32>
    }
    %while3A_80 = arith.constant 1 : i32
    %while3A_81 = scf.for %while3A_170 = %while3A_77 to %while3A_73 step %while3A_80 iter_args(%while3A_171 = %while3A_79) -> (vector<16xi32>)  : i32 {
      %mul3A_172 = arith.constant 98 : i32
      %mul3A_173 = arith.muli %add3A, %mul3A_172 : i32
      %add3A_174 = arith.addi %mul3A_173, %while3A_170 : i32
      %mul3A_175 = arith.constant 16 : i32
      %mul3A_176 = arith.muli %add3A_174, %mul3A_175 : i32
      %add3A_177 = vector.broadcast %mul3A_176 : i32 to vector<16xi32>
      %add3A_178 = arith.addi %add3A_177, %iota3A : vector<16xi32>
      %gather3A_179 = tpu.vector_load_idx %arg10[%add3A_178] : memref<50000xi32, #tpu.memory_space<vmem>>[vector<16xi32>], vector<16xi32>,
      %ne3A_180 = arith.constant 0 : i32
      %ne3A_181 = vector.broadcast %ne3A_180 : i32 to vector<16xi32>
      %ne3A_182 = arith.cmpi ne, %gather3A_179, %ne3A_181 : vector<16xi32>
      %all_reduce_population_count3A_183 = tpu.all_reduce %ne3A_182 {dim = 0 : i64, kind = #tpu.reduction_kind<sum>} : vector<16xi1> -> vector<16xi32>
      %slice3A_184 = vector.extract_strided_slice %all_reduce_population_count3A_183 {offsets = [0], sizes = [1], strides = [1]} : vector<16xi32> to vector<1xi32>
      %squeeze3A_185 = vector.extract %slice3A_184[0] : i32 from vector<1xi32>
      %gt3A_186 = arith.constant 0 : i32
      %gt3A_187 = arith.cmpi sgt, %squeeze3A_185, %gt3A_186 : i32
      %convert_element_type3A_188 = arith.extui %gt3A_187 : i1 to i32
      %cond3A_189 = arith.constant 0 : i32
      %cond3A_190 = arith.cmpi ne, %convert_element_type3A_188, %cond3A_189 : i32
      scf.if %cond3A_190 {
        %convert_element_type3A_195 = arith.extui %ne3A_182 : vector<16xi1> to vector<16xi32>
        %cumsum3A = arith.constant true
        %cumsum3A_196 = vector.broadcast %cumsum3A : i1 to vector<16xi1>
        %cumsum3A_197 = tpu.scan <sum>, %convert_element_type3A_195 masked %cumsum3A_196 : vector<16xi32>, vector<16xi1> -> vector<16xi32>
        %add3A_198 = arith.addi %while3A_171, %cumsum3A_197 : vector<16xi32>
        %sub3A_199 = arith.constant 1 : i32
        %sub3A_200 = vector.broadcast %sub3A_199 : i32 to vector<16xi32>
        %sub3A_201 = arith.subi %add3A_198, %sub3A_200 : vector<16xi32>
        tpu.vector_store_idx %arg13[%sub3A_201], %add3A_178 masked %ne3A_182 : memref<160xi32, #tpu.memory_space<vmem>>[vector<16xi32>], vector<16xi32>, vector<16xi1>
        tpu.vector_store_idx %arg14[%sub3A_201], %add3A_178 masked %ne3A_182 : memref<160xi32, #tpu.memory_space<vmem>>[vector<16xi32>], vector<16xi32>, vector<16xi1>
      } else {
      }
      %add3A_191 = arith.addi %while3A_171, %all_reduce_population_count3A_183 : vector<16xi32>
      %min3A_192 = arith.constant 128 : i32
      %min3A_193 = vector.broadcast %min3A_192 : i32 to vector<16xi32>
      %min3A_194 = arith.minsi %add3A_191, %min3A_193 : vector<16xi32>
      scf.yield %min3A_194 : vector<16xi32>
    }
    %swap3A_82 = arith.constant 0 : index
    %swap3A_83 = tpu.vector_load %arg15[%swap3A_82] {strides = array<i32>} : memref<16xi32, #tpu.memory_space<vmem>>, vector<16xi32>,
    tpu.vector_store %arg15[%swap3A_82], %while3A_81 {strides = array<i32>} : memref<16xi32, #tpu.memory_space<vmem>>, vector<16xi32>,
    "tpu.region"() ({
      %run_scoped3A_170 = tpu.sem_alloc : memref<!tpu.dma_semaphore, #tpu.memory_space<semaphore_mem>>
      %dma_start3A_171 = arith.constant 0 : i32
      %dma_start3A_172 = tpu.memref_slice %arg7[%add3A, %dma_start3A_171] : memref<32x16xi32, #tpu.memory_space<hbm>> -> memref<1x16xi32, #tpu.memory_space<hbm>>
      %dma_start3A_173 = tpu.memref_squeeze %dma_start3A_172 : memref<1x16xi32, #tpu.memory_space<hbm>> -> memref<16xi32, #tpu.memory_space<hbm>>
      %dma_start3A_174 = arith.constant 0 : i32
      %dma_start3A_175 = tpu.memref_slice %arg7[%add3A, %dma_start3A_174] : memref<32x16xi32, #tpu.memory_space<hbm>> -> memref<1x16xi32, #tpu.memory_space<hbm>>
      %dma_start3A_176 = tpu.memref_squeeze %dma_start3A_175 : memref<1x16xi32, #tpu.memory_space<hbm>> -> memref<16xi32, #tpu.memory_space<hbm>>
      tpu.enqueue_dma source(%arg15 : memref<16xi32, #tpu.memory_space<vmem>>) target(%dma_start3A_176 : memref<16xi32, #tpu.memory_space<hbm>>) target_semaphore(%run_scoped3A_170 : memref<!tpu.dma_semaphore, #tpu.memory_space<semaphore_mem>>)
      %dma_wait3A_177 = arith.constant 0 : i32
      %dma_wait3A_178 = tpu.memref_slice %arg7[%add3A, %dma_wait3A_177] : memref<32x16xi32, #tpu.memory_space<hbm>> -> memref<1x16xi32, #tpu.memory_space<hbm>>
      %dma_wait3A_179 = tpu.memref_squeeze %dma_wait3A_178 : memref<1x16xi32, #tpu.memory_space<hbm>> -> memref<16xi32, #tpu.memory_space<hbm>>
      %dma_wait3A_180 = arith.constant 0 : i32
      %dma_wait3A_181 = tpu.memref_slice %arg7[%add3A, %dma_wait3A_180] : memref<32x16xi32, #tpu.memory_space<hbm>> -> memref<1x16xi32, #tpu.memory_space<hbm>>
      %dma_wait3A_182 = tpu.memref_squeeze %dma_wait3A_181 : memref<1x16xi32, #tpu.memory_space<hbm>> -> memref<16xi32, #tpu.memory_space<hbm>>
      tpu.wait_dma2 semaphore(%run_scoped3A_170 : memref<!tpu.dma_semaphore, #tpu.memory_space<semaphore_mem>>) src(%arg15 : memref<16xi32, #tpu.memory_space<vmem>>) dst(%dma_wait3A_182 : memref<16xi32, #tpu.memory_space<hbm>>)
      tpu.yield
    }) : () -> ()
    "tpu.region"() ({
      %run_scoped3A_170 = tpu.sem_alloc : memref<!tpu.dma_semaphore, #tpu.memory_space<semaphore_mem>>
      %dma_start3A_171 = arith.constant 0 : i32
      %dma_start3A_172 = tpu.memref_slice %arg14[%dma_start3A_171] : memref<160xi32, #tpu.memory_space<vmem>> -> memref<128xi32, #tpu.memory_space<vmem>>
      %dma_start3A_173 = arith.constant 0 : i32
      %dma_start3A_174 = tpu.memref_slice %arg6[%add3A, %dma_start3A_173] : memref<32x128xi32, #tpu.memory_space<hbm>> -> memref<1x128xi32, #tpu.memory_space<hbm>>
      %dma_start3A_175 = tpu.memref_squeeze %dma_start3A_174 : memref<1x128xi32, #tpu.memory_space<hbm>> -> memref<128xi32, #tpu.memory_space<hbm>>
      %dma_start3A_176 = arith.constant 0 : i32
      %dma_start3A_177 = tpu.memref_slice %arg6[%add3A, %dma_start3A_176] : memref<32x128xi32, #tpu.memory_space<hbm>> -> memref<1x128xi32, #tpu.memory_space<hbm>>
      %dma_start3A_178 = tpu.memref_squeeze %dma_start3A_177 : memref<1x128xi32, #tpu.memory_space<hbm>> -> memref<128xi32, #tpu.memory_space<hbm>>
      %dma_start3A_179 = arith.constant 0 : i32
      %dma_start3A_180 = tpu.memref_slice %arg14[%dma_start3A_179] : memref<160xi32, #tpu.memory_space<vmem>> -> memref<128xi32, #tpu.memory_space<vmem>>
      tpu.enqueue_dma source(%dma_start3A_180 : memref<128xi32, #tpu.memory_space<vmem>>) target(%dma_start3A_178 : memref<128xi32, #tpu.memory_space<hbm>>) target_semaphore(%run_scoped3A_170 : memref<!tpu.dma_semaphore, #tpu.memory_space<semaphore_mem>>)
      %dma_wait3A_181 = arith.constant 0 : i32
      %dma_wait3A_182 = tpu.memref_slice %arg14[%dma_wait3A_181] : memref<160xi32, #tpu.memory_space<vmem>> -> memref<128xi32, #tpu.memory_space<vmem>>
      %dma_wait3A_183 = arith.constant 0 : i32
      %dma_wait3A_184 = tpu.memref_slice %arg6[%add3A, %dma_wait3A_183] : memref<32x128xi32, #tpu.memory_space<hbm>> -> memref<1x128xi32, #tpu.memory_space<hbm>>
      %dma_wait3A_185 = tpu.memref_squeeze %dma_wait3A_184 : memref<1x128xi32, #tpu.memory_space<hbm>> -> memref<128xi32, #tpu.memory_space<hbm>>
      %dma_wait3A_186 = arith.constant 0 : i32
      %dma_wait3A_187 = tpu.memref_slice %arg6[%add3A, %dma_wait3A_186] : memref<32x128xi32, #tpu.memory_space<hbm>> -> memref<1x128xi32, #tpu.memory_space<hbm>>
      %dma_wait3A_188 = tpu.memref_squeeze %dma_wait3A_187 : memref<1x128xi32, #tpu.memory_space<hbm>> -> memref<128xi32, #tpu.memory_space<hbm>>
      %dma_wait3A_189 = arith.constant 0 : i32
      %dma_wait3A_190 = tpu.memref_slice %arg14[%dma_wait3A_189] : memref<160xi32, #tpu.memory_space<vmem>> -> memref<128xi32, #tpu.memory_space<vmem>>
      tpu.wait_dma2 semaphore(%run_scoped3A_170 : memref<!tpu.dma_semaphore, #tpu.memory_space<semaphore_mem>>) src(%dma_wait3A_190 : memref<128xi32, #tpu.memory_space<vmem>>) dst(%dma_wait3A_188 : memref<128xi32, #tpu.memory_space<hbm>>)
      tpu.yield
    }) : () -> ()
    %get3A_84 = arith.constant 0 : index
    %get3A_85 = tpu.vector_load %arg13[%get3A_84] {strides = array<i32>} : memref<160xi32, #tpu.memory_space<vmem>>, vector<16xi32>,
    %swap3A_86 = arith.constant 0 : index
    %swap3A_87 = tpu.vector_load %arg16[%swap3A_86] {strides = array<i32>} : memref<128xi32, #tpu.memory_space<vmem>>, vector<16xi32>,
    tpu.vector_store %arg16[%swap3A_86], %get3A_85 {strides = array<i32>} : memref<128xi32, #tpu.memory_space<vmem>>, vector<16xi32>,
    %get3A_88 = arith.constant 16 : index
    %get3A_89 = tpu.vector_load %arg13[%get3A_88] {strides = array<i32>} : memref<160xi32, #tpu.memory_space<vmem>>, vector<16xi32>,
    %swap3A_90 = arith.constant 16 : index
    %swap3A_91 = tpu.vector_load %arg16[%swap3A_90] {strides = array<i32>} : memref<128xi32, #tpu.memory_space<vmem>>, vector<16xi32>,
    tpu.vector_store %arg16[%swap3A_90], %get3A_89 {strides = array<i32>} : memref<128xi32, #tpu.memory_space<vmem>>, vector<16xi32>,
    %get3A_92 = arith.constant 32 : index
    %get3A_93 = tpu.vector_load %arg13[%get3A_92] {strides = array<i32>} : memref<160xi32, #tpu.memory_space<vmem>>, vector<16xi32>,
    %swap3A_94 = arith.constant 32 : index
    %swap3A_95 = tpu.vector_load %arg16[%swap3A_94] {strides = array<i32>} : memref<128xi32, #tpu.memory_space<vmem>>, vector<16xi32>,
    tpu.vector_store %arg16[%swap3A_94], %get3A_93 {strides = array<i32>} : memref<128xi32, #tpu.memory_space<vmem>>, vector<16xi32>,
    %get3A_96 = arith.constant 48 : index
    %get3A_97 = tpu.vector_load %arg13[%get3A_96] {strides = array<i32>} : memref<160xi32, #tpu.memory_space<vmem>>, vector<16xi32>,
    %swap3A_98 = arith.constant 48 : index
    %swap3A_99 = tpu.vector_load %arg16[%swap3A_98] {strides = array<i32>} : memref<128xi32, #tpu.memory_space<vmem>>, vector<16xi32>,
    tpu.vector_store %arg16[%swap3A_98], %get3A_97 {strides = array<i32>} : memref<128xi32, #tpu.memory_space<vmem>>, vector<16xi32>,
    %get3A_100 = arith.constant 64 : index
    %get3A_101 = tpu.vector_load %arg13[%get3A_100] {strides = array<i32>} : memref<160xi32, #tpu.memory_space<vmem>>, vector<16xi32>,
    %swap3A_102 = arith.constant 64 : index
    %swap3A_103 = tpu.vector_load %arg16[%swap3A_102] {strides = array<i32>} : memref<128xi32, #tpu.memory_space<vmem>>, vector<16xi32>,
    tpu.vector_store %arg16[%swap3A_102], %get3A_101 {strides = array<i32>} : memref<128xi32, #tpu.memory_space<vmem>>, vector<16xi32>,
    %get3A_104 = arith.constant 80 : index
    %get3A_105 = tpu.vector_load %arg13[%get3A_104] {strides = array<i32>} : memref<160xi32, #tpu.memory_space<vmem>>, vector<16xi32>,
    %swap3A_106 = arith.constant 80 : index
    %swap3A_107 = tpu.vector_load %arg16[%swap3A_106] {strides = array<i32>} : memref<128xi32, #tpu.memory_space<vmem>>, vector<16xi32>,
    tpu.vector_store %arg16[%swap3A_106], %get3A_105 {strides = array<i32>} : memref<128xi32, #tpu.memory_space<vmem>>, vector<16xi32>,
    %get3A_108 = arith.constant 96 : index
    %get3A_109 = tpu.vector_load %arg13[%get3A_108] {strides = array<i32>} : memref<160xi32, #tpu.memory_space<vmem>>, vector<16xi32>,
    %swap3A_110 = arith.constant 96 : index
    %swap3A_111 = tpu.vector_load %arg16[%swap3A_110] {strides = array<i32>} : memref<128xi32, #tpu.memory_space<vmem>>, vector<16xi32>,
    tpu.vector_store %arg16[%swap3A_110], %get3A_109 {strides = array<i32>} : memref<128xi32, #tpu.memory_space<vmem>>, vector<16xi32>,
    %get3A_112 = arith.constant 112 : index
    %get3A_113 = tpu.vector_load %arg13[%get3A_112] {strides = array<i32>} : memref<160xi32, #tpu.memory_space<vmem>>, vector<16xi32>,
    %swap3A_114 = arith.constant 112 : index
    %swap3A_115 = tpu.vector_load %arg16[%swap3A_114] {strides = array<i32>} : memref<128xi32, #tpu.memory_space<vmem>>, vector<16xi32>,
    tpu.vector_store %arg16[%swap3A_114], %get3A_113 {strides = array<i32>} : memref<128xi32, #tpu.memory_space<vmem>>, vector<16xi32>,
    %dma_start3A = arith.constant 0 : i32
    %dma_start3A_116 = tpu.memref_slice %arg4[%dma_start3A] : memref<50000xi32, #tpu.memory_space<hbm>> -> memref<50000xi32, #tpu.memory_space<hbm>>
    tpu.enqueue_indirect_dma source(%dma_start3A_116 : memref<50000xi32, #tpu.memory_space<hbm>>) target(%arg17 : memref<128xi32, #tpu.memory_space<vmem>>) offsets(%arg16 : memref<128xi32, #tpu.memory_space<vmem>>) semaphore(%arg19 : memref<!tpu.dma_semaphore, #tpu.memory_space<semaphore_mem>>)
    %dma_wait3A = arith.constant 0 : i32
    %dma_wait3A_117 = tpu.memref_slice %arg4[%dma_wait3A] : memref<50000xi32, #tpu.memory_space<hbm>> -> memref<50000xi32, #tpu.memory_space<hbm>>
    tpu.wait_indirect_dma semaphore(%arg19 : memref<!tpu.dma_semaphore, #tpu.memory_space<semaphore_mem>>) src(%dma_wait3A_117 : memref<50000xi32, #tpu.memory_space<hbm>>) dst(%arg17 : memref<128xi32, #tpu.memory_space<vmem>>)
    %dma_start3A_118 = arith.constant 0 : i32
    %dma_start3A_119 = arith.constant 0 : i32
    %dma_start3A_120 = tpu.memref_slice %arg5[%dma_start3A_118, %dma_start3A_119] : memref<100000x32xf32, #tpu.memory_space<hbm>> -> memref<100000x32xf32, #tpu.memory_space<hbm>>
    tpu.enqueue_indirect_dma source(%dma_start3A_120 : memref<100000x32xf32, #tpu.memory_space<hbm>>) target(%arg18 : memref<128x32xf32, #tpu.memory_space<vmem>>) offsets(%arg17 : memref<128xi32, #tpu.memory_space<vmem>>) semaphore(%arg19 : memref<!tpu.dma_semaphore, #tpu.memory_space<semaphore_mem>>)
    %dma_wait3A_121 = arith.constant 0 : i32
    %dma_wait3A_122 = arith.constant 0 : i32
    %dma_wait3A_123 = tpu.memref_slice %arg5[%dma_wait3A_121, %dma_wait3A_122] : memref<100000x32xf32, #tpu.memory_space<hbm>> -> memref<100000x32xf32, #tpu.memory_space<hbm>>
    tpu.wait_indirect_dma semaphore(%arg19 : memref<!tpu.dma_semaphore, #tpu.memory_space<semaphore_mem>>) src(%dma_wait3A_123 : memref<100000x32xf32, #tpu.memory_space<hbm>>) dst(%arg18 : memref<128x32xf32, #tpu.memory_space<vmem>>)
    %mul3A_124 = arith.constant 128 : i32
    %mul3A_125 = arith.muli %add3A, %mul3A_124 : i32
    "tpu.region"() ({
      %run_scoped3A_170 = tpu.sem_alloc : memref<!tpu.dma_semaphore, #tpu.memory_space<semaphore_mem>>
      %dma_start3A_171 = arith.constant 0 : i32
      %dma_start3A_172 = tpu.memref_slice %arg8[%mul3A_125, %dma_start3A_171] : memref<4096x32xf32, #tpu.memory_space<hbm>> -> memref<128x32xf32, #tpu.memory_space<hbm>>
      %dma_start3A_173 = arith.constant 0 : i32
      %dma_start3A_174 = tpu.memref_slice %arg8[%mul3A_125, %dma_start3A_173] : memref<4096x32xf32, #tpu.memory_space<hbm>> -> memref<128x32xf32, #tpu.memory_space<hbm>>
      tpu.enqueue_dma source(%arg18 : memref<128x32xf32, #tpu.memory_space<vmem>>) target(%dma_start3A_174 : memref<128x32xf32, #tpu.memory_space<hbm>>) target_semaphore(%run_scoped3A_170 : memref<!tpu.dma_semaphore, #tpu.memory_space<semaphore_mem>>)
      %dma_wait3A_175 = arith.constant 0 : i32
      %dma_wait3A_176 = tpu.memref_slice %arg8[%mul3A_125, %dma_wait3A_175] : memref<4096x32xf32, #tpu.memory_space<hbm>> -> memref<128x32xf32, #tpu.memory_space<hbm>>
      %dma_wait3A_177 = arith.constant 0 : i32
      %dma_wait3A_178 = tpu.memref_slice %arg8[%mul3A_125, %dma_wait3A_177] : memref<4096x32xf32, #tpu.memory_space<hbm>> -> memref<128x32xf32, #tpu.memory_space<hbm>>
      tpu.wait_dma2 semaphore(%run_scoped3A_170 : memref<!tpu.dma_semaphore, #tpu.memory_space<semaphore_mem>>) src(%arg18 : memref<128x32xf32, #tpu.memory_space<vmem>>) dst(%dma_wait3A_178 : memref<128x32xf32, #tpu.memory_space<hbm>>)
      tpu.yield
    }) : () -> ()
    %get3A_126 = arith.constant 0 : index
    %get3A_127 = tpu.vector_load %arg14[%get3A_126] {strides = array<i32>} : memref<160xi32, #tpu.memory_space<vmem>>, vector<16xi32>,
    %swap3A_128 = arith.constant 0 : index
    %swap3A_129 = tpu.vector_load %arg16[%swap3A_128] {strides = array<i32>} : memref<128xi32, #tpu.memory_space<vmem>>, vector<16xi32>,
    tpu.vector_store %arg16[%swap3A_128], %get3A_127 {strides = array<i32>} : memref<128xi32, #tpu.memory_space<vmem>>, vector<16xi32>,
    %get3A_130 = arith.constant 16 : index
    %get3A_131 = tpu.vector_load %arg14[%get3A_130] {strides = array<i32>} : memref<160xi32, #tpu.memory_space<vmem>>, vector<16xi32>,
    %swap3A_132 = arith.constant 16 : index
    %swap3A_133 = tpu.vector_load %arg16[%swap3A_132] {strides = array<i32>} : memref<128xi32, #tpu.memory_space<vmem>>, vector<16xi32>,
    tpu.vector_store %arg16[%swap3A_132], %get3A_131 {strides = array<i32>} : memref<128xi32, #tpu.memory_space<vmem>>, vector<16xi32>,
    %get3A_134 = arith.constant 32 : index
    %get3A_135 = tpu.vector_load %arg14[%get3A_134] {strides = array<i32>} : memref<160xi32, #tpu.memory_space<vmem>>, vector<16xi32>,
    %swap3A_136 = arith.constant 32 : index
    %swap3A_137 = tpu.vector_load %arg16[%swap3A_136] {strides = array<i32>} : memref<128xi32, #tpu.memory_space<vmem>>, vector<16xi32>,
    tpu.vector_store %arg16[%swap3A_136], %get3A_135 {strides = array<i32>} : memref<128xi32, #tpu.memory_space<vmem>>, vector<16xi32>,
    %get3A_138 = arith.constant 48 : index
    %get3A_139 = tpu.vector_load %arg14[%get3A_138] {strides = array<i32>} : memref<160xi32, #tpu.memory_space<vmem>>, vector<16xi32>,
    %swap3A_140 = arith.constant 48 : index
    %swap3A_141 = tpu.vector_load %arg16[%swap3A_140] {strides = array<i32>} : memref<128xi32, #tpu.memory_space<vmem>>, vector<16xi32>,
    tpu.vector_store %arg16[%swap3A_140], %get3A_139 {strides = array<i32>} : memref<128xi32, #tpu.memory_space<vmem>>, vector<16xi32>,
    %get3A_142 = arith.constant 64 : index
    %get3A_143 = tpu.vector_load %arg14[%get3A_142] {strides = array<i32>} : memref<160xi32, #tpu.memory_space<vmem>>, vector<16xi32>,
    %swap3A_144 = arith.constant 64 : index
    %swap3A_145 = tpu.vector_load %arg16[%swap3A_144] {strides = array<i32>} : memref<128xi32, #tpu.memory_space<vmem>>, vector<16xi32>,
    tpu.vector_store %arg16[%swap3A_144], %get3A_143 {strides = array<i32>} : memref<128xi32, #tpu.memory_space<vmem>>, vector<16xi32>,
    %get3A_146 = arith.constant 80 : index
    %get3A_147 = tpu.vector_load %arg14[%get3A_146] {strides = array<i32>} : memref<160xi32, #tpu.memory_space<vmem>>, vector<16xi32>,
    %swap3A_148 = arith.constant 80 : index
    %swap3A_149 = tpu.vector_load %arg16[%swap3A_148] {strides = array<i32>} : memref<128xi32, #tpu.memory_space<vmem>>, vector<16xi32>,
    tpu.vector_store %arg16[%swap3A_148], %get3A_147 {strides = array<i32>} : memref<128xi32, #tpu.memory_space<vmem>>, vector<16xi32>,
    %get3A_150 = arith.constant 96 : index
    %get3A_151 = tpu.vector_load %arg14[%get3A_150] {strides = array<i32>} : memref<160xi32, #tpu.memory_space<vmem>>, vector<16xi32>,
    %swap3A_152 = arith.constant 96 : index
    %swap3A_153 = tpu.vector_load %arg16[%swap3A_152] {strides = array<i32>} : memref<128xi32, #tpu.memory_space<vmem>>, vector<16xi32>,
    tpu.vector_store %arg16[%swap3A_152], %get3A_151 {strides = array<i32>} : memref<128xi32, #tpu.memory_space<vmem>>, vector<16xi32>,
    %get3A_154 = arith.constant 112 : index
    %get3A_155 = tpu.vector_load %arg14[%get3A_154] {strides = array<i32>} : memref<160xi32, #tpu.memory_space<vmem>>, vector<16xi32>,
    %swap3A_156 = arith.constant 112 : index
    %swap3A_157 = tpu.vector_load %arg16[%swap3A_156] {strides = array<i32>} : memref<128xi32, #tpu.memory_space<vmem>>, vector<16xi32>,
    tpu.vector_store %arg16[%swap3A_156], %get3A_155 {strides = array<i32>} : memref<128xi32, #tpu.memory_space<vmem>>, vector<16xi32>,
    %dma_start3A_158 = arith.constant 0 : i32
    %dma_start3A_159 = tpu.memref_slice %arg4[%dma_start3A_158] : memref<50000xi32, #tpu.memory_space<hbm>> -> memref<50000xi32, #tpu.memory_space<hbm>>
    tpu.enqueue_indirect_dma source(%dma_start3A_159 : memref<50000xi32, #tpu.memory_space<hbm>>) target(%arg17 : memref<128xi32, #tpu.memory_space<vmem>>) offsets(%arg16 : memref<128xi32, #tpu.memory_space<vmem>>) semaphore(%arg19 : memref<!tpu.dma_semaphore, #tpu.memory_space<semaphore_mem>>)
    %dma_wait3A_160 = arith.constant 0 : i32
    %dma_wait3A_161 = tpu.memref_slice %arg4[%dma_wait3A_160] : memref<50000xi32, #tpu.memory_space<hbm>> -> memref<50000xi32, #tpu.memory_space<hbm>>
    tpu.wait_indirect_dma semaphore(%arg19 : memref<!tpu.dma_semaphore, #tpu.memory_space<semaphore_mem>>) src(%dma_wait3A_161 : memref<50000xi32, #tpu.memory_space<hbm>>) dst(%arg17 : memref<128xi32, #tpu.memory_space<vmem>>)
    %dma_start3A_162 = arith.constant 0 : i32
    %dma_start3A_163 = arith.constant 0 : i32
    %dma_start3A_164 = tpu.memref_slice %arg5[%dma_start3A_162, %dma_start3A_163] : memref<100000x32xf32, #tpu.memory_space<hbm>> -> memref<100000x32xf32, #tpu.memory_space<hbm>>
    tpu.enqueue_indirect_dma source(%dma_start3A_164 : memref<100000x32xf32, #tpu.memory_space<hbm>>) target(%arg18 : memref<128x32xf32, #tpu.memory_space<vmem>>) offsets(%arg17 : memref<128xi32, #tpu.memory_space<vmem>>) semaphore(%arg19 : memref<!tpu.dma_semaphore, #tpu.memory_space<semaphore_mem>>)
    %dma_wait3A_165 = arith.constant 0 : i32
    %dma_wait3A_166 = arith.constant 0 : i32
    %dma_wait3A_167 = tpu.memref_slice %arg5[%dma_wait3A_165, %dma_wait3A_166] : memref<100000x32xf32, #tpu.memory_space<hbm>> -> memref<100000x32xf32, #tpu.memory_space<hbm>>
    tpu.wait_indirect_dma semaphore(%arg19 : memref<!tpu.dma_semaphore, #tpu.memory_space<semaphore_mem>>) src(%dma_wait3A_167 : memref<100000x32xf32, #tpu.memory_space<hbm>>) dst(%arg18 : memref<128x32xf32, #tpu.memory_space<vmem>>)
    %mul3A_168 = arith.constant 128 : i32
    %mul3A_169 = arith.muli %add3A, %mul3A_168 : i32
    "tpu.region"() ({
      %run_scoped3A_170 = tpu.sem_alloc : memref<!tpu.dma_semaphore, #tpu.memory_space<semaphore_mem>>
      %dma_start3A_171 = arith.constant 0 : i32
      %dma_start3A_172 = tpu.memref_slice %arg9[%mul3A_169, %dma_start3A_171] : memref<4096x32xf32, #tpu.memory_space<hbm>> -> memref<128x32xf32, #tpu.memory_space<hbm>>
      %dma_start3A_173 = arith.constant 0 : i32
      %dma_start3A_174 = tpu.memref_slice %arg9[%mul3A_169, %dma_start3A_173] : memref<4096x32xf32, #tpu.memory_space<hbm>> -> memref<128x32xf32, #tpu.memory_space<hbm>>
      tpu.enqueue_dma source(%arg18 : memref<128x32xf32, #tpu.memory_space<vmem>>) target(%dma_start3A_174 : memref<128x32xf32, #tpu.memory_space<hbm>>) target_semaphore(%run_scoped3A_170 : memref<!tpu.dma_semaphore, #tpu.memory_space<semaphore_mem>>)
      %dma_wait3A_175 = arith.constant 0 : i32
      %dma_wait3A_176 = tpu.memref_slice %arg9[%mul3A_169, %dma_wait3A_175] : memref<4096x32xf32, #tpu.memory_space<hbm>> -> memref<128x32xf32, #tpu.memory_space<hbm>>
      %dma_wait3A_177 = arith.constant 0 : i32
      %dma_wait3A_178 = tpu.memref_slice %arg9[%mul3A_169, %dma_wait3A_177] : memref<4096x32xf32, #tpu.memory_space<hbm>> -> memref<128x32xf32, #tpu.memory_space<hbm>>
      tpu.wait_dma2 semaphore(%run_scoped3A_170 : memref<!tpu.dma_semaphore, #tpu.memory_space<semaphore_mem>>) src(%arg18 : memref<128x32xf32, #tpu.memory_space<vmem>>) dst(%dma_wait3A_178 : memref<128x32xf32, #tpu.memory_space<hbm>>)
      tpu.yield
    }) : () -> ()
    return
  }
}

module attributes {stable_mosaic.version = 14 : i64} {
  func.func @_gat_body(%arg0: i32, %arg1: memref<512x32xf32, #tpu.memory_space<vmem>>, %arg2: memref<512x32xf32, #tpu.memory_space<vmem>>, %arg3: memref<512x1xi32, #tpu.memory_space<vmem>>, %arg4: memref<1x1024xi32, #tpu.memory_space<vmem>>, %arg5: memref<512x1xi32, #tpu.memory_space<vmem>>, %arg6: memref<1024x1xi32, #tpu.memory_space<vmem>>, %arg7: memref<32x64xf32, #tpu.memory_space<vmem>>, %arg8: memref<32x2xf32, #tpu.memory_space<vmem>>, %arg9: memref<32x2xf32, #tpu.memory_space<vmem>>, %arg10: memref<1x64xf32, #tpu.memory_space<vmem>>, %arg11: memref<64x64xf32, #tpu.memory_space<vmem>>, %arg12: memref<32x2xf32, #tpu.memory_space<vmem>>, %arg13: memref<32x2xf32, #tpu.memory_space<vmem>>, %arg14: memref<1x64xf32, #tpu.memory_space<vmem>>, %arg15: memref<64x32xf32, #tpu.memory_space<vmem>>, %arg16: memref<1x32xf32, #tpu.memory_space<vmem>>, %arg17: memref<1x32xf32, #tpu.memory_space<vmem>>, %arg18: memref<1024x64xf32, #tpu.memory_space<vmem>>, %arg19: memref<1024x2xf32, #tpu.memory_space<vmem>>, %arg20: memref<1x64xf32, #tpu.memory_space<vmem>>, %arg21: memref<1x2xf32, #tpu.memory_space<vmem>>) attributes {dimension_semantics = [#tpu.dimension_semantics<arbitrary>], iteration_bounds = array<i64: 8>, scalar_prefetch = 0 : i64, scratch_operands = 4 : i64, tpu.core_type = #tpu.core_type<tc>, window_params = [{transform_indices = @transform_0, window_bounds = array<i64: 512, 32>}, {transform_indices = @transform_1, window_bounds = array<i64: 512, 32>}, {transform_indices = @transform_2, window_bounds = array<i64: 512, 1>}, {pipeline_mode = #tpu.pipeline_mode<synchronous>, transform_indices = @transform_3, window_bounds = array<i64: 1, 1024>}, {transform_indices = @transform_4, window_bounds = array<i64: 512, 1>}, {pipeline_mode = #tpu.pipeline_mode<synchronous>, transform_indices = @transform_5, window_bounds = array<i64: 1024, 1>}, {pipeline_mode = #tpu.pipeline_mode<synchronous>, transform_indices = @transform_6, window_bounds = array<i64: 32, 64>}, {pipeline_mode = #tpu.pipeline_mode<synchronous>, transform_indices = @transform_7, window_bounds = array<i64: 32, 2>}, {pipeline_mode = #tpu.pipeline_mode<synchronous>, transform_indices = @transform_8, window_bounds = array<i64: 32, 2>}, {pipeline_mode = #tpu.pipeline_mode<synchronous>, transform_indices = @transform_9, window_bounds = array<i64: 1, 64>}, {pipeline_mode = #tpu.pipeline_mode<synchronous>, transform_indices = @transform_10, window_bounds = array<i64: 64, 64>}, {pipeline_mode = #tpu.pipeline_mode<synchronous>, transform_indices = @transform_11, window_bounds = array<i64: 32, 2>}, {pipeline_mode = #tpu.pipeline_mode<synchronous>, transform_indices = @transform_12, window_bounds = array<i64: 32, 2>}, {pipeline_mode = #tpu.pipeline_mode<synchronous>, transform_indices = @transform_13, window_bounds = array<i64: 1, 64>}, {pipeline_mode = #tpu.pipeline_mode<synchronous>, transform_indices = @transform_14, window_bounds = array<i64: 64, 32>}, {pipeline_mode = #tpu.pipeline_mode<synchronous>, transform_indices = @transform_15, window_bounds = array<i64: 1, 32>}, {pipeline_mode = #tpu.pipeline_mode<synchronous>, transform_indices = @transform_16, window_bounds = array<i64: 1, 32>}]} {
    %eq3A = arith.constant 0 : i32
    %eq3A_0 = arith.cmpi eq, %arg0, %eq3A : i32
    %convert_element_type3A = arith.extui %eq3A_0 : i1 to i32
    %cond3A = arith.constant 0 : i32
    %cond3A_1 = arith.cmpi ne, %convert_element_type3A, %cond3A : i32
    scf.if %cond3A_1 {
      %broadcast_in_dim3A_162 = arith.constant 0.000000e+00 : f32
      %broadcast_in_dim3A_163 = vector.broadcast %broadcast_in_dim3A_162 : f32 to vector<1024x64xf32>
      %swap3A_164 = arith.constant 0 : index
      %swap3A_165 = arith.constant 0 : index
      %swap3A_166 = vector.load %arg18[%swap3A_164, %swap3A_165] : memref<1024x64xf32, #tpu.memory_space<vmem>>, vector<1024x64xf32>
      tpu.vector_store %arg18[%swap3A_164, %swap3A_165], %broadcast_in_dim3A_163 {strides = array<i32>} : memref<1024x64xf32, #tpu.memory_space<vmem>>, vector<1024x64xf32>,
      %broadcast_in_dim3A_167 = arith.constant 0.000000e+00 : f32
      %broadcast_in_dim3A_168 = vector.broadcast %broadcast_in_dim3A_167 : f32 to vector<1024x2xf32>
      %swap3A_169 = arith.constant 0 : index
      %swap3A_170 = arith.constant 0 : index
      %swap3A_171 = vector.load %arg19[%swap3A_169, %swap3A_170] : memref<1024x2xf32, #tpu.memory_space<vmem>>, vector<1024x2xf32>
      tpu.vector_store %arg19[%swap3A_169, %swap3A_170], %broadcast_in_dim3A_168 {strides = array<i32>} : memref<1024x2xf32, #tpu.memory_space<vmem>>, vector<1024x2xf32>,
      %broadcast_in_dim3A_172 = arith.constant 0.000000e+00 : f32
      %broadcast_in_dim3A_173 = vector.broadcast %broadcast_in_dim3A_172 : f32 to vector<1x64xf32>
      %swap3A_174 = arith.constant 0 : index
      %swap3A_175 = arith.constant 0 : index
      %swap3A_176 = vector.load %arg20[%swap3A_174, %swap3A_175] : memref<1x64xf32, #tpu.memory_space<vmem>>, vector<1x64xf32>
      tpu.vector_store %arg20[%swap3A_174, %swap3A_175], %broadcast_in_dim3A_173 {strides = array<i32>} : memref<1x64xf32, #tpu.memory_space<vmem>>, vector<1x64xf32>,
      %broadcast_in_dim3A_177 = arith.constant 0.000000e+00 : f32
      %broadcast_in_dim3A_178 = vector.broadcast %broadcast_in_dim3A_177 : f32 to vector<1x2xf32>
      %swap3A_179 = arith.constant 0 : index
      %swap3A_180 = arith.constant 0 : index
      %swap3A_181 = vector.load %arg21[%swap3A_179, %swap3A_180] : memref<1x2xf32, #tpu.memory_space<vmem>>, vector<1x2xf32>
      tpu.vector_store %arg21[%swap3A_179, %swap3A_180], %broadcast_in_dim3A_178 {strides = array<i32>} : memref<1x2xf32, #tpu.memory_space<vmem>>, vector<1x2xf32>,
    } else {
    }
    %get3A = arith.constant 0 : index
    %get3A_2 = arith.constant 0 : index
    %get3A_3 = vector.load %arg1[%get3A, %get3A_2] : memref<512x32xf32, #tpu.memory_space<vmem>>, vector<512x32xf32>
    %get3A_4 = arith.constant 0 : index
    %get3A_5 = arith.constant 0 : index
    %get3A_6 = vector.load %arg7[%get3A_4, %get3A_5] : memref<32x64xf32, #tpu.memory_space<vmem>>, vector<32x64xf32>
    %dot_general3A = arith.constant dense<0.000000e+00> : vector<512x64xf32>
    %dot_general3A_7 = tpu.matmul %get3A_3, %get3A_6, %dot_general3A {dimension_numbers = #tpu.dot_dimension_numbers<[1], [0], [0], [1], [0, 0, 1, 1], [], []>, precision = #tpu.contract_precision<fp32>, transpose_lhs_hint = false} : vector<512x32xf32>, vector<32x64xf32>, vector<512x64xf32> -> vector<512x64xf32>
    %get3A_8 = arith.constant 0 : index
    %get3A_9 = arith.constant 0 : index
    %get3A_10 = vector.load %arg2[%get3A_8, %get3A_9] : memref<512x32xf32, #tpu.memory_space<vmem>>, vector<512x32xf32>
    %get3A_11 = arith.constant 0 : index
    %get3A_12 = arith.constant 0 : index
    %get3A_13 = vector.load %arg7[%get3A_11, %get3A_12] : memref<32x64xf32, #tpu.memory_space<vmem>>, vector<32x64xf32>
    %dot_general3A_14 = arith.constant dense<0.000000e+00> : vector<512x64xf32>
    %dot_general3A_15 = tpu.matmul %get3A_10, %get3A_13, %dot_general3A_14 {dimension_numbers = #tpu.dot_dimension_numbers<[1], [0], [0], [1], [0, 0, 1, 1], [], []>, precision = #tpu.contract_precision<fp32>, transpose_lhs_hint = false} : vector<512x32xf32>, vector<32x64xf32>, vector<512x64xf32> -> vector<512x64xf32>
    %get3A_16 = arith.constant 0 : index
    %get3A_17 = arith.constant 0 : index
    %get3A_18 = vector.load %arg8[%get3A_16, %get3A_17] : memref<32x2xf32, #tpu.memory_space<vmem>>, vector<32x2xf32>
    %get3A_19 = arith.constant 0 : index
    %get3A_20 = arith.constant 0 : index
    %get3A_21 = vector.load %arg9[%get3A_19, %get3A_20] : memref<32x2xf32, #tpu.memory_space<vmem>>, vector<32x2xf32>
    %get3A_22 = arith.constant 0 : index
    %get3A_23 = arith.constant 0 : index
    %get3A_24 = vector.load %arg3[%get3A_22, %get3A_23] : memref<512x1xi32, #tpu.memory_space<vmem>>, vector<512x1xi32>
    %get3A_25 = arith.constant 0 : index
    %get3A_26 = arith.constant 0 : index
    %get3A_27 = vector.load %arg4[%get3A_25, %get3A_26] : memref<1x1024xi32, #tpu.memory_space<vmem>>, vector<1x1024xi32>
    %get3A_28 = arith.constant 0 : index
    %get3A_29 = arith.constant 0 : index
    %get3A_30 = vector.load %arg5[%get3A_28, %get3A_29] : memref<512x1xi32, #tpu.memory_space<vmem>>, vector<512x1xi32>
    %iota3A = tpu.iota {dimensions = array<i32: 0>} : vector<512x1xi32>
    %rem3A = arith.constant 128 : i32
    %rem3A_31 = vector.broadcast %rem3A : i32 to vector<512x1xi32>
    %rem3A_32 = arith.remsi %iota3A, %rem3A_31 : vector<512x1xi32>
    %lt3A = arith.cmpi slt, %rem3A_32, %get3A_30 : vector<512x1xi32>
    %convert_element_type3A_33 = arith.extui %lt3A : vector<512x1xi1> to vector<512x1xi32>
    %convert_element_type3A_34 = arith.sitofp %convert_element_type3A_33 : vector<512x1xi32> to vector<512x1xf32>
    %eq3A_35 = vector.broadcast %get3A_24 : vector<512x1xi32> to vector<512x1024xi32>
    %eq3A_36 = vector.broadcast %get3A_27 : vector<1x1024xi32> to vector<512x1024xi32>
    %eq3A_37 = arith.cmpi eq, %eq3A_35, %eq3A_36 : vector<512x1024xi32>
    %convert_element_type3A_38 = arith.extui %eq3A_37 : vector<512x1024xi1> to vector<512x1024xi32>
    %convert_element_type3A_39 = arith.sitofp %convert_element_type3A_38 : vector<512x1024xi32> to vector<512x1024xf32>
    %eq3A_40 = arith.constant 49999 : i32
    %eq3A_41 = vector.broadcast %eq3A_40 : i32 to vector<512x1xi32>
    %eq3A_42 = arith.cmpi eq, %get3A_24, %eq3A_41 : vector<512x1xi32>
    %convert_element_type3A_43 = arith.extui %eq3A_42 : vector<512x1xi1> to vector<512x1xi32>
    %convert_element_type3A_44 = arith.sitofp %convert_element_type3A_43 : vector<512x1xi32> to vector<512x1xf32>
    %broadcast_in_dim3A = arith.constant 1.000000e+00 : f32
    %broadcast_in_dim3A_45 = vector.broadcast %broadcast_in_dim3A : f32 to vector<512x1xf32>
    %slice3A = vector.extract_strided_slice %dot_general3A_7 {offsets = [0, 0], sizes = [512, 32], strides = [1, 1]} : vector<512x64xf32> to vector<512x32xf32>
    %slice3A_46 = vector.extract_strided_slice %get3A_18 {offsets = [0, 0], sizes = [32, 1], strides = [1, 1]} : vector<32x2xf32> to vector<32x1xf32>
    %dot_general3A_47 = arith.constant dense<0.000000e+00> : vector<512x1xf32>
    %dot_general3A_48 = tpu.matmul %slice3A, %slice3A_46, %dot_general3A_47 {dimension_numbers = #tpu.dot_dimension_numbers<[1], [0], [0], [1], [0, 0, 1, 1], [], []>, precision = #tpu.contract_precision<fp32>, transpose_lhs_hint = false} : vector<512x32xf32>, vector<32x1xf32>, vector<512x1xf32> -> vector<512x1xf32>
    %slice3A_49 = vector.extract_strided_slice %dot_general3A_15 {offsets = [0, 0], sizes = [512, 32], strides = [1, 1]} : vector<512x64xf32> to vector<512x32xf32>
    %slice3A_50 = vector.extract_strided_slice %get3A_21 {offsets = [0, 0], sizes = [32, 1], strides = [1, 1]} : vector<32x2xf32> to vector<32x1xf32>
    %dot_general3A_51 = arith.constant dense<0.000000e+00> : vector<512x1xf32>
    %dot_general3A_52 = tpu.matmul %slice3A_49, %slice3A_50, %dot_general3A_51 {dimension_numbers = #tpu.dot_dimension_numbers<[1], [0], [0], [1], [0, 0, 1, 1], [], []>, precision = #tpu.contract_precision<fp32>, transpose_lhs_hint = false} : vector<512x32xf32>, vector<32x1xf32>, vector<512x1xf32> -> vector<512x1xf32>
    %add3A = arith.addf %dot_general3A_48, %dot_general3A_52 : vector<512x1xf32>
    %gt3A = arith.constant 0.000000e+00 : f32
    %gt3A_53 = vector.broadcast %gt3A : f32 to vector<512x1xf32>
    %gt3A_54 = arith.cmpf ogt, %add3A, %gt3A_53 : vector<512x1xf32>
    %mul3A = arith.constant 2.000000e-01 : f32
    %mul3A_55 = vector.broadcast %mul3A : f32 to vector<512x1xf32>
    %mul3A_56 = arith.mulf %mul3A_55, %add3A : vector<512x1xf32>
    %select_n3A = arith.select %gt3A_54, %add3A, %mul3A_56 : vector<512x1xi1>, vector<512x1xf32>
    %exp3A = math.exp %select_n3A : vector<512x1xf32>
    %mul3A_57 = arith.mulf %exp3A, %convert_element_type3A_34 : vector<512x1xf32>
    %mul3A_58 = vector.broadcast %mul3A_57 : vector<512x1xf32> to vector<512x1024xf32>
    %mul3A_59 = arith.mulf %convert_element_type3A_39, %mul3A_58 : vector<512x1024xf32>
    %mul3A_60 = arith.mulf %convert_element_type3A_44, %mul3A_57 : vector<512x1xf32>
    %get3A_61 = arith.constant 0 : index
    %get3A_62 = arith.constant 0 : index
    %get3A_63 = vector.load %arg18[%get3A_61, %get3A_62] : memref<1024x64xf32, #tpu.memory_space<vmem>>, vector<1024x32xf32>
    %slice3A_64 = vector.extract_strided_slice %dot_general3A_7 {offsets = [0, 0], sizes = [512, 32], strides = [1, 1]} : vector<512x64xf32> to vector<512x32xf32>
    %dot_general3A_65 = arith.constant dense<0.000000e+00> : vector<1024x32xf32>
    %dot_general3A_66 = tpu.matmul %mul3A_59, %slice3A_64, %dot_general3A_65 {dimension_numbers = #tpu.dot_dimension_numbers<[0], [0], [1], [1], [0, 1, 1, 1], [], []>, precision = #tpu.contract_precision<fp32>, transpose_lhs_hint = false} : vector<512x1024xf32>, vector<512x32xf32>, vector<1024x32xf32> -> vector<1024x32xf32>
    %add3A_67 = arith.addf %get3A_63, %dot_general3A_66 : vector<1024x32xf32>
    %swap3A = arith.constant 0 : index
    %swap3A_68 = arith.constant 0 : index
    %swap3A_69 = vector.load %arg18[%swap3A, %swap3A_68] : memref<1024x64xf32, #tpu.memory_space<vmem>>, vector<1024x32xf32>
    tpu.vector_store %arg18[%swap3A, %swap3A_68], %add3A_67 {strides = array<i32>} : memref<1024x64xf32, #tpu.memory_space<vmem>>, vector<1024x32xf32>,
    %get3A_70 = arith.constant 0 : index
    %get3A_71 = arith.constant 0 : index
    %get3A_72 = vector.load %arg19[%get3A_70, %get3A_71] : memref<1024x2xf32, #tpu.memory_space<vmem>>, vector<1024x1xf32>
    %dot_general3A_73 = arith.constant dense<0.000000e+00> : vector<1024x1xf32>
    %dot_general3A_74 = tpu.matmul %mul3A_59, %broadcast_in_dim3A_45, %dot_general3A_73 {dimension_numbers = #tpu.dot_dimension_numbers<[0], [0], [1], [1], [0, 1, 1, 1], [], []>, precision = #tpu.contract_precision<fp32>, transpose_lhs_hint = false} : vector<512x1024xf32>, vector<512x1xf32>, vector<1024x1xf32> -> vector<1024x1xf32>
    %add3A_75 = arith.addf %get3A_72, %dot_general3A_74 : vector<1024x1xf32>
    %swap3A_76 = arith.constant 0 : index
    %swap3A_77 = arith.constant 0 : index
    %swap3A_78 = vector.load %arg19[%swap3A_76, %swap3A_77] : memref<1024x2xf32, #tpu.memory_space<vmem>>, vector<1024x1xf32>
    tpu.vector_store %arg19[%swap3A_76, %swap3A_77], %add3A_75 {strides = array<i32>} : memref<1024x2xf32, #tpu.memory_space<vmem>>, vector<1024x1xf32>,
    %get3A_79 = arith.constant 0 : index
    %get3A_80 = arith.constant 0 : index
    %get3A_81 = vector.load %arg20[%get3A_79, %get3A_80] : memref<1x64xf32, #tpu.memory_space<vmem>>, vector<1x32xf32>
    %slice3A_82 = vector.extract_strided_slice %dot_general3A_7 {offsets = [0, 0], sizes = [512, 32], strides = [1, 1]} : vector<512x64xf32> to vector<512x32xf32>
    %dot_general3A_83 = arith.constant dense<0.000000e+00> : vector<1x32xf32>
    %dot_general3A_84 = tpu.matmul %mul3A_60, %slice3A_82, %dot_general3A_83 {dimension_numbers = #tpu.dot_dimension_numbers<[0], [0], [1], [1], [0, 1, 1, 1], [], []>, precision = #tpu.contract_precision<fp32>, transpose_lhs_hint = false} : vector<512x1xf32>, vector<512x32xf32>, vector<1x32xf32> -> vector<1x32xf32>
    %add3A_85 = arith.addf %get3A_81, %dot_general3A_84 : vector<1x32xf32>
    %swap3A_86 = arith.constant 0 : index
    %swap3A_87 = arith.constant 0 : index
    %swap3A_88 = vector.load %arg20[%swap3A_86, %swap3A_87] : memref<1x64xf32, #tpu.memory_space<vmem>>, vector<1x32xf32>
    tpu.vector_store %arg20[%swap3A_86, %swap3A_87], %add3A_85 {strides = array<i32>} : memref<1x64xf32, #tpu.memory_space<vmem>>, vector<1x32xf32>,
    %get3A_89 = arith.constant 0 : index
    %get3A_90 = arith.constant 0 : index
    %get3A_91 = vector.load %arg21[%get3A_89, %get3A_90] : memref<1x2xf32, #tpu.memory_space<vmem>>, vector<1x1xf32>
    %dot_general3A_92 = arith.constant dense<0.000000e+00> : vector<1x1xf32>
    %dot_general3A_93 = tpu.matmul %mul3A_60, %broadcast_in_dim3A_45, %dot_general3A_92 {dimension_numbers = #tpu.dot_dimension_numbers<[0], [0], [1], [1], [0, 1, 1, 1], [], []>, precision = #tpu.contract_precision<fp32>, transpose_lhs_hint = false} : vector<512x1xf32>, vector<512x1xf32>, vector<1x1xf32> -> vector<1x1xf32>
    %add3A_94 = arith.addf %get3A_91, %dot_general3A_93 : vector<1x1xf32>
    %swap3A_95 = arith.constant 0 : index
    %swap3A_96 = arith.constant 0 : index
    %swap3A_97 = vector.load %arg21[%swap3A_95, %swap3A_96] : memref<1x2xf32, #tpu.memory_space<vmem>>, vector<1x1xf32>
    tpu.vector_store %arg21[%swap3A_95, %swap3A_96], %add3A_94 {strides = array<i32>} : memref<1x2xf32, #tpu.memory_space<vmem>>, vector<1x1xf32>,
    %slice3A_98 = vector.extract_strided_slice %dot_general3A_7 {offsets = [0, 32], sizes = [512, 32], strides = [1, 1]} : vector<512x64xf32> to vector<512x32xf32>
    %slice3A_99 = vector.extract_strided_slice %get3A_18 {offsets = [0, 1], sizes = [32, 1], strides = [1, 1]} : vector<32x2xf32> to vector<32x1xf32>
    %dot_general3A_100 = arith.constant dense<0.000000e+00> : vector<512x1xf32>
    %dot_general3A_101 = tpu.matmul %slice3A_98, %slice3A_99, %dot_general3A_100 {dimension_numbers = #tpu.dot_dimension_numbers<[1], [0], [0], [1], [0, 0, 1, 1], [], []>, precision = #tpu.contract_precision<fp32>, transpose_lhs_hint = false} : vector<512x32xf32>, vector<32x1xf32>, vector<512x1xf32> -> vector<512x1xf32>
    %slice3A_102 = vector.extract_strided_slice %dot_general3A_15 {offsets = [0, 32], sizes = [512, 32], strides = [1, 1]} : vector<512x64xf32> to vector<512x32xf32>
    %slice3A_103 = vector.extract_strided_slice %get3A_21 {offsets = [0, 1], sizes = [32, 1], strides = [1, 1]} : vector<32x2xf32> to vector<32x1xf32>
    %dot_general3A_104 = arith.constant dense<0.000000e+00> : vector<512x1xf32>
    %dot_general3A_105 = tpu.matmul %slice3A_102, %slice3A_103, %dot_general3A_104 {dimension_numbers = #tpu.dot_dimension_numbers<[1], [0], [0], [1], [0, 0, 1, 1], [], []>, precision = #tpu.contract_precision<fp32>, transpose_lhs_hint = false} : vector<512x32xf32>, vector<32x1xf32>, vector<512x1xf32> -> vector<512x1xf32>
    %add3A_106 = arith.addf %dot_general3A_101, %dot_general3A_105 : vector<512x1xf32>
    %gt3A_107 = arith.constant 0.000000e+00 : f32
    %gt3A_108 = vector.broadcast %gt3A_107 : f32 to vector<512x1xf32>
    %gt3A_109 = arith.cmpf ogt, %add3A_106, %gt3A_108 : vector<512x1xf32>
    %mul3A_110 = arith.constant 2.000000e-01 : f32
    %mul3A_111 = vector.broadcast %mul3A_110 : f32 to vector<512x1xf32>
    %mul3A_112 = arith.mulf %mul3A_111, %add3A_106 : vector<512x1xf32>
    %select_n3A_113 = arith.select %gt3A_109, %add3A_106, %mul3A_112 : vector<512x1xi1>, vector<512x1xf32>
    %exp3A_114 = math.exp %select_n3A_113 : vector<512x1xf32>
    %mul3A_115 = arith.mulf %exp3A_114, %convert_element_type3A_34 : vector<512x1xf32>
    %mul3A_116 = vector.broadcast %mul3A_115 : vector<512x1xf32> to vector<512x1024xf32>
    %mul3A_117 = arith.mulf %convert_element_type3A_39, %mul3A_116 : vector<512x1024xf32>
    %mul3A_118 = arith.mulf %convert_element_type3A_44, %mul3A_115 : vector<512x1xf32>
    %get3A_119 = arith.constant 0 : index
    %get3A_120 = arith.constant 32 : index
    %get3A_121 = vector.load %arg18[%get3A_119, %get3A_120] : memref<1024x64xf32, #tpu.memory_space<vmem>>, vector<1024x32xf32>
    %slice3A_122 = vector.extract_strided_slice %dot_general3A_7 {offsets = [0, 32], sizes = [512, 32], strides = [1, 1]} : vector<512x64xf32> to vector<512x32xf32>
    %dot_general3A_123 = arith.constant dense<0.000000e+00> : vector<1024x32xf32>
    %dot_general3A_124 = tpu.matmul %mul3A_117, %slice3A_122, %dot_general3A_123 {dimension_numbers = #tpu.dot_dimension_numbers<[0], [0], [1], [1], [0, 1, 1, 1], [], []>, precision = #tpu.contract_precision<fp32>, transpose_lhs_hint = false} : vector<512x1024xf32>, vector<512x32xf32>, vector<1024x32xf32> -> vector<1024x32xf32>
    %add3A_125 = arith.addf %get3A_121, %dot_general3A_124 : vector<1024x32xf32>
    %swap3A_126 = arith.constant 0 : index
    %swap3A_127 = arith.constant 32 : index
    %swap3A_128 = vector.load %arg18[%swap3A_126, %swap3A_127] : memref<1024x64xf32, #tpu.memory_space<vmem>>, vector<1024x32xf32>
    tpu.vector_store %arg18[%swap3A_126, %swap3A_127], %add3A_125 {strides = array<i32>} : memref<1024x64xf32, #tpu.memory_space<vmem>>, vector<1024x32xf32>,
    %get3A_129 = arith.constant 0 : index
    %get3A_130 = arith.constant 1 : index
    %get3A_131 = vector.load %arg19[%get3A_129, %get3A_130] : memref<1024x2xf32, #tpu.memory_space<vmem>>, vector<1024x1xf32>
    %dot_general3A_132 = arith.constant dense<0.000000e+00> : vector<1024x1xf32>
    %dot_general3A_133 = tpu.matmul %mul3A_117, %broadcast_in_dim3A_45, %dot_general3A_132 {dimension_numbers = #tpu.dot_dimension_numbers<[0], [0], [1], [1], [0, 1, 1, 1], [], []>, precision = #tpu.contract_precision<fp32>, transpose_lhs_hint = false} : vector<512x1024xf32>, vector<512x1xf32>, vector<1024x1xf32> -> vector<1024x1xf32>
    %add3A_134 = arith.addf %get3A_131, %dot_general3A_133 : vector<1024x1xf32>
    %swap3A_135 = arith.constant 0 : index
    %swap3A_136 = arith.constant 1 : index
    %swap3A_137 = vector.load %arg19[%swap3A_135, %swap3A_136] : memref<1024x2xf32, #tpu.memory_space<vmem>>, vector<1024x1xf32>
    tpu.vector_store %arg19[%swap3A_135, %swap3A_136], %add3A_134 {strides = array<i32>} : memref<1024x2xf32, #tpu.memory_space<vmem>>, vector<1024x1xf32>,
    %get3A_138 = arith.constant 0 : index
    %get3A_139 = arith.constant 32 : index
    %get3A_140 = vector.load %arg20[%get3A_138, %get3A_139] : memref<1x64xf32, #tpu.memory_space<vmem>>, vector<1x32xf32>
    %slice3A_141 = vector.extract_strided_slice %dot_general3A_7 {offsets = [0, 32], sizes = [512, 32], strides = [1, 1]} : vector<512x64xf32> to vector<512x32xf32>
    %dot_general3A_142 = arith.constant dense<0.000000e+00> : vector<1x32xf32>
    %dot_general3A_143 = tpu.matmul %mul3A_118, %slice3A_141, %dot_general3A_142 {dimension_numbers = #tpu.dot_dimension_numbers<[0], [0], [1], [1], [0, 1, 1, 1], [], []>, precision = #tpu.contract_precision<fp32>, transpose_lhs_hint = false} : vector<512x1xf32>, vector<512x32xf32>, vector<1x32xf32> -> vector<1x32xf32>
    %add3A_144 = arith.addf %get3A_140, %dot_general3A_143 : vector<1x32xf32>
    %swap3A_145 = arith.constant 0 : index
    %swap3A_146 = arith.constant 32 : index
    %swap3A_147 = vector.load %arg20[%swap3A_145, %swap3A_146] : memref<1x64xf32, #tpu.memory_space<vmem>>, vector<1x32xf32>
    tpu.vector_store %arg20[%swap3A_145, %swap3A_146], %add3A_144 {strides = array<i32>} : memref<1x64xf32, #tpu.memory_space<vmem>>, vector<1x32xf32>,
    %get3A_148 = arith.constant 0 : index
    %get3A_149 = arith.constant 1 : index
    %get3A_150 = vector.load %arg21[%get3A_148, %get3A_149] : memref<1x2xf32, #tpu.memory_space<vmem>>, vector<1x1xf32>
    %dot_general3A_151 = arith.constant dense<0.000000e+00> : vector<1x1xf32>
    %dot_general3A_152 = tpu.matmul %mul3A_118, %broadcast_in_dim3A_45, %dot_general3A_151 {dimension_numbers = #tpu.dot_dimension_numbers<[0], [0], [1], [1], [0, 1, 1, 1], [], []>, precision = #tpu.contract_precision<fp32>, transpose_lhs_hint = false} : vector<512x1xf32>, vector<512x1xf32>, vector<1x1xf32> -> vector<1x1xf32>
    %add3A_153 = arith.addf %get3A_150, %dot_general3A_152 : vector<1x1xf32>
    %swap3A_154 = arith.constant 0 : index
    %swap3A_155 = arith.constant 1 : index
    %swap3A_156 = vector.load %arg21[%swap3A_154, %swap3A_155] : memref<1x2xf32, #tpu.memory_space<vmem>>, vector<1x1xf32>
    tpu.vector_store %arg21[%swap3A_154, %swap3A_155], %add3A_153 {strides = array<i32>} : memref<1x2xf32, #tpu.memory_space<vmem>>, vector<1x1xf32>,
    %eq3A_157 = arith.constant 7 : i32
    %eq3A_158 = arith.cmpi eq, %arg0, %eq3A_157 : i32
    %convert_element_type3A_159 = arith.extui %eq3A_158 : i1 to i32
    %cond3A_160 = arith.constant 0 : i32
    %cond3A_161 = arith.cmpi ne, %convert_element_type3A_159, %cond3A_160 : i32
    scf.if %cond3A_161 {
      %get3A_162 = arith.constant 0 : index
      %get3A_163 = arith.constant 0 : index
      %get3A_164 = vector.load %arg18[%get3A_162, %get3A_163] : memref<1024x64xf32, #tpu.memory_space<vmem>>, vector<1024x64xf32>
      %get3A_165 = arith.constant 0 : index
      %get3A_166 = arith.constant 0 : index
      %get3A_167 = vector.load %arg19[%get3A_165, %get3A_166] : memref<1024x2xf32, #tpu.memory_space<vmem>>, vector<1024x2xf32>
      %get3A_168 = arith.constant 0 : index
      %get3A_169 = arith.constant 0 : index
      %get3A_170 = vector.load %arg20[%get3A_168, %get3A_169] : memref<1x64xf32, #tpu.memory_space<vmem>>, vector<1x64xf32>
      %get3A_171 = arith.constant 0 : index
      %get3A_172 = arith.constant 0 : index
      %get3A_173 = vector.load %arg21[%get3A_171, %get3A_172] : memref<1x2xf32, #tpu.memory_space<vmem>>, vector<1x2xf32>
      %slice3A_174 = vector.extract_strided_slice %get3A_164 {offsets = [0, 0], sizes = [1024, 32], strides = [1, 1]} : vector<1024x64xf32> to vector<1024x32xf32>
      %slice3A_175 = vector.extract_strided_slice %get3A_167 {offsets = [0, 0], sizes = [1024, 1], strides = [1, 1]} : vector<1024x2xf32> to vector<1024x1xf32>
      %add3A_176 = arith.constant 1.000000e-16 : f32
      %add3A_177 = vector.broadcast %add3A_176 : f32 to vector<1024x1xf32>
      %add3A_178 = arith.addf %slice3A_175, %add3A_177 : vector<1024x1xf32>
      %div3A = vector.broadcast %add3A_178 : vector<1024x1xf32> to vector<1024x32xf32>
      %div3A_179 = arith.divf %slice3A_174, %div3A : vector<1024x32xf32>
      %slice3A_180 = vector.extract_strided_slice %get3A_164 {offsets = [0, 32], sizes = [1024, 32], strides = [1, 1]} : vector<1024x64xf32> to vector<1024x32xf32>
      %slice3A_181 = vector.extract_strided_slice %get3A_167 {offsets = [0, 1], sizes = [1024, 1], strides = [1, 1]} : vector<1024x2xf32> to vector<1024x1xf32>
      %add3A_182 = arith.constant 1.000000e-16 : f32
      %add3A_183 = vector.broadcast %add3A_182 : f32 to vector<1024x1xf32>
      %add3A_184 = arith.addf %slice3A_181, %add3A_183 : vector<1024x1xf32>
      %div3A_185 = vector.broadcast %add3A_184 : vector<1024x1xf32> to vector<1024x32xf32>
      %div3A_186 = arith.divf %slice3A_180, %div3A_185 : vector<1024x32xf32>
      %concatenate3A = tpu.concatenate %div3A_179, %div3A_186 in 1 : vector<1024x32xf32>, vector<1024x32xf32> -> vector<1024x64xf32>
      %get3A_187 = arith.constant 0 : index
      %get3A_188 = arith.constant 0 : index
      %get3A_189 = vector.load %arg10[%get3A_187, %get3A_188] : memref<1x64xf32, #tpu.memory_space<vmem>>, vector<1x64xf32>
      %add3A_190 = vector.broadcast %get3A_189 : vector<1x64xf32> to vector<1024x64xf32>
      %add3A_191 = arith.addf %concatenate3A, %add3A_190 : vector<1024x64xf32>
      %gt3A_192 = arith.constant 0.000000e+00 : f32
      %gt3A_193 = vector.broadcast %gt3A_192 : f32 to vector<1024x64xf32>
      %gt3A_194 = arith.cmpf ogt, %add3A_191, %gt3A_193 : vector<1024x64xf32>
      %exp3A_195 = math.exp %add3A_191 : vector<1024x64xf32>
      %sub3A = arith.constant 1.000000e+00 : f32
      %sub3A_196 = vector.broadcast %sub3A : f32 to vector<1024x64xf32>
      %sub3A_197 = arith.subf %exp3A_195, %sub3A_196 : vector<1024x64xf32>
      %select_n3A_198 = arith.select %gt3A_194, %add3A_191, %sub3A_197 : vector<1024x64xi1>, vector<1024x64xf32>
      %mul3A_199 = arith.mulf %select_n3A_198, %select_n3A_198 : vector<1024x64xf32>
      %reduce_sum3A = arith.constant dense<0.000000e+00> : vector<1024xf32>
      %reduce_sum3A_200 = vector.multi_reduction <add>, %mul3A_199, %reduce_sum3A [1] : vector<1024x64xf32> to vector<1024xf32>
      %broadcast_in_dim3A_201 = vector.shape_cast %reduce_sum3A_200 : vector<1024xf32> to vector<1024x1xf32>
      %sqrt3A = math.sqrt %broadcast_in_dim3A_201 : vector<1024x1xf32>
      %max3A = arith.constant 9.99999996E-13 : f32
      %max3A_202 = vector.broadcast %max3A : f32 to vector<1024x1xf32>
      %max3A_203 = arith.maximumf %sqrt3A, %max3A_202 : vector<1024x1xf32>
      %div3A_204 = vector.broadcast %max3A_203 : vector<1024x1xf32> to vector<1024x64xf32>
      %div3A_205 = arith.divf %select_n3A_198, %div3A_204 : vector<1024x64xf32>
      %slice3A_206 = vector.extract_strided_slice %get3A_170 {offsets = [0, 0], sizes = [1, 32], strides = [1, 1]} : vector<1x64xf32> to vector<1x32xf32>
      %slice3A_207 = vector.extract_strided_slice %get3A_173 {offsets = [0, 0], sizes = [1, 1], strides = [1, 1]} : vector<1x2xf32> to vector<1x1xf32>
      %add3A_208 = arith.constant 1.000000e-16 : f32
      %add3A_209 = vector.broadcast %add3A_208 : f32 to vector<1x1xf32>
      %add3A_210 = arith.addf %slice3A_207, %add3A_209 : vector<1x1xf32>
      %div3A_211 = vector.broadcast %add3A_210 : vector<1x1xf32> to vector<1x32xf32>
      %div3A_212 = arith.divf %slice3A_206, %div3A_211 : vector<1x32xf32>
      %slice3A_213 = vector.extract_strided_slice %get3A_170 {offsets = [0, 32], sizes = [1, 32], strides = [1, 1]} : vector<1x64xf32> to vector<1x32xf32>
      %slice3A_214 = vector.extract_strided_slice %get3A_173 {offsets = [0, 1], sizes = [1, 1], strides = [1, 1]} : vector<1x2xf32> to vector<1x1xf32>
      %add3A_215 = arith.constant 1.000000e-16 : f32
      %add3A_216 = vector.broadcast %add3A_215 : f32 to vector<1x1xf32>
      %add3A_217 = arith.addf %slice3A_214, %add3A_216 : vector<1x1xf32>
      %div3A_218 = vector.broadcast %add3A_217 : vector<1x1xf32> to vector<1x32xf32>
      %div3A_219 = arith.divf %slice3A_213, %div3A_218 : vector<1x32xf32>
      %concatenate3A_220 = tpu.concatenate %div3A_212, %div3A_219 in 1 : vector<1x32xf32>, vector<1x32xf32> -> vector<1x64xf32>
      %get3A_221 = arith.constant 0 : index
      %get3A_222 = arith.constant 0 : index
      %get3A_223 = vector.load %arg10[%get3A_221, %get3A_222] : memref<1x64xf32, #tpu.memory_space<vmem>>, vector<1x64xf32>
      %add3A_224 = arith.addf %concatenate3A_220, %get3A_223 : vector<1x64xf32>
      %gt3A_225 = arith.constant 0.000000e+00 : f32
      %gt3A_226 = vector.broadcast %gt3A_225 : f32 to vector<1x64xf32>
      %gt3A_227 = arith.cmpf ogt, %add3A_224, %gt3A_226 : vector<1x64xf32>
      %exp3A_228 = math.exp %add3A_224 : vector<1x64xf32>
      %sub3A_229 = arith.constant 1.000000e+00 : f32
      %sub3A_230 = vector.broadcast %sub3A_229 : f32 to vector<1x64xf32>
      %sub3A_231 = arith.subf %exp3A_228, %sub3A_230 : vector<1x64xf32>
      %select_n3A_232 = arith.select %gt3A_227, %add3A_224, %sub3A_231 : vector<1x64xi1>, vector<1x64xf32>
      %mul3A_233 = arith.mulf %select_n3A_232, %select_n3A_232 : vector<1x64xf32>
      %reduce_sum3A_234 = arith.constant dense<0.000000e+00> : vector<1xf32>
      %reduce_sum3A_235 = vector.multi_reduction <add>, %mul3A_233, %reduce_sum3A_234 [1] : vector<1x64xf32> to vector<1xf32>
      %broadcast_in_dim3A_236 = vector.shape_cast %reduce_sum3A_235 : vector<1xf32> to vector<1x1xf32>
      %sqrt3A_237 = math.sqrt %broadcast_in_dim3A_236 : vector<1x1xf32>
      %max3A_238 = arith.constant 9.99999996E-13 : f32
      %max3A_239 = vector.broadcast %max3A_238 : f32 to vector<1x1xf32>
      %max3A_240 = arith.maximumf %sqrt3A_237, %max3A_239 : vector<1x1xf32>
      %div3A_241 = vector.broadcast %max3A_240 : vector<1x1xf32> to vector<1x64xf32>
      %div3A_242 = arith.divf %select_n3A_232, %div3A_241 : vector<1x64xf32>
      %get3A_243 = arith.constant 0 : index
      %get3A_244 = arith.constant 0 : index
      %get3A_245 = vector.load %arg11[%get3A_243, %get3A_244] : memref<64x64xf32, #tpu.memory_space<vmem>>, vector<64x64xf32>
      %dot_general3A_246 = arith.constant dense<0.000000e+00> : vector<1024x64xf32>
      %dot_general3A_247 = tpu.matmul %div3A_205, %get3A_245, %dot_general3A_246 {dimension_numbers = #tpu.dot_dimension_numbers<[1], [0], [0], [1], [0, 0, 1, 1], [], []>, precision = #tpu.contract_precision<fp32>, transpose_lhs_hint = false} : vector<1024x64xf32>, vector<64x64xf32>, vector<1024x64xf32> -> vector<1024x64xf32>
      %get3A_248 = arith.constant 0 : index
      %get3A_249 = arith.constant 0 : index
      %get3A_250 = vector.load %arg11[%get3A_248, %get3A_249] : memref<64x64xf32, #tpu.memory_space<vmem>>, vector<64x64xf32>
      %dot_general3A_251 = arith.constant dense<0.000000e+00> : vector<1x64xf32>
      %dot_general3A_252 = tpu.matmul %div3A_242, %get3A_250, %dot_general3A_251 {dimension_numbers = #tpu.dot_dimension_numbers<[1], [0], [0], [1], [0, 0, 1, 1], [], []>, precision = #tpu.contract_precision<fp32>, transpose_lhs_hint = false} : vector<1x64xf32>, vector<64x64xf32>, vector<1x64xf32> -> vector<1x64xf32>
      %get3A_253 = arith.constant 0 : index
      %get3A_254 = arith.constant 0 : index
      %get3A_255 = vector.load %arg12[%get3A_253, %get3A_254] : memref<32x2xf32, #tpu.memory_space<vmem>>, vector<32x2xf32>
      %get3A_256 = arith.constant 0 : index
      %get3A_257 = arith.constant 0 : index
      %get3A_258 = vector.load %arg13[%get3A_256, %get3A_257] : memref<32x2xf32, #tpu.memory_space<vmem>>, vector<32x2xf32>
      %get3A_259 = arith.constant 0 : index
      %get3A_260 = arith.constant 0 : index
      %get3A_261 = vector.load %arg6[%get3A_259, %get3A_260] : memref<1024x1xi32, #tpu.memory_space<vmem>>, vector<1024x1xi32>
      %iota3A_262 = tpu.iota {dimensions = array<i32: 0>} : vector<1024x1xi32>
      %rem3A_263 = arith.constant 32 : i32
      %rem3A_264 = vector.broadcast %rem3A_263 : i32 to vector<1024x1xi32>
      %rem3A_265 = arith.remsi %iota3A_262, %rem3A_264 : vector<1024x1xi32>
      %lt3A_266 = arith.cmpi slt, %rem3A_265, %get3A_261 : vector<1024x1xi32>
      %convert_element_type3A_267 = arith.extui %lt3A_266 : vector<1024x1xi1> to vector<1024x1xi32>
      %convert_element_type3A_268 = arith.sitofp %convert_element_type3A_267 : vector<1024x1xi32> to vector<1024x1xf32>
      %slice3A_269 = vector.extract_strided_slice %dot_general3A_247 {offsets = [0, 0], sizes = [1024, 32], strides = [1, 1]} : vector<1024x64xf32> to vector<1024x32xf32>
      %slice3A_270 = vector.extract_strided_slice %get3A_255 {offsets = [0, 0], sizes = [32, 1], strides = [1, 1]} : vector<32x2xf32> to vector<32x1xf32>
      %dot_general3A_271 = arith.constant dense<0.000000e+00> : vector<1024x1xf32>
      %dot_general3A_272 = tpu.matmul %slice3A_269, %slice3A_270, %dot_general3A_271 {dimension_numbers = #tpu.dot_dimension_numbers<[1], [0], [0], [1], [0, 0, 1, 1], [], []>, precision = #tpu.contract_precision<fp32>, transpose_lhs_hint = false} : vector<1024x32xf32>, vector<32x1xf32>, vector<1024x1xf32> -> vector<1024x1xf32>
      %slice3A_273 = vector.extract_strided_slice %dot_general3A_252 {offsets = [0, 0], sizes = [1, 32], strides = [1, 1]} : vector<1x64xf32> to vector<1x32xf32>
      %slice3A_274 = vector.extract_strided_slice %get3A_255 {offsets = [0, 0], sizes = [32, 1], strides = [1, 1]} : vector<32x2xf32> to vector<32x1xf32>
      %dot_general3A_275 = arith.constant dense<0.000000e+00> : vector<1x1xf32>
      %dot_general3A_276 = tpu.matmul %slice3A_273, %slice3A_274, %dot_general3A_275 {dimension_numbers = #tpu.dot_dimension_numbers<[1], [0], [0], [1], [0, 0, 1, 1], [], []>, precision = #tpu.contract_precision<fp32>, transpose_lhs_hint = false} : vector<1x32xf32>, vector<32x1xf32>, vector<1x1xf32> -> vector<1x1xf32>
      %slice3A_277 = vector.extract_strided_slice %dot_general3A_252 {offsets = [0, 0], sizes = [1, 32], strides = [1, 1]} : vector<1x64xf32> to vector<1x32xf32>
      %slice3A_278 = vector.extract_strided_slice %get3A_258 {offsets = [0, 0], sizes = [32, 1], strides = [1, 1]} : vector<32x2xf32> to vector<32x1xf32>
      %dot_general3A_279 = arith.constant dense<0.000000e+00> : vector<1x1xf32>
      %dot_general3A_280 = tpu.matmul %slice3A_277, %slice3A_278, %dot_general3A_279 {dimension_numbers = #tpu.dot_dimension_numbers<[1], [0], [0], [1], [0, 0, 1, 1], [], []>, precision = #tpu.contract_precision<fp32>, transpose_lhs_hint = false} : vector<1x32xf32>, vector<32x1xf32>, vector<1x1xf32> -> vector<1x1xf32>
      %add3A_281 = vector.broadcast %dot_general3A_280 : vector<1x1xf32> to vector<1024x1xf32>
      %add3A_282 = arith.addf %dot_general3A_272, %add3A_281 : vector<1024x1xf32>
      %gt3A_283 = arith.constant 0.000000e+00 : f32
      %gt3A_284 = vector.broadcast %gt3A_283 : f32 to vector<1024x1xf32>
      %gt3A_285 = arith.cmpf ogt, %add3A_282, %gt3A_284 : vector<1024x1xf32>
      %mul3A_286 = arith.constant 2.000000e-01 : f32
      %mul3A_287 = vector.broadcast %mul3A_286 : f32 to vector<1024x1xf32>
      %mul3A_288 = arith.mulf %mul3A_287, %add3A_282 : vector<1024x1xf32>
      %select_n3A_289 = arith.select %gt3A_285, %add3A_282, %mul3A_288 : vector<1024x1xi1>, vector<1024x1xf32>
      %exp3A_290 = math.exp %select_n3A_289 : vector<1024x1xf32>
      %mul3A_291 = arith.mulf %exp3A_290, %convert_element_type3A_268 : vector<1024x1xf32>
      %add3A_292 = arith.addf %dot_general3A_276, %dot_general3A_280 : vector<1x1xf32>
      %gt3A_293 = arith.constant 0.000000e+00 : f32
      %gt3A_294 = vector.broadcast %gt3A_293 : f32 to vector<1x1xf32>
      %gt3A_295 = arith.cmpf ogt, %add3A_292, %gt3A_294 : vector<1x1xf32>
      %mul3A_296 = arith.constant 2.000000e-01 : f32
      %mul3A_297 = vector.broadcast %mul3A_296 : f32 to vector<1x1xf32>
      %mul3A_298 = arith.mulf %mul3A_297, %add3A_292 : vector<1x1xf32>
      %select_n3A_299 = arith.select %gt3A_295, %add3A_292, %mul3A_298 : vector<1x1xi1>, vector<1x1xf32>
      %exp3A_300 = math.exp %select_n3A_299 : vector<1x1xf32>
      %slice3A_301 = vector.extract_strided_slice %dot_general3A_247 {offsets = [0, 0], sizes = [1024, 32], strides = [1, 1]} : vector<1024x64xf32> to vector<1024x32xf32>
      %dot_general3A_302 = arith.constant dense<0.000000e+00> : vector<1x32xf32>
      %dot_general3A_303 = tpu.matmul %mul3A_291, %slice3A_301, %dot_general3A_302 {dimension_numbers = #tpu.dot_dimension_numbers<[0], [0], [1], [1], [0, 1, 1, 1], [], []>, precision = #tpu.contract_precision<fp32>, transpose_lhs_hint = false} : vector<1024x1xf32>, vector<1024x32xf32>, vector<1x32xf32> -> vector<1x32xf32>
      %slice3A_304 = vector.extract_strided_slice %dot_general3A_252 {offsets = [0, 0], sizes = [1, 32], strides = [1, 1]} : vector<1x64xf32> to vector<1x32xf32>
      %mul3A_305 = vector.broadcast %exp3A_300 : vector<1x1xf32> to vector<1x32xf32>
      %mul3A_306 = arith.mulf %mul3A_305, %slice3A_304 : vector<1x32xf32>
      %add3A_307 = arith.addf %dot_general3A_303, %mul3A_306 : vector<1x32xf32>
      %reduce_sum3A_308 = arith.constant dense<0.000000e+00> : vector<1xf32>
      %reduce_sum3A_309 = vector.multi_reduction <add>, %mul3A_291, %reduce_sum3A_308 [0] : vector<1024x1xf32> to vector<1xf32>
      %broadcast_in_dim3A_310 = vector.shape_cast %reduce_sum3A_309 : vector<1xf32> to vector<1x1xf32>
      %add3A_311 = arith.addf %broadcast_in_dim3A_310, %exp3A_300 : vector<1x1xf32>
      %slice3A_312 = vector.extract_strided_slice %dot_general3A_247 {offsets = [0, 32], sizes = [1024, 32], strides = [1, 1]} : vector<1024x64xf32> to vector<1024x32xf32>
      %slice3A_313 = vector.extract_strided_slice %get3A_255 {offsets = [0, 1], sizes = [32, 1], strides = [1, 1]} : vector<32x2xf32> to vector<32x1xf32>
      %dot_general3A_314 = arith.constant dense<0.000000e+00> : vector<1024x1xf32>
      %dot_general3A_315 = tpu.matmul %slice3A_312, %slice3A_313, %dot_general3A_314 {dimension_numbers = #tpu.dot_dimension_numbers<[1], [0], [0], [1], [0, 0, 1, 1], [], []>, precision = #tpu.contract_precision<fp32>, transpose_lhs_hint = false} : vector<1024x32xf32>, vector<32x1xf32>, vector<1024x1xf32> -> vector<1024x1xf32>
      %slice3A_316 = vector.extract_strided_slice %dot_general3A_252 {offsets = [0, 32], sizes = [1, 32], strides = [1, 1]} : vector<1x64xf32> to vector<1x32xf32>
      %slice3A_317 = vector.extract_strided_slice %get3A_255 {offsets = [0, 1], sizes = [32, 1], strides = [1, 1]} : vector<32x2xf32> to vector<32x1xf32>
      %dot_general3A_318 = arith.constant dense<0.000000e+00> : vector<1x1xf32>
      %dot_general3A_319 = tpu.matmul %slice3A_316, %slice3A_317, %dot_general3A_318 {dimension_numbers = #tpu.dot_dimension_numbers<[1], [0], [0], [1], [0, 0, 1, 1], [], []>, precision = #tpu.contract_precision<fp32>, transpose_lhs_hint = false} : vector<1x32xf32>, vector<32x1xf32>, vector<1x1xf32> -> vector<1x1xf32>
      %slice3A_320 = vector.extract_strided_slice %dot_general3A_252 {offsets = [0, 32], sizes = [1, 32], strides = [1, 1]} : vector<1x64xf32> to vector<1x32xf32>
      %slice3A_321 = vector.extract_strided_slice %get3A_258 {offsets = [0, 1], sizes = [32, 1], strides = [1, 1]} : vector<32x2xf32> to vector<32x1xf32>
      %dot_general3A_322 = arith.constant dense<0.000000e+00> : vector<1x1xf32>
      %dot_general3A_323 = tpu.matmul %slice3A_320, %slice3A_321, %dot_general3A_322 {dimension_numbers = #tpu.dot_dimension_numbers<[1], [0], [0], [1], [0, 0, 1, 1], [], []>, precision = #tpu.contract_precision<fp32>, transpose_lhs_hint = false} : vector<1x32xf32>, vector<32x1xf32>, vector<1x1xf32> -> vector<1x1xf32>
      %add3A_324 = vector.broadcast %dot_general3A_323 : vector<1x1xf32> to vector<1024x1xf32>
      %add3A_325 = arith.addf %dot_general3A_315, %add3A_324 : vector<1024x1xf32>
      %gt3A_326 = arith.constant 0.000000e+00 : f32
      %gt3A_327 = vector.broadcast %gt3A_326 : f32 to vector<1024x1xf32>
      %gt3A_328 = arith.cmpf ogt, %add3A_325, %gt3A_327 : vector<1024x1xf32>
      %mul3A_329 = arith.constant 2.000000e-01 : f32
      %mul3A_330 = vector.broadcast %mul3A_329 : f32 to vector<1024x1xf32>
      %mul3A_331 = arith.mulf %mul3A_330, %add3A_325 : vector<1024x1xf32>
      %select_n3A_332 = arith.select %gt3A_328, %add3A_325, %mul3A_331 : vector<1024x1xi1>, vector<1024x1xf32>
      %exp3A_333 = math.exp %select_n3A_332 : vector<1024x1xf32>
      %mul3A_334 = arith.mulf %exp3A_333, %convert_element_type3A_268 : vector<1024x1xf32>
      %add3A_335 = arith.addf %dot_general3A_319, %dot_general3A_323 : vector<1x1xf32>
      %gt3A_336 = arith.constant 0.000000e+00 : f32
      %gt3A_337 = vector.broadcast %gt3A_336 : f32 to vector<1x1xf32>
      %gt3A_338 = arith.cmpf ogt, %add3A_335, %gt3A_337 : vector<1x1xf32>
      %mul3A_339 = arith.constant 2.000000e-01 : f32
      %mul3A_340 = vector.broadcast %mul3A_339 : f32 to vector<1x1xf32>
      %mul3A_341 = arith.mulf %mul3A_340, %add3A_335 : vector<1x1xf32>
      %select_n3A_342 = arith.select %gt3A_338, %add3A_335, %mul3A_341 : vector<1x1xi1>, vector<1x1xf32>
      %exp3A_343 = math.exp %select_n3A_342 : vector<1x1xf32>
      %slice3A_344 = vector.extract_strided_slice %dot_general3A_247 {offsets = [0, 32], sizes = [1024, 32], strides = [1, 1]} : vector<1024x64xf32> to vector<1024x32xf32>
      %dot_general3A_345 = arith.constant dense<0.000000e+00> : vector<1x32xf32>
      %dot_general3A_346 = tpu.matmul %mul3A_334, %slice3A_344, %dot_general3A_345 {dimension_numbers = #tpu.dot_dimension_numbers<[0], [0], [1], [1], [0, 1, 1, 1], [], []>, precision = #tpu.contract_precision<fp32>, transpose_lhs_hint = false} : vector<1024x1xf32>, vector<1024x32xf32>, vector<1x32xf32> -> vector<1x32xf32>
      %slice3A_347 = vector.extract_strided_slice %dot_general3A_252 {offsets = [0, 32], sizes = [1, 32], strides = [1, 1]} : vector<1x64xf32> to vector<1x32xf32>
      %mul3A_348 = vector.broadcast %exp3A_343 : vector<1x1xf32> to vector<1x32xf32>
      %mul3A_349 = arith.mulf %mul3A_348, %slice3A_347 : vector<1x32xf32>
      %add3A_350 = arith.addf %dot_general3A_346, %mul3A_349 : vector<1x32xf32>
      %reduce_sum3A_351 = arith.constant dense<0.000000e+00> : vector<1xf32>
      %reduce_sum3A_352 = vector.multi_reduction <add>, %mul3A_334, %reduce_sum3A_351 [0] : vector<1024x1xf32> to vector<1xf32>
      %broadcast_in_dim3A_353 = vector.shape_cast %reduce_sum3A_352 : vector<1xf32> to vector<1x1xf32>
      %add3A_354 = arith.addf %broadcast_in_dim3A_353, %exp3A_343 : vector<1x1xf32>
      %add3A_355 = arith.constant 1.000000e-16 : f32
      %add3A_356 = vector.broadcast %add3A_355 : f32 to vector<1x1xf32>
      %add3A_357 = arith.addf %add3A_311, %add3A_356 : vector<1x1xf32>
      %div3A_358 = vector.broadcast %add3A_357 : vector<1x1xf32> to vector<1x32xf32>
      %div3A_359 = arith.divf %add3A_307, %div3A_358 : vector<1x32xf32>
      %add3A_360 = arith.constant 1.000000e-16 : f32
      %add3A_361 = vector.broadcast %add3A_360 : f32 to vector<1x1xf32>
      %add3A_362 = arith.addf %add3A_354, %add3A_361 : vector<1x1xf32>
      %div3A_363 = vector.broadcast %add3A_362 : vector<1x1xf32> to vector<1x32xf32>
      %div3A_364 = arith.divf %add3A_350, %div3A_363 : vector<1x32xf32>
      %concatenate3A_365 = tpu.concatenate %div3A_359, %div3A_364 in 1 : vector<1x32xf32>, vector<1x32xf32> -> vector<1x64xf32>
      %get3A_366 = arith.constant 0 : index
      %get3A_367 = arith.constant 0 : index
      %get3A_368 = vector.load %arg14[%get3A_366, %get3A_367] : memref<1x64xf32, #tpu.memory_space<vmem>>, vector<1x64xf32>
      %add3A_369 = arith.addf %concatenate3A_365, %get3A_368 : vector<1x64xf32>
      %gt3A_370 = arith.constant 0.000000e+00 : f32
      %gt3A_371 = vector.broadcast %gt3A_370 : f32 to vector<1x64xf32>
      %gt3A_372 = arith.cmpf ogt, %add3A_369, %gt3A_371 : vector<1x64xf32>
      %exp3A_373 = math.exp %add3A_369 : vector<1x64xf32>
      %sub3A_374 = arith.constant 1.000000e+00 : f32
      %sub3A_375 = vector.broadcast %sub3A_374 : f32 to vector<1x64xf32>
      %sub3A_376 = arith.subf %exp3A_373, %sub3A_375 : vector<1x64xf32>
      %select_n3A_377 = arith.select %gt3A_372, %add3A_369, %sub3A_376 : vector<1x64xi1>, vector<1x64xf32>
      %mul3A_378 = arith.mulf %select_n3A_377, %select_n3A_377 : vector<1x64xf32>
      %reduce_sum3A_379 = arith.constant dense<0.000000e+00> : vector<1xf32>
      %reduce_sum3A_380 = vector.multi_reduction <add>, %mul3A_378, %reduce_sum3A_379 [1] : vector<1x64xf32> to vector<1xf32>
      %broadcast_in_dim3A_381 = vector.shape_cast %reduce_sum3A_380 : vector<1xf32> to vector<1x1xf32>
      %sqrt3A_382 = math.sqrt %broadcast_in_dim3A_381 : vector<1x1xf32>
      %max3A_383 = arith.constant 9.99999996E-13 : f32
      %max3A_384 = vector.broadcast %max3A_383 : f32 to vector<1x1xf32>
      %max3A_385 = arith.maximumf %sqrt3A_382, %max3A_384 : vector<1x1xf32>
      %div3A_386 = vector.broadcast %max3A_385 : vector<1x1xf32> to vector<1x64xf32>
      %div3A_387 = arith.divf %select_n3A_377, %div3A_386 : vector<1x64xf32>
      %get3A_388 = arith.constant 0 : index
      %get3A_389 = arith.constant 0 : index
      %get3A_390 = vector.load %arg15[%get3A_388, %get3A_389] : memref<64x32xf32, #tpu.memory_space<vmem>>, vector<64x32xf32>
      %dot_general3A_391 = arith.constant dense<0.000000e+00> : vector<1x32xf32>
      %dot_general3A_392 = tpu.matmul %div3A_387, %get3A_390, %dot_general3A_391 {dimension_numbers = #tpu.dot_dimension_numbers<[1], [0], [0], [1], [0, 0, 1, 1], [], []>, precision = #tpu.contract_precision<fp32>, transpose_lhs_hint = false} : vector<1x64xf32>, vector<64x32xf32>, vector<1x32xf32> -> vector<1x32xf32>
      %get3A_393 = arith.constant 0 : index
      %get3A_394 = arith.constant 0 : index
      %get3A_395 = vector.load %arg16[%get3A_393, %get3A_394] : memref<1x32xf32, #tpu.memory_space<vmem>>, vector<1x32xf32>
      %add3A_396 = arith.addf %dot_general3A_392, %get3A_395 : vector<1x32xf32>
      %max3A_397 = arith.constant 0.000000e+00 : f32
      %max3A_398 = vector.broadcast %max3A_397 : f32 to vector<1x32xf32>
      %max3A_399 = arith.maximumf %add3A_396, %max3A_398 : vector<1x32xf32>
      %swap3A_400 = arith.constant 0 : index
      %swap3A_401 = arith.constant 0 : index
      %swap3A_402 = vector.load %arg17[%swap3A_400, %swap3A_401] : memref<1x32xf32, #tpu.memory_space<vmem>>, vector<1x32xf32>
      tpu.vector_store %arg17[%swap3A_400, %swap3A_401], %max3A_399 {strides = array<i32>} : memref<1x32xf32, #tpu.memory_space<vmem>>, vector<1x32xf32>,
    } else {
    }
    return
  }
  func.func @transform_0(%arg0: i32) -> (i32, i32) {
    %c0_i32 = arith.constant 0 : i32
    %c0_i32_0 = arith.constant 0 : i32
    return %arg0, %c0_i32 : i32, i32
  }
  func.func @transform_1(%arg0: i32) -> (i32, i32) {
    %c0_i32 = arith.constant 0 : i32
    %c0_i32_0 = arith.constant 0 : i32
    return %arg0, %c0_i32 : i32, i32
  }
  func.func @transform_2(%arg0: i32) -> (i32, i32) {
    %c0_i32 = arith.constant 0 : i32
    %c0_i32_0 = arith.constant 0 : i32
    return %arg0, %c0_i32 : i32, i32
  }
  func.func @transform_3(%arg0: i32) -> (i32, i32) {
    %c0_i32 = arith.constant 0 : i32
    %c0_i32_0 = arith.constant 0 : i32
    %c0_i32_1 = arith.constant 0 : i32
    return %c0_i32, %c0_i32_0 : i32, i32
  }
  func.func @transform_4(%arg0: i32) -> (i32, i32) {
    %c0_i32 = arith.constant 0 : i32
    %c0_i32_0 = arith.constant 0 : i32
    return %arg0, %c0_i32 : i32, i32
  }
  func.func @transform_5(%arg0: i32) -> (i32, i32) {
    %c0_i32 = arith.constant 0 : i32
    %c0_i32_0 = arith.constant 0 : i32
    %c0_i32_1 = arith.constant 0 : i32
    return %c0_i32, %c0_i32_0 : i32, i32
  }
  func.func @transform_6(%arg0: i32) -> (i32, i32) {
    %c0_i32 = arith.constant 0 : i32
    %c0_i32_0 = arith.constant 0 : i32
    %c0_i32_1 = arith.constant 0 : i32
    return %c0_i32, %c0_i32_0 : i32, i32
  }
  func.func @transform_7(%arg0: i32) -> (i32, i32) {
    %c0_i32 = arith.constant 0 : i32
    %c0_i32_0 = arith.constant 0 : i32
    %c0_i32_1 = arith.constant 0 : i32
    return %c0_i32, %c0_i32_0 : i32, i32
  }
  func.func @transform_8(%arg0: i32) -> (i32, i32) {
    %c0_i32 = arith.constant 0 : i32
    %c0_i32_0 = arith.constant 0 : i32
    %c0_i32_1 = arith.constant 0 : i32
    return %c0_i32, %c0_i32_0 : i32, i32
  }
  func.func @transform_9(%arg0: i32) -> (i32, i32) {
    %c0_i32 = arith.constant 0 : i32
    %c0_i32_0 = arith.constant 0 : i32
    %c0_i32_1 = arith.constant 0 : i32
    return %c0_i32, %c0_i32_0 : i32, i32
  }
  func.func @transform_10(%arg0: i32) -> (i32, i32) {
    %c0_i32 = arith.constant 0 : i32
    %c0_i32_0 = arith.constant 0 : i32
    %c0_i32_1 = arith.constant 0 : i32
    return %c0_i32, %c0_i32_0 : i32, i32
  }
  func.func @transform_11(%arg0: i32) -> (i32, i32) {
    %c0_i32 = arith.constant 0 : i32
    %c0_i32_0 = arith.constant 0 : i32
    %c0_i32_1 = arith.constant 0 : i32
    return %c0_i32, %c0_i32_0 : i32, i32
  }
  func.func @transform_12(%arg0: i32) -> (i32, i32) {
    %c0_i32 = arith.constant 0 : i32
    %c0_i32_0 = arith.constant 0 : i32
    %c0_i32_1 = arith.constant 0 : i32
    return %c0_i32, %c0_i32_0 : i32, i32
  }
  func.func @transform_13(%arg0: i32) -> (i32, i32) {
    %c0_i32 = arith.constant 0 : i32
    %c0_i32_0 = arith.constant 0 : i32
    %c0_i32_1 = arith.constant 0 : i32
    return %c0_i32, %c0_i32_0 : i32, i32
  }
  func.func @transform_14(%arg0: i32) -> (i32, i32) {
    %c0_i32 = arith.constant 0 : i32
    %c0_i32_0 = arith.constant 0 : i32
    %c0_i32_1 = arith.constant 0 : i32
    return %c0_i32, %c0_i32_0 : i32, i32
  }
  func.func @transform_15(%arg0: i32) -> (i32, i32) {
    %c0_i32 = arith.constant 0 : i32
    %c0_i32_0 = arith.constant 0 : i32
    %c0_i32_1 = arith.constant 0 : i32
    return %c0_i32, %c0_i32_0 : i32, i32
  }
  func.func @transform_16(%arg0: i32) -> (i32, i32) {
    %c0_i32 = arith.constant 0 : i32
    %c0_i32_0 = arith.constant 0 : i32
    %c0_i32_1 = arith.constant 0 : i32
    return %c0_i32, %c0_i32_0 : i32, i32
  }
}

module attributes {stable_mosaic.version = 14 : i64} {
  func.func @_proj_body(%arg0: i32, %arg1: memref<1x32xf32, #tpu.memory_space<vmem>>, %arg2: memref<32x2048xf32, #tpu.memory_space<vmem>>, %arg3: memref<1x2048xf32, #tpu.memory_space<vmem>>, %arg4: memref<1x2048xf32, #tpu.memory_space<vmem>>) attributes {dimension_semantics = [#tpu.dimension_semantics<arbitrary>], iteration_bounds = array<i64: 49>, scalar_prefetch = 0 : i64, scratch_operands = 0 : i64, tpu.core_type = #tpu.core_type<tc>, window_params = [{pipeline_mode = #tpu.pipeline_mode<synchronous>, transform_indices = @transform_0, window_bounds = array<i64: 1, 32>}, {transform_indices = @transform_1, window_bounds = array<i64: 32, 2048>}, {transform_indices = @transform_2, window_bounds = array<i64: 1, 2048>}, {transform_indices = @transform_3, window_bounds = array<i64: 1, 2048>}]} {
    %get3A = arith.constant 0 : index
    %get3A_0 = arith.constant 0 : index
    %get3A_1 = vector.load %arg1[%get3A, %get3A_0] : memref<1x32xf32, #tpu.memory_space<vmem>>, vector<1x32xf32>
    %get3A_2 = arith.constant 0 : index
    %get3A_3 = arith.constant 0 : index
    %get3A_4 = vector.load %arg2[%get3A_2, %get3A_3] : memref<32x2048xf32, #tpu.memory_space<vmem>>, vector<32x2048xf32>
    %dot_general3A = arith.constant dense<0.000000e+00> : vector<1x2048xf32>
    %dot_general3A_5 = tpu.matmul %get3A_1, %get3A_4, %dot_general3A {dimension_numbers = #tpu.dot_dimension_numbers<[1], [0], [0], [1], [0, 0, 1, 1], [], []>, precision = #tpu.contract_precision<fp32>, transpose_lhs_hint = false} : vector<1x32xf32>, vector<32x2048xf32>, vector<1x2048xf32> -> vector<1x2048xf32>
    %get3A_6 = arith.constant 0 : index
    %get3A_7 = arith.constant 0 : index
    %get3A_8 = vector.load %arg3[%get3A_6, %get3A_7] : memref<1x2048xf32, #tpu.memory_space<vmem>>, vector<1x2048xf32>
    %add3A = arith.addf %dot_general3A_5, %get3A_8 : vector<1x2048xf32>
    %swap3A = arith.constant 0 : index
    %swap3A_9 = arith.constant 0 : index
    %swap3A_10 = vector.load %arg4[%swap3A, %swap3A_9] : memref<1x2048xf32, #tpu.memory_space<vmem>>, vector<1x2048xf32>
    tpu.vector_store %arg4[%swap3A, %swap3A_9], %add3A {strides = array<i32>} : memref<1x2048xf32, #tpu.memory_space<vmem>>, vector<1x2048xf32>,
    return
  }
  func.func @transform_0(%arg0: i32) -> (i32, i32) {
    %c0_i32 = arith.constant 0 : i32
    %c0_i32_0 = arith.constant 0 : i32
    %c0_i32_1 = arith.constant 0 : i32
    return %c0_i32, %c0_i32_0 : i32, i32
  }
  func.func @transform_1(%arg0: i32) -> (i32, i32) {
    %c0_i32 = arith.constant 0 : i32
    %c0_i32_0 = arith.constant 0 : i32
    return %c0_i32, %arg0 : i32, i32
  }
  func.func @transform_2(%arg0: i32) -> (i32, i32) {
    %c0_i32 = arith.constant 0 : i32
    %c0_i32_0 = arith.constant 0 : i32
    return %c0_i32, %arg0 : i32, i32
  }
  func.func @transform_3(%arg0: i32) -> (i32, i32) {
    %c0_i32 = arith.constant 0 : i32
    %c0_i32_0 = arith.constant 0 : i32
    return %c0_i32, %arg0 : i32, i32
  }
}

</mosaic_0001>

<sc_bundles>
// kernel: kernel.10.cloned.1.call-start
scs
__scs_entry_jumppad:
0x0: {  	(pc) =	sbr.rel $0x88, $3  }
0x1: {  	(tag) =	ssettag $0x0;
	lr =	simm.s32 $0x1  }
0x2: {  	[smem:$0x3F92] =	sst lr;
	_ =	strace $0xD0000000  }
0x3: {  	_ = 	snop  }
0x4: {  	_ = 	snop  }
0x5: {  	_ = 	snop  }
0x6: {  	_ = 	snop  }
0x7: {  	_ = 	snop  }
__scs_overlays_trampoline_lowered:
0x8: {  	[smem:$0x3FA1] =	sst s0  }
0x9: {  	[smem:$0x3FA2] =	sst s1  }
0xa: {  	[smem:$0x3FA3] =	sst s2  }
0xb: {  	[smem:$0x3FA4] =	sst s3  }
0xc: {  	[smem:$0x3FA5] =	sst s4  }
0xd: {  	[smem:$0x3FA6] =	sst s5  }
0xe: {  	[smem:$0x3FA7] =	sst s6  }
0xf: {  	[smem:$0x3FA8] =	sst s7  }
0x10: {  	[smem:$0x3FA9] =	sst s8  }
0x11: {  	[smem:$0x3FAA] =	sst s9;
	s0 =	simm.s32 @!p0 $0x0  }
0x12: {  	s1 =	sld [smem:$0x3F90];
	s0 =	simm.s32 @p0 $0x1  }
0x13: {  	[smem:$0x3FAB] =	sst s0;
	s0 =	simm.s32 @!p1 $0x0  }
0x14: {  	s2 =	sld [smem:$0x3F8F];
	s0 =	simm.s32 @p1 $0x1  }
0x15: {  	[smem:$0x3FAC] =	sst s0;
	s0 =	simm.s32 @!p2 $0x0  }
0x16: {  	s3 =	sld [smem:$0x3FDB];
	s0 =	simm.s32 @p2 $0x1  }
0x17: {  	s4 =	simm.s32 $0x1BF5;
	[smem:$0x3FAE] =	sst s0  }
0x18: {  	s0 =	sld [smem:$0x3F91];
	_ =	swait.ge [sflag:s4], $0x0  }
0x19: {  	s7 =	sld [smem:$0x3F92]  }
0x1a: {  	s8 =	sadd.s32 $0xFFFFE003, lr  }
0x1b: {  	s9 =	sadd.s32 $0xFFFFFEF7, lr;
	s5 =	simm.s32 $0xFFFFFFFF;
	p2 =	slt.u32 s8, $0xFFFFF086  }
0x1c: {  	p1 =	slt.u32 s9, $0xF7A;
	s5 =	simm.s32 @!p2 $0x0  }
0x1d: {  	s5 =	simm.s32 @p1 $0x1;
	p0 =	seq.s32 s7, s2  }
0x1e: {  	s7 =	smul.u32 @!p0 $0xF7A, s2;
	p2 =	seq.s32 @!p0 s5, $0x0  }
0x1f: {  	s9 =	smul.u32 $0xF7A, s1;
	s8 =	simm.s32 @!p0 $0x1BF5;
	p2 =	por !p2, p0  }
0x20: {  	[sflag:s8] =	ssyncset.s32 @!p0 $0xFFFFF086;
	s6 =	sadd.s32 @!p0 s3, s7;
	s7 =	simm.s32 @!p0 $0x108  }
0x21: {  	s3 =	sadd.s32 s3, s9;
	s6 =	sadd.s32 @!p0 $0x88, s6;
	s7 =	simm.s32 @p2 $0x1082  }
0x22: {  	[simem:s7], [sflag:s8] =	dma.local @!p0 [hbm:s6], $0xF7A  }
0x23: {  	s9 =	sor.u32 $0xD0000000, s2;
	s6 =	simm.s32 $0x108;
	_ =	swait.ge @!p0 [sflag:s8], $0x0  }
0x24: {  	s3 =	sadd.s32 $0x88, s3;
	s6 =	simm.s32 @!p1 $0x1082;
	[sflag:s4] =	ssyncset.s32 $0xFFFFF086  }
0x25: {  	[simem:s6], [sflag:s4] =	dma.local [hbm:s3], $0xF7A  }
0x26: {  	[smem:$0x3F92] =	sst s1;
	(tag) =	ssettag s2;
	_ =	strace s9  }
0x27: {  	s1 =	sld [smem:$0x3FA2]  }
0x28: {  	s2 =	sld [smem:$0x3FA3]  }
0x29: {  	s4 =	sld [smem:$0x3FA5]  }
0x2a: {  	p0 =	seq.s32 s5, $0x0;
	s5 =	sld [smem:$0x3FA6]  }
0x2b: {  	s6 =	sld [smem:$0x3FA7]  }
0x2c: {  	s7 =	sld [smem:$0x3FA8]  }
0x2d: {  	s3 =	simm.s32 $0x108;
	s8 =	sld [smem:$0x3FA9]  }
0x2e: {  	s3 =	simm.s32 @!p0 $0x1082;
	s9 =	sld [smem:$0x3FAA]  }
0x2f: {  	lr =	sadd.s32 s0, s3;
	s0 =	sld [smem:$0x3FA1]  }
0x30: {  	s3 =	sld [smem:$0x3FA4]  }
0x31: {  	[smem:$0x3FAD] =	sst s10  }
0x32: {  	s10 =	sld [smem:$0x3FAB];
	_ =	sdelay $0x3  }
0x33: {  	p0 =	seq.s32 s10, $0x1;
	s10 =	sld [smem:$0x3FAD];
	_ =	sdelay $0x3  }
0x34: {  	[smem:$0x3FAD] =	sst s10  }
0x35: {  	s10 =	sld [smem:$0x3FAC];
	_ =	sdelay $0x3  }
0x36: {  	p1 =	seq.s32 s10, $0x1;
	s10 =	sld [smem:$0x3FAD];
	_ =	sdelay $0x3  }
0x37: {  	[smem:$0x3FAD] =	sst s10  }
0x38: {  	s10 =	sld [smem:$0x3FAE]  }
0x39: {  	_ = 	snop;
	(pc) =	sbr.ind lr, $3  }
0x3a: {  	_ = 	snop  }
0x3b: {  	_ = 	snop  }
0x3c: {  	p2 =	seq.s32 s10, $0x1;
	s10 =	sld [smem:$0x3FAD]  }
0x3d: {  	_ =	shalt  }
0x3e: {  	_ =	shalt  }
0x3f: {  	_ =	shalt  }
0x40: {  	_ =	shalt  }
0x41: {  	_ =	shalt  }
0x42: {  	_ =	shalt  }
0x43: {  	_ =	shalt  }
0x44: {  	_ =	shalt  }
0x45: {  	_ =	shalt  }
0x46: {  	_ =	shalt  }
0x47: {  	_ =	shalt  }
0x48: {  	_ =	shalt  }
0x49: {  	_ =	shalt  }
0x4a: {  	_ =	shalt  }
0x4b: {  	_ =	shalt  }
0x4c: {  	_ =	shalt  }
0x4d: {  	_ =	shalt  }
0x4e: {  	_ =	shalt  }
0x4f: {  	_ =	shalt  }
0x50: {  	_ =	shalt  }
0x51: {  	_ =	shalt  }
0x52: {  	_ =	shalt  }
0x53: {  	_ =	shalt  }
0x54: {  	_ =	shalt  }
0x55: {  	_ =	shalt  }
0x56: {  	_ =	shalt  }
0x57: {  	_ =	shalt  }
0x58: {  	_ =	shalt  }
0x59: {  	_ =	shalt  }
0x5a: {  	_ =	shalt  }
0x5b: {  	_ =	shalt  }
0x5c: {  	_ =	shalt  }
0x5d: {  	_ =	shalt  }
0x5e: {  	_ =	shalt  }
0x5f: {  	_ =	shalt  }
0x60: {  	_ =	shalt  }
0x61: {  	_ =	shalt  }
0x62: {  	_ =	shalt  }
0x63: {  	_ =	shalt  }
0x64: {  	_ =	shalt  }
0x65: {  	_ =	shalt  }
0x66: {  	_ =	shalt  }
0x67: {  	_ =	shalt  }
0x68: {  	_ =	shalt  }
0x69: {  	_ =	shalt  }
0x6a: {  	_ =	shalt  }
0x6b: {  	_ =	shalt  }
0x6c: {  	_ =	shalt  }
0x6d: {  	_ =	shalt  }
0x6e: {  	_ =	shalt  }
0x6f: {  	_ =	shalt  }
0x70: {  	_ =	shalt  }
0x71: {  	_ =	shalt  }
0x72: {  	_ =	shalt  }
0x73: {  	_ =	shalt  }
0x74: {  	_ =	shalt  }
0x75: {  	_ =	shalt  }
0x76: {  	_ =	shalt  }
0x77: {  	_ =	shalt  }
0x78: {  	_ =	shalt  }
0x79: {  	_ =	shalt  }
0x7a: {  	_ =	shalt  }
0x7b: {  	_ =	shalt  }
0x7c: {  	_ =	shalt  }
0x7d: {  	_ =	shalt  }
0x7e: {  	_ =	shalt  }
0x7f: {  	_ =	shalt  }
0x80: {  	_ =	shalt  }
0x81: {  	_ =	shalt  }
0x82: {  	_ =	shalt  }
0x83: {  	_ =	shalt  }
0x84: {  	_ =	shalt  }
0x85: {  	_ =	shalt  }
0x86: {  	_ =	shalt  }
0x87: {  	_ =	shalt  }
.Lfunc_end0:
.L_simem_size_0:
called_computation.1_lowered:
.L_overlay_start_0:
0x88: {  	s2 =	sld [smem:$0x3FD9]  }
0x89: {  	s3 =	sld [smem:$0x3FFE];
	_ =	sdelay $0x1  }
0x8a: {  	s1 =	srdreg.scid  }
0x8b: {  	s0 =	sand.u32 $0x1, s1  }
0x8c: {  	s17 =	sshll.u32 s0, $0xA;
	s2 =	sadd.s32 s3, s2  }
0x8d: {  	s2 =	sadd.s32 s2, s17  }
0x8e: {  	[smem:$0x3FB9] =	sst s2  }
0x8f: {  	_ = 	snop  }
0x90: {  	s2 =	sld [smem:$0x3FD0];
	(tm) =	ssettm $0x1  }
0x91: {  	s18 =	sld [smem:$0x3FFB];
	_ =	sdelay $0x3  }
0x92: {  	_ =	strace s18  }
0x93: {  	s3 =	sld [smem:$0x3FFC];
	_ =	sdelay $0x3  }
0x94: {  	_ =	strace s3  }
0x95: {  	s3 =	sld [smem:$0x3FFD];
	_ =	sdelay $0x3  }
0x96: {  	_ =	strace s3  }
0x97: {  	_ =	strace $0x8FFFFFFF  }
0x98: {  	s19 =	sld [smem:$0x3FDB];
	_ =	sdelay $0x1  }
0x99: {  	s4 =	simm.s32 $_scs_section_size  }
0x9a: {  	s5 =	simm.s32 $_size__tile_overlayer_lowered;
	s6 =	simm.s32 $_tile_overlayer_lowered  }
0x9b: {  	s22 =	simm.s32 $0x1BFF;
	s21 =	sshll.u32 s6, $0x1;
	s3 =	sadd.s32 s4, s19  }
0x9c: {  	s7 =	simm.s32 $0x0;
	s20 =	sshll.u32 s5, $0x1;
	s5 =	sadd.s32 s21, s3  }
0x9d: {  	[timem:s7], [sflag:s22] =	dma.local [hbm:s5], s20  }
0x9e: {  	_ =	swait.ge [sflag:s22], s20  }
0x9f: {  	s4 =	ssub.s32 $0x0, s20;
	[sflag:s22] =	ssyncset.done $0x0  }
0xa0: {  	[sflag:s22] =	ssyncadd.s32 s4;
	_ =	sdelay $0x1  }
0xa1: {  	s23 =	simm.s32 $0x1B8B  }
0xa2: {  	_ =	swait.ge [sflag:s23], $0x1  }
0xa3: {  	[sflag:s23] =	ssyncset.done $0x0  }
0xa4: {  	s25 =	simm.s32 $0x1B8E;
	s24 =	sld [smem:$0x3FFE];
	[sflag:s23] =	ssyncadd.s32 $0xFFFFFFFF  }
0xa5: {  	s26 =	simm.s32 $execute0_lowered;
	[smem:$0x3FD2] =	sst s25  }
0xa6: {  	s5 =	sshll.u32 s26, $0x1;
	_ =	strace $0x80000049;
	[dreg:$0x1] =	wrdreg $0xFFFFFFFF  }
0xa7: {  	s28 =	simm.s32 $_size_execute0_lowered;
	s3 =	sadd.s32 s3, s5;
	[dreg:$0x0] =	wrdreg $0x0  }
0xa8: {  	s5 =	sshll.u32 s28, $0x1;
	[dreg:$0x2] =	wrdreg s3  }
0xa9: {  	[dreg:$0x3] =	wrdreg s5  }
0xaa: {  	[dreg:$0x4] =	wrdreg $0xC0  }
0xab: {  	_ =	task [dreg:s7], $0x5FFFF  }
0xac: {  	[dreg:$0x1] =	wrdreg $0xFFFFFFFF  }
0xad: {  	[dreg:$0x0] =	wrdreg $0x60  }
0xae: {  	[dreg:$0x2] =	wrdreg s2  }
0xaf: {  	[dreg:$0x3] =	wrdreg s24  }
0xb0: {  	[dreg:$0x4] =	wrdreg $0x9  }
0xb1: {  	_ =	task.clear_ibuf [dreg:s7], $0x5FFFF;
	_ =	strace $0x90000049  }
0xb2: {  	s29 =	simm.s32 $0x9;
	_ =	strace $0x8000004B  }
0xb3: {  	_ =	swait.ge [sflag:s29], $0x1  }
0xb4: {  	[sflag:s29] =	ssyncadd.s32 $0xFFFFFFFF  }
0xb5: {  	_ =	strace $0x9000004B  }
0xb6: {  	_ =	sfence  }
0xb7: {  	s30 =	sld [smem:$0x0];
	_ =	sdelay $0x2  }
0xb8: {  	s31 =	sshll.u32 s1, $0xD;
	s1 =	sshrl.u32 s1, $0x2  }
0xb9: {  	s3 =	sand.u32 $0x4000, s31;
	s1 =	sadd.s32 s1, s30  }
0xba: {  	s0 =	sor.u32 s3, s0;
	s1 =	sshll.u32 s1, $0x11  }
0xbb: {  	s0 =	sor.u32 s1, s0  }
0xbc: {  	s0 =	sadd.s32 $0x8F2B, s0  }
0xbd: {  	[sflag:s0] =	ssyncadd.remote.s32 $0x1  }
0xbe: {  	_ =	sfence.sel $0xFFFF  }
0xbf: {  	[dreg:$0x0] =	wrdreg $0xFFFFFFFF;
	(pc) =	sbr.abs _section_cstart, $3  }
0xc0: {  	[dreg:$0x1] =	wrdreg $0xFFFFFFFF  }
0xc1: {  	_ =	task.clear_ibuf [dreg:s7], $0x2FFFF;
	_ =	strace $0x9FFFFFFF  }
0xc2: {  	(tm) =	ssettm $0x7FFFFFFF  }
0xc3: {  	_ =	shalt  }
tec
execute0_lowered:
.L_overlay_start_1:
0x0: {  	(tag) =	ssettag $0x1  }
0x1: {  	s0 =	srdreg.scid  }
0x2: {  	s3 =	sand.u32 $0x1, s0;
	s0 =	stileid.u32  }
0x3: {  	s5 =	sshll.u32 s0, $0x1;
	s6 =	ssub.s32 $0x0, s3  }
0x4: {  	p0 =	sne.s32 s5, s6  }
.Ltmp0:
0x5: {  	_ = 	snop;
	(pc) =	sbr.rel @p0 .LBB2_3-.Ltmp0, $4  }
0x6: {  	_ = 	snop  }
0x7: {  	s2 =	rddreg [dreg:$0x0]  }
0x8: {  	s4 =	rddreg [dreg:$0x1]  }
0x9: {  	s1 =	rddreg [dreg:$0x2];
	_ =	strace $0x8000004A  }
0xa: {  	s3 =	ssub.s32 $0x2, s3  }
0xb: {  	s6 =	simm.s32 $0x0;
	s5 =	sshrl.u32 s3, $0x1  }
0xc: {  	s7 =	simm.s32 $0x1;
	s8 =	simm.s32 $0xC350;
	s5 =	ssub.s32 s3, s5  }
0xd: {  	v0 =	vimm.s32 $0x1;
	s3 =	sadd.s32 $0x35000, s4;
	s4 =	sadd.s32 $0x35200, s4;
	s5 =	smax.u32 s5, $0x1  }
.LBB2_2:
0xe: {  	[tilespmem:s6], [sflag:$0x1] =	stream.linear.gather [hbm4b:s2+s6], $0xC350, $0x38;
	[tilespmem:$0xC750] =	vst v63  }
0xf: {  	_ =	swait.ge [sflag:s7], $0xC350  }
0x10: {  	[sflag:s7] =	ssyncset.done $0x0  }
0x11: {  	[sflag:s7] =	ssyncadd.s32 $0xFFFF3CB0  }
0x12: {  	[tilespmem:s8], [sflag:$0x1] =	stream.linear.gather [hbm4b:s3+s6], $0x400, $0x38;
	[tilespmem:$0xC750] =	vst v63  }
0x13: {  	_ =	swait.ge [sflag:s7], $0x400  }
0x14: {  	[sflag:s7] =	ssyncset.done $0x0  }
0x15: {  	[sflag:s7] =	ssyncadd.s32 $0xFFFFFC00  }
0x16: {  	v1 =	vld [tilespmem:$0xC350];
	_ =	sdelay $0x7  }
0x17: {  	[tilespmem:v1+s6+$0x0] =	vst.idx.msk $0xffff, v0  }
0x18: {  	v1 =	vld [tilespmem:$0xC360];
	_ =	sdelay $0x7  }
0x19: {  	[tilespmem:v1+s6+$0x0] =	vst.idx.msk $0xffff, v0  }
0x1a: {  	v1 =	vld [tilespmem:$0xC370];
	_ =	sdelay $0x7  }
0x1b: {  	[tilespmem:v1+s6+$0x0] =	vst.idx.msk $0xffff, v0  }
0x1c: {  	v1 =	vld [tilespmem:$0xC380];
	_ =	sdelay $0x7  }
0x1d: {  	[tilespmem:v1+s6+$0x0] =	vst.idx.msk $0xffff, v0  }
0x1e: {  	v1 =	vld [tilespmem:$0xC390];
	_ =	sdelay $0x7  }
0x1f: {  	[tilespmem:v1+s6+$0x0] =	vst.idx.msk $0xffff, v0  }
0x20: {  	v1 =	vld [tilespmem:$0xC3A0];
	_ =	sdelay $0x7  }
0x21: {  	[tilespmem:v1+s6+$0x0] =	vst.idx.msk $0xffff, v0  }
0x22: {  	v1 =	vld [tilespmem:$0xC3B0];
	_ =	sdelay $0x7  }
0x23: {  	[tilespmem:v1+s6+$0x0] =	vst.idx.msk $0xffff, v0  }
0x24: {  	v1 =	vld [tilespmem:$0xC3C0];
	_ =	sdelay $0x7  }
0x25: {  	[tilespmem:v1+s6+$0x0] =	vst.idx.msk $0xffff, v0  }
0x26: {  	v1 =	vld [tilespmem:$0xC3D0];
	_ =	sdelay $0x7  }
0x27: {  	[tilespmem:v1+s6+$0x0] =	vst.idx.msk $0xffff, v0  }
0x28: {  	v1 =	vld [tilespmem:$0xC3E0];
	_ =	sdelay $0x7  }
0x29: {  	[tilespmem:v1+s6+$0x0] =	vst.idx.msk $0xffff, v0  }
0x2a: {  	v1 =	vld [tilespmem:$0xC3F0];
	_ =	sdelay $0x7  }
0x2b: {  	[tilespmem:v1+s6+$0x0] =	vst.idx.msk $0xffff, v0  }
0x2c: {  	v1 =	vld [tilespmem:$0xC400];
	_ =	sdelay $0x7  }
0x2d: {  	[tilespmem:v1+s6+$0x0] =	vst.idx.msk $0xffff, v0  }
0x2e: {  	v1 =	vld [tilespmem:$0xC410];
	_ =	sdelay $0x7  }
0x2f: {  	[tilespmem:v1+s6+$0x0] =	vst.idx.msk $0xffff, v0  }
0x30: {  	v1 =	vld [tilespmem:$0xC420];
	_ =	sdelay $0x7  }
0x31: {  	[tilespmem:v1+s6+$0x0] =	vst.idx.msk $0xffff, v0  }
0x32: {  	v1 =	vld [tilespmem:$0xC430];
	_ =	sdelay $0x7  }
0x33: {  	[tilespmem:v1+s6+$0x0] =	vst.idx.msk $0xffff, v0  }
0x34: {  	v1 =	vld [tilespmem:$0xC440];
	_ =	sdelay $0x7  }
0x35: {  	[tilespmem:v1+s6+$0x0] =	vst.idx.msk $0xffff, v0  }
0x36: {  	v1 =	vld [tilespmem:$0xC450];
	_ =	sdelay $0x7  }
0x37: {  	[tilespmem:v1+s6+$0x0] =	vst.idx.msk $0xffff, v0  }
0x38: {  	v1 =	vld [tilespmem:$0xC460];
	_ =	sdelay $0x7  }
0x39: {  	[tilespmem:v1+s6+$0x0] =	vst.idx.msk $0xffff, v0  }
0x3a: {  	v1 =	vld [tilespmem:$0xC470];
	_ =	sdelay $0x7  }
0x3b: {  	[tilespmem:v1+s6+$0x0] =	vst.idx.msk $0xffff, v0  }
0x3c: {  	v1 =	vld [tilespmem:$0xC480];
	_ =	sdelay $0x7  }
0x3d: {  	[tilespmem:v1+s6+$0x0] =	vst.idx.msk $0xffff, v0  }
0x3e: {  	v1 =	vld [tilespmem:$0xC490];
	_ =	sdelay $0x7  }
0x3f: {  	[tilespmem:v1+s6+$0x0] =	vst.idx.msk $0xffff, v0  }
0x40: {  	v1 =	vld [tilespmem:$0xC4A0];
	_ =	sdelay $0x7  }
0x41: {  	[tilespmem:v1+s6+$0x0] =	vst.idx.msk $0xffff, v0  }
0x42: {  	v1 =	vld [tilespmem:$0xC4B0];
	_ =	sdelay $0x7  }
0x43: {  	[tilespmem:v1+s6+$0x0] =	vst.idx.msk $0xffff, v0  }
0x44: {  	v1 =	vld [tilespmem:$0xC4C0];
	_ =	sdelay $0x7  }
0x45: {  	[tilespmem:v1+s6+$0x0] =	vst.idx.msk $0xffff, v0  }
0x46: {  	v1 =	vld [tilespmem:$0xC4D0];
	_ =	sdelay $0x7  }
0x47: {  	[tilespmem:v1+s6+$0x0] =	vst.idx.msk $0xffff, v0  }
0x48: {  	v1 =	vld [tilespmem:$0xC4E0];
	_ =	sdelay $0x7  }
0x49: {  	[tilespmem:v1+s6+$0x0] =	vst.idx.msk $0xffff, v0  }
0x4a: {  	v1 =	vld [tilespmem:$0xC4F0];
	_ =	sdelay $0x7  }
0x4b: {  	[tilespmem:v1+s6+$0x0] =	vst.idx.msk $0xffff, v0  }
0x4c: {  	v1 =	vld [tilespmem:$0xC500];
	_ =	sdelay $0x7  }
0x4d: {  	[tilespmem:v1+s6+$0x0] =	vst.idx.msk $0xffff, v0  }
0x4e: {  	v1 =	vld [tilespmem:$0xC510];
	_ =	sdelay $0x7  }
0x4f: {  	[tilespmem:v1+s6+$0x0] =	vst.idx.msk $0xffff, v0  }
0x50: {  	v1 =	vld [tilespmem:$0xC520];
	_ =	sdelay $0x7  }
0x51: {  	[tilespmem:v1+s6+$0x0] =	vst.idx.msk $0xffff, v0  }
0x52: {  	v1 =	vld [tilespmem:$0xC530];
	_ =	sdelay $0x7  }
0x53: {  	[tilespmem:v1+s6+$0x0] =	vst.idx.msk $0xffff, v0  }
0x54: {  	v1 =	vld [tilespmem:$0xC540];
	_ =	sdelay $0x7  }
0x55: {  	[tilespmem:v1+s6+$0x0] =	vst.idx.msk $0xffff, v0  }
0x56: {  	v1 =	vld [tilespmem:$0xC550];
	_ =	sdelay $0x7  }
0x57: {  	[tilespmem:v1+s6+$0x0] =	vst.idx.msk $0xffff, v0  }
0x58: {  	v1 =	vld [tilespmem:$0xC560];
	_ =	sdelay $0x7  }
0x59: {  	[tilespmem:v1+s6+$0x0] =	vst.idx.msk $0xffff, v0  }
0x5a: {  	v1 =	vld [tilespmem:$0xC570];
	_ =	sdelay $0x7  }
0x5b: {  	[tilespmem:v1+s6+$0x0] =	vst.idx.msk $0xffff, v0  }
0x5c: {  	v1 =	vld [tilespmem:$0xC580];
	_ =	sdelay $0x7  }
0x5d: {  	[tilespmem:v1+s6+$0x0] =	vst.idx.msk $0xffff, v0  }
0x5e: {  	v1 =	vld [tilespmem:$0xC590];
	_ =	sdelay $0x7  }
0x5f: {  	[tilespmem:v1+s6+$0x0] =	vst.idx.msk $0xffff, v0  }
0x60: {  	v1 =	vld [tilespmem:$0xC5A0];
	_ =	sdelay $0x7  }
0x61: {  	[tilespmem:v1+s6+$0x0] =	vst.idx.msk $0xffff, v0  }
0x62: {  	v1 =	vld [tilespmem:$0xC5B0];
	_ =	sdelay $0x7  }
0x63: {  	[tilespmem:v1+s6+$0x0] =	vst.idx.msk $0xffff, v0  }
0x64: {  	v1 =	vld [tilespmem:$0xC5C0];
	_ =	sdelay $0x7  }
0x65: {  	[tilespmem:v1+s6+$0x0] =	vst.idx.msk $0xffff, v0  }
0x66: {  	v1 =	vld [tilespmem:$0xC5D0];
	_ =	sdelay $0x7  }
0x67: {  	[tilespmem:v1+s6+$0x0] =	vst.idx.msk $0xffff, v0  }
0x68: {  	v1 =	vld [tilespmem:$0xC5E0];
	_ =	sdelay $0x7  }
0x69: {  	[tilespmem:v1+s6+$0x0] =	vst.idx.msk $0xffff, v0  }
0x6a: {  	v1 =	vld [tilespmem:$0xC5F0];
	_ =	sdelay $0x7  }
0x6b: {  	[tilespmem:v1+s6+$0x0] =	vst.idx.msk $0xffff, v0  }
0x6c: {  	v1 =	vld [tilespmem:$0xC600];
	_ =	sdelay $0x7  }
0x6d: {  	[tilespmem:v1+s6+$0x0] =	vst.idx.msk $0xffff, v0  }
0x6e: {  	v1 =	vld [tilespmem:$0xC610];
	_ =	sdelay $0x7  }
0x6f: {  	[tilespmem:v1+s6+$0x0] =	vst.idx.msk $0xffff, v0  }
0x70: {  	v1 =	vld [tilespmem:$0xC620];
	_ =	sdelay $0x7  }
0x71: {  	[tilespmem:v1+s6+$0x0] =	vst.idx.msk $0xffff, v0  }
0x72: {  	v1 =	vld [tilespmem:$0xC630];
	_ =	sdelay $0x7  }
0x73: {  	[tilespmem:v1+s6+$0x0] =	vst.idx.msk $0xffff, v0  }
0x74: {  	v1 =	vld [tilespmem:$0xC640];
	_ =	sdelay $0x7  }
0x75: {  	[tilespmem:v1+s6+$0x0] =	vst.idx.msk $0xffff, v0  }
0x76: {  	v1 =	vld [tilespmem:$0xC650];
	_ =	sdelay $0x7  }
0x77: {  	[tilespmem:v1+s6+$0x0] =	vst.idx.msk $0xffff, v0  }
0x78: {  	v1 =	vld [tilespmem:$0xC660];
	_ =	sdelay $0x7  }
0x79: {  	[tilespmem:v1+s6+$0x0] =	vst.idx.msk $0xffff, v0  }
0x7a: {  	v1 =	vld [tilespmem:$0xC670];
	_ =	sdelay $0x7  }
0x7b: {  	[tilespmem:v1+s6+$0x0] =	vst.idx.msk $0xffff, v0  }
0x7c: {  	v1 =	vld [tilespmem:$0xC680];
	_ =	sdelay $0x7  }
0x7d: {  	[tilespmem:v1+s6+$0x0] =	vst.idx.msk $0xffff, v0  }
0x7e: {  	v1 =	vld [tilespmem:$0xC690];
	_ =	sdelay $0x7  }
0x7f: {  	[tilespmem:v1+s6+$0x0] =	vst.idx.msk $0xffff, v0  }
0x80: {  	v1 =	vld [tilespmem:$0xC6A0];
	_ =	sdelay $0x7  }
0x81: {  	[tilespmem:v1+s6+$0x0] =	vst.idx.msk $0xffff, v0  }
0x82: {  	v1 =	vld [tilespmem:$0xC6B0];
	_ =	sdelay $0x7  }
0x83: {  	[tilespmem:v1+s6+$0x0] =	vst.idx.msk $0xffff, v0  }
0x84: {  	v1 =	vld [tilespmem:$0xC6C0];
	_ =	sdelay $0x7  }
0x85: {  	[tilespmem:v1+s6+$0x0] =	vst.idx.msk $0xffff, v0  }
0x86: {  	v1 =	vld [tilespmem:$0xC6D0];
	_ =	sdelay $0x7  }
0x87: {  	[tilespmem:v1+s6+$0x0] =	vst.idx.msk $0xffff, v0  }
0x88: {  	v1 =	vld [tilespmem:$0xC6E0];
	_ =	sdelay $0x7  }
0x89: {  	[tilespmem:v1+s6+$0x0] =	vst.idx.msk $0xffff, v0  }
0x8a: {  	v1 =	vld [tilespmem:$0xC6F0];
	_ =	sdelay $0x7  }
0x8b: {  	[tilespmem:v1+s6+$0x0] =	vst.idx.msk $0xffff, v0  }
0x8c: {  	v1 =	vld [tilespmem:$0xC700];
	_ =	sdelay $0x7  }
0x8d: {  	[tilespmem:v1+s6+$0x0] =	vst.idx.msk $0xffff, v0  }
0x8e: {  	v1 =	vld [tilespmem:$0xC710];
	_ =	sdelay $0x7  }
0x8f: {  	[tilespmem:v1+s6+$0x0] =	vst.idx.msk $0xffff, v0  }
0x90: {  	v1 =	vld [tilespmem:$0xC720];
	_ =	sdelay $0x7  }
0x91: {  	[tilespmem:v1+s6+$0x0] =	vst.idx.msk $0xffff, v0  }
0x92: {  	v1 =	vld [tilespmem:$0xC730];
	_ =	sdelay $0x7  }
0x93: {  	[tilespmem:v1+s6+$0x0] =	vst.idx.msk $0xffff, v0  }
0x94: {  	v1 =	vld [tilespmem:$0xC740];
	_ =	sdelay $0x6  }
0x95: {  	p0 =	sne.s32 s5, $0x1  }
.Ltmp1:
0x96: {  	[tilespmem:v1+s6+$0x0] =	vst.idx.msk $0xffff, v0;
	(pc) =	sbr.rel @p0 .LBB2_2-.Ltmp1, $4  }
0x97: {  	[hbm4b:s4+s6] =	stream.linear.scatter [tilespmem:s6], [sflag:$0x1], $0xC350, $0x38;
	[tilespmem:$0xC750] =	vst v63  }
0x98: {  	_ =	swait.ge [sflag:s7], $0xC350  }
0x99: {  	[sflag:s7] =	ssyncset.done $0x0  }
0x9a: {  	s5 =	sadd.s32 $0xFFFFFFFF, s5;
	[sflag:s7] =	ssyncadd.s32 $0xFFFF3CB0  }
.LBB2_3:
0x9b: {  	_ =	sfence.sel $0x180000  }
0x9c: {  	[bflag:$0x0] =	sbarrier.arrive $0xFFFF  }
0x9d: {  	p0 =	sne.s32 s0, $0x0;
	_ =	strace $0x9000004A  }
0x9e: {  	s0 =	sadd.s32 @!p0 $0x100000, s1;
	[bflag:$0x2] =	sbarrier.arrive $0xFFFF  }
0x9f: {  	[sflag:s0] =	ssyncadd.tile.s32 @!p0 $0x1;
	_ =	shalt  }
.Lfunc_end2:
_tile_overlayer_lowered:
.L_overlay_start_2:
0xa0: {  	(tag) =	ssettag $0x2  }
0xa1: {  	s0 =	rddreg [dreg:$0x0];
	s2 =	stileid.u32  }
0xa2: {  	s1 =	rddreg [dreg:$0x1];
	p0 =	sne.s32 s2, $0x0  }
0xa3: {  	s3 =	rddreg [dreg:$0x2];
	[bflag:$0x3] =	sbarrier.arrive $0xFFFF;
	s2 =	simm.s32 @!p0 $0x1C01  }
0xa4: {  	[timem:s3], [sflag:s2] =	dma.local @!p0 [hbm:s0], s1  }
0xa5: {  	s0 =	simm.s32 @!p0 $0x1  }
0xa6: {  	_ =	swait.ge @!p0 [sflag:s0], s1  }
0xa7: {  	s1 =	ssub.s32 @!p0 $0x0, s1;
	[sflag:s0] =	ssyncset.done @!p0 $0x0  }
0xa8: {  	[sflag:s0] =	ssyncadd.s32 @!p0 s1  }
0xa9: {  	[bflag:$0x3] =	sbarrier.arrive $0xFFFF  }
0xaa: {  	_ =	shalt  }

// kernel: kernel.13.cloned.1.call-start
scs
__scs_entry_jumppad:
0x0: {  	(pc) =	sbr.rel $0x88, $3  }
0x1: {  	(tag) =	ssettag $0x0;
	lr =	simm.s32 $0x1  }
0x2: {  	[smem:$0x3F92] =	sst lr;
	_ =	strace $0xD0000000  }
0x3: {  	_ = 	snop  }
0x4: {  	_ = 	snop  }
0x5: {  	_ = 	snop  }
0x6: {  	_ = 	snop  }
0x7: {  	_ = 	snop  }
__scs_overlays_trampoline_lowered:
0x8: {  	[smem:$0x3FA1] =	sst s0  }
0x9: {  	[smem:$0x3FA2] =	sst s1  }
0xa: {  	[smem:$0x3FA3] =	sst s2  }
0xb: {  	[smem:$0x3FA4] =	sst s3  }
0xc: {  	[smem:$0x3FA5] =	sst s4  }
0xd: {  	[smem:$0x3FA6] =	sst s5  }
0xe: {  	[smem:$0x3FA7] =	sst s6  }
0xf: {  	[smem:$0x3FA8] =	sst s7  }
0x10: {  	[smem:$0x3FA9] =	sst s8  }
0x11: {  	[smem:$0x3FAA] =	sst s9;
	s0 =	simm.s32 @!p0 $0x0  }
0x12: {  	s1 =	sld [smem:$0x3F90];
	s0 =	simm.s32 @p0 $0x1  }
0x13: {  	[smem:$0x3FAB] =	sst s0;
	s0 =	simm.s32 @!p1 $0x0  }
0x14: {  	s2 =	sld [smem:$0x3F8F];
	s0 =	simm.s32 @p1 $0x1  }
0x15: {  	[smem:$0x3FAC] =	sst s0;
	s0 =	simm.s32 @!p2 $0x0  }
0x16: {  	s3 =	sld [smem:$0x3FDB];
	s0 =	simm.s32 @p2 $0x1  }
0x17: {  	s4 =	simm.s32 $0x1BF5;
	[smem:$0x3FAE] =	sst s0  }
0x18: {  	s0 =	sld [smem:$0x3F91];
	_ =	swait.ge [sflag:s4], $0x0  }
0x19: {  	s7 =	sld [smem:$0x3F92]  }
0x1a: {  	s8 =	sadd.s32 $0xFFFFE003, lr  }
0x1b: {  	s9 =	sadd.s32 $0xFFFFFEF7, lr;
	s5 =	simm.s32 $0xFFFFFFFF;
	p2 =	slt.u32 s8, $0xFFFFF086  }
0x1c: {  	p1 =	slt.u32 s9, $0xF7A;
	s5 =	simm.s32 @!p2 $0x0  }
0x1d: {  	s5 =	simm.s32 @p1 $0x1;
	p0 =	seq.s32 s7, s2  }
0x1e: {  	s7 =	smul.u32 @!p0 $0xF7A, s2;
	p2 =	seq.s32 @!p0 s5, $0x0  }
0x1f: {  	s9 =	smul.u32 $0xF7A, s1;
	s8 =	simm.s32 @!p0 $0x1BF5;
	p2 =	por !p2, p0  }
0x20: {  	[sflag:s8] =	ssyncset.s32 @!p0 $0xFFFFF086;
	s6 =	sadd.s32 @!p0 s3, s7;
	s7 =	simm.s32 @!p0 $0x108  }
0x21: {  	s3 =	sadd.s32 s3, s9;
	s6 =	sadd.s32 @!p0 $0x88, s6;
	s7 =	simm.s32 @p2 $0x1082  }
0x22: {  	[simem:s7], [sflag:s8] =	dma.local @!p0 [hbm:s6], $0xF7A  }
0x23: {  	s9 =	sor.u32 $0xD0000000, s2;
	s6 =	simm.s32 $0x108;
	_ =	swait.ge @!p0 [sflag:s8], $0x0  }
0x24: {  	s3 =	sadd.s32 $0x88, s3;
	s6 =	simm.s32 @!p1 $0x1082;
	[sflag:s4] =	ssyncset.s32 $0xFFFFF086  }
0x25: {  	[simem:s6], [sflag:s4] =	dma.local [hbm:s3], $0xF7A  }
0x26: {  	[smem:$0x3F92] =	sst s1;
	(tag) =	ssettag s2;
	_ =	strace s9  }
0x27: {  	s1 =	sld [smem:$0x3FA2]  }
0x28: {  	s2 =	sld [smem:$0x3FA3]  }
0x29: {  	s4 =	sld [smem:$0x3FA5]  }
0x2a: {  	p0 =	seq.s32 s5, $0x0;
	s5 =	sld [smem:$0x3FA6]  }
0x2b: {  	s6 =	sld [smem:$0x3FA7]  }
0x2c: {  	s7 =	sld [smem:$0x3FA8]  }
0x2d: {  	s3 =	simm.s32 $0x108;
	s8 =	sld [smem:$0x3FA9]  }
0x2e: {  	s3 =	simm.s32 @!p0 $0x1082;
	s9 =	sld [smem:$0x3FAA]  }
0x2f: {  	lr =	sadd.s32 s0, s3;
	s0 =	sld [smem:$0x3FA1]  }
0x30: {  	s3 =	sld [smem:$0x3FA4]  }
0x31: {  	[smem:$0x3FAD] =	sst s10  }
0x32: {  	s10 =	sld [smem:$0x3FAB];
	_ =	sdelay $0x3  }
0x33: {  	p0 =	seq.s32 s10, $0x1;
	s10 =	sld [smem:$0x3FAD];
	_ =	sdelay $0x3  }
0x34: {  	[smem:$0x3FAD] =	sst s10  }
0x35: {  	s10 =	sld [smem:$0x3FAC];
	_ =	sdelay $0x3  }
0x36: {  	p1 =	seq.s32 s10, $0x1;
	s10 =	sld [smem:$0x3FAD];
	_ =	sdelay $0x3  }
0x37: {  	[smem:$0x3FAD] =	sst s10  }
0x38: {  	s10 =	sld [smem:$0x3FAE]  }
0x39: {  	_ = 	snop;
	(pc) =	sbr.ind lr, $3  }
0x3a: {  	_ = 	snop  }
0x3b: {  	_ = 	snop  }
0x3c: {  	p2 =	seq.s32 s10, $0x1;
	s10 =	sld [smem:$0x3FAD]  }
0x3d: {  	_ =	shalt  }
0x3e: {  	_ =	shalt  }
0x3f: {  	_ =	shalt  }
0x40: {  	_ =	shalt  }
0x41: {  	_ =	shalt  }
0x42: {  	_ =	shalt  }
0x43: {  	_ =	shalt  }
0x44: {  	_ =	shalt  }
0x45: {  	_ =	shalt  }
0x46: {  	_ =	shalt  }
0x47: {  	_ =	shalt  }
0x48: {  	_ =	shalt  }
0x49: {  	_ =	shalt  }
0x4a: {  	_ =	shalt  }
0x4b: {  	_ =	shalt  }
0x4c: {  	_ =	shalt  }
0x4d: {  	_ =	shalt  }
0x4e: {  	_ =	shalt  }
0x4f: {  	_ =	shalt  }
0x50: {  	_ =	shalt  }
0x51: {  	_ =	shalt  }
0x52: {  	_ =	shalt  }
0x53: {  	_ =	shalt  }
0x54: {  	_ =	shalt  }
0x55: {  	_ =	shalt  }
0x56: {  	_ =	shalt  }
0x57: {  	_ =	shalt  }
0x58: {  	_ =	shalt  }
0x59: {  	_ =	shalt  }
0x5a: {  	_ =	shalt  }
0x5b: {  	_ =	shalt  }
0x5c: {  	_ =	shalt  }
0x5d: {  	_ =	shalt  }
0x5e: {  	_ =	shalt  }
0x5f: {  	_ =	shalt  }
0x60: {  	_ =	shalt  }
0x61: {  	_ =	shalt  }
0x62: {  	_ =	shalt  }
0x63: {  	_ =	shalt  }
0x64: {  	_ =	shalt  }
0x65: {  	_ =	shalt  }
0x66: {  	_ =	shalt  }
0x67: {  	_ =	shalt  }
0x68: {  	_ =	shalt  }
0x69: {  	_ =	shalt  }
0x6a: {  	_ =	shalt  }
0x6b: {  	_ =	shalt  }
0x6c: {  	_ =	shalt  }
0x6d: {  	_ =	shalt  }
0x6e: {  	_ =	shalt  }
0x6f: {  	_ =	shalt  }
0x70: {  	_ =	shalt  }
0x71: {  	_ =	shalt  }
0x72: {  	_ =	shalt  }
0x73: {  	_ =	shalt  }
0x74: {  	_ =	shalt  }
0x75: {  	_ =	shalt  }
0x76: {  	_ =	shalt  }
0x77: {  	_ =	shalt  }
0x78: {  	_ =	shalt  }
0x79: {  	_ =	shalt  }
0x7a: {  	_ =	shalt  }
0x7b: {  	_ =	shalt  }
0x7c: {  	_ =	shalt  }
0x7d: {  	_ =	shalt  }
0x7e: {  	_ =	shalt  }
0x7f: {  	_ =	shalt  }
0x80: {  	_ =	shalt  }
0x81: {  	_ =	shalt  }
0x82: {  	_ =	shalt  }
0x83: {  	_ =	shalt  }
0x84: {  	_ =	shalt  }
0x85: {  	_ =	shalt  }
0x86: {  	_ =	shalt  }
0x87: {  	_ =	shalt  }
.Lfunc_end0:
.L_simem_size_0:
called_computation.2_lowered:
.L_overlay_start_0:
0x88: {  	s2 =	sld [smem:$0x3FD9]  }
0x89: {  	s3 =	sld [smem:$0x3FFE];
	_ =	sdelay $0x1  }
0x8a: {  	s1 =	srdreg.scid  }
0x8b: {  	s0 =	sand.u32 $0x1, s1  }
0x8c: {  	s17 =	sshll.u32 s0, $0xA;
	s2 =	sadd.s32 s3, s2  }
0x8d: {  	s2 =	sadd.s32 s2, s17  }
0x8e: {  	[smem:$0x3FB9] =	sst s2  }
0x8f: {  	_ = 	snop  }
0x90: {  	s2 =	sld [smem:$0x3FC9]  }
0x91: {  	s18 =	sld [smem:$0x3FD0];
	(tm) =	ssettm $0x1  }
0x92: {  	s4 =	sld [smem:$0x3FFB];
	_ =	sdelay $0x3  }
0x93: {  	_ =	strace s4  }
0x94: {  	s4 =	sld [smem:$0x3FFC];
	_ =	sdelay $0x3  }
0x95: {  	_ =	strace s4  }
0x96: {  	s4 =	sld [smem:$0x3FFD];
	_ =	sdelay $0x3  }
0x97: {  	_ =	strace s4  }
0x98: {  	_ =	strace $0x8FFFFFFF  }
0x99: {  	s19 =	sld [smem:$0x3FDB];
	_ =	sdelay $0x1  }
0x9a: {  	s5 =	simm.s32 $_scs_section_size  }
0x9b: {  	s6 =	simm.s32 $_size__tile_overlayer_lowered;
	s7 =	simm.s32 $_tile_overlayer_lowered  }
0x9c: {  	s22 =	simm.s32 $0x1BFF;
	s21 =	sshll.u32 s7, $0x1;
	s4 =	sadd.s32 s5, s19  }
0x9d: {  	s8 =	simm.s32 $0x0;
	s20 =	sshll.u32 s6, $0x1;
	s6 =	sadd.s32 s21, s4  }
0x9e: {  	[timem:s8], [sflag:s22] =	dma.local [hbm:s6], s20  }
0x9f: {  	_ =	swait.ge [sflag:s22], s20  }
0xa0: {  	s5 =	ssub.s32 $0x0, s20;
	[sflag:s22] =	ssyncset.done $0x0  }
0xa1: {  	[sflag:s22] =	ssyncadd.s32 s5;
	_ =	sdelay $0x1  }
0xa2: {  	s23 =	simm.s32 $0x1B8B  }
0xa3: {  	_ =	swait.ge [sflag:s23], $0x1  }
0xa4: {  	[sflag:s23] =	ssyncset.done $0x0  }
0xa5: {  	s25 =	simm.s32 $0x1B8E;
	s24 =	sld [smem:$0x3FFE];
	[sflag:s23] =	ssyncadd.s32 $0xFFFFFFFF  }
0xa6: {  	s26 =	simm.s32 $execute0_lowered;
	[smem:$0x3FD2] =	sst s25  }
0xa7: {  	s6 =	sshll.u32 s26, $0x1;
	_ =	strace $0x8000004C;
	[dreg:$0x1] =	wrdreg $0xFFFFFFFF  }
0xa8: {  	s28 =	simm.s32 $_size_execute0_lowered;
	s4 =	sadd.s32 s4, s6;
	[dreg:$0x0] =	wrdreg $0x0  }
0xa9: {  	s6 =	sshll.u32 s28, $0x1;
	[dreg:$0x2] =	wrdreg s4  }
0xaa: {  	[dreg:$0x3] =	wrdreg s6  }
0xab: {  	[dreg:$0x4] =	wrdreg $0xC0  }
0xac: {  	_ =	task [dreg:s8], $0x5FFFF  }
0xad: {  	[dreg:$0x1] =	wrdreg $0xFFFFFFFF  }
0xae: {  	[dreg:$0x0] =	wrdreg $0x60  }
0xaf: {  	[dreg:$0x2] =	wrdreg s24  }
0xb0: {  	[dreg:$0x3] =	wrdreg s2  }
0xb1: {  	[dreg:$0x4] =	wrdreg s18  }
0xb2: {  	[dreg:$0x5] =	wrdreg $0x9  }
0xb3: {  	_ =	task.clear_ibuf [dreg:s8], $0x6FFFF;
	_ =	strace $0x9000004C  }
0xb4: {  	s29 =	simm.s32 $0x9;
	_ =	strace $0x8000004E  }
0xb5: {  	_ =	swait.ge [sflag:s29], $0x1  }
0xb6: {  	[sflag:s29] =	ssyncadd.s32 $0xFFFFFFFF  }
0xb7: {  	_ =	strace $0x9000004E  }
0xb8: {  	_ =	sfence  }
0xb9: {  	s30 =	sld [smem:$0x0];
	_ =	sdelay $0x2  }
0xba: {  	s31 =	sshll.u32 s1, $0xD;
	s1 =	sshrl.u32 s1, $0x2  }
0xbb: {  	s3 =	sand.u32 $0x4000, s31;
	s1 =	sadd.s32 s1, s30  }
0xbc: {  	s0 =	sor.u32 s3, s0;
	s1 =	sshll.u32 s1, $0x11  }
0xbd: {  	s0 =	sor.u32 s1, s0  }
0xbe: {  	s0 =	sadd.s32 $0x8F2B, s0  }
0xbf: {  	[sflag:s0] =	ssyncadd.remote.s32 $0x1  }
0xc0: {  	_ =	sfence.sel $0xFFFF  }
0xc1: {  	[dreg:$0x0] =	wrdreg $0xFFFFFFFF;
	(pc) =	sbr.abs _section_cstart, $3  }
0xc2: {  	[dreg:$0x1] =	wrdreg $0xFFFFFFFF  }
0xc3: {  	_ =	task.clear_ibuf [dreg:s8], $0x2FFFF;
	_ =	strace $0x9FFFFFFF  }
0xc4: {  	(tm) =	ssettm $0x7FFFFFFF  }
0xc5: {  	_ =	shalt  }
tec
execute0_lowered:
.L_overlay_start_1:
0x0: {  	(tag) =	ssettag $0x1  }
0x1: {  	s6 =	rddreg [dreg:$0x0]  }
0x2: {  	s1 =	srdreg.scid;
	s2 =	rddreg [dreg:$0x1]  }
0x3: {  	s0 =	stileid.u32;
	s10 =	rddreg [dreg:$0x2];
	s3 =	simm.s32 $0x0  }
0x4: {  	s17 =	simm.s32 $0x12500;
	s18 =	simm.s32 $0x187F0;
	s19 =	simm.s32 $0x18750  }
0x5: {  	s20 =	simm.s32 $0x80;
	s21 =	simm.s32 $0x18800;
	s22 =	simm.s32 $0x18880  }
0x6: {  	s23 =	simm.s32 $0x1;
	s24 =	simm.s32 $0x18900;
	s25 =	simm.s32 $0x0  }
0x7: {  	s11 =	sand.u32 $0x1, s1;
	s1 =	rddreg [dreg:$0x3];
	s15 =	smul.u32 $0xFFFFFF3C, s0  }
0x8: {  	s29 =	sshll.u32 s0, $0x1;
	[smem:$0x7FF] =	sst s3;
	s31 =	smul.u32 $0xC40, s0  }
0x9: {  	s5 =	sadd.s32 $0x1BD600, s6;
	s9 =	sor.u32 s11, s29;
	s14 =	smul.u32 $0xFFFFFF9E, s11  }
0xa: {  	_ =	strace $0x8000004D;
	s13 =	ssub.s32 $0x2, s11;
	s16 =	smul.u32 $0x620, s11  }
0xb: {  	s4 =	smul.u32 $0x61A8, s9;
	s8 =	sshll.u32 s9, $0x1;
	s12 =	sshll.u32 s9, $0x9  }
0xc: {  	s30 =	sshrl.u32 s13, $0x1;
	s9 =	sshll.u32 s9, $0x4;
	s8 =	sadd.s32 s8, s6  }
0xd: {  	s12 =	sadd.s32 s12, s6;
	s13 =	ssub.s32 s13, s30;
	s9 =	sadd.s32 s10, s9  }
0xe: {  	s14 =	sadd.s32 s15, s14;
	s15 =	simm.s32 $0x2;
	s4 =	sshrl.u32 s4, $0x3  }
0xf: {  	s8 =	sadd.s32 $0x36C00, s8;
	s10 =	sadd.s32 $0x3AE00, s12;
	s14 =	sadd.s32 $0xC35, s14  }
0x10: {  	s11 =	sadd.s32 $0x36E00, s12;
	s13 =	smax.u32 s13, $0x1;
	s7 =	sadd.s32 s4, s6  }
0x11: {  	v0 =	vlaneseq.u32;
	s4 =	sadd.s32 $0x35200, s6;
	s12 =	smin.u32 s14, $0x62;
	s14 =	sadd.s32 s16, s31  }
0x12: {  	v1 =	vimm.s32 $0xC34F;
	vm0 =	vmmov $0xff;
	v2 =	vor.u32 $0xFFFFFFF8, v0;
	s16 =	simm.s32 $0xC350;
	s6 =	sadd.s32 $0x1C6A0, s7;
	s7 =	sadd.s32 $0x4000, s7  }
.LBB2_1:
0x13: {  	[tilespmem:s3], [sflag:$0x2] =	stream.linear.gather [hbm4b:s4+s3], $0xC350, $0x38;
	[tilespmem:$0x19900] =	vst v63  }
0x14: {  	_ =	swait.ge [sflag:s15], $0xC350  }
0x15: {  	[sflag:s15] =	ssyncset.done $0x0  }
0x16: {  	[sflag:s15] =	ssyncadd.s32 $0xFFFF3CB0  }
0x17: {  	[tilespmem:s16], [sflag:$0x2] =	stream.linear.gather [hbm4b:s6+s3], $0x61A8, $0x38;
	[tilespmem:$0x19900] =	vst v63  }
0x18: {  	_ =	swait.ge [sflag:s15], $0x61A8  }
0x19: {  	[sflag:s15] =	ssyncset.done $0x0  }
0x1a: {  	[sflag:s15] =	ssyncadd.s32 $0xFFFF9E58  }
0x1b: {  	[tilespmem:s17], [sflag:$0x2] =	stream.linear.gather [hbm4b:s7+s3], $0x61A8, $0x38;
	[tilespmem:$0x19900] =	vst v63  }
0x1c: {  	_ =	swait.ge [sflag:s15], $0x61A8  }
0x1d: {  	[sflag:s15] =	ssyncset.done $0x0  }
0x1e: {  	[sflag:s15] =	ssyncadd.s32 $0xFFFF9E58  }
0x1f: {  	[tilespmem:$0x186B0] =	vst v1  }
0x20: {  	[tilespmem:$0x186C0] =	vst v1  }
0x21: {  	[tilespmem:$0x186D0] =	vst v1  }
0x22: {  	[tilespmem:$0x186E0] =	vst v1  }
0x23: {  	[tilespmem:$0x186F0] =	vst v1  }
0x24: {  	[tilespmem:$0x18700] =	vst v1  }
0x25: {  	[tilespmem:$0x18710] =	vst v1  }
0x26: {  	[tilespmem:$0x18720] =	vst v1  }
0x27: {  	[tilespmem:$0x18730] =	vst v1  }
0x28: {  	[tilespmem:$0x18740] =	vst v1  }
0x29: {  	[tilespmem:$0x18750] =	vst v1  }
0x2a: {  	[tilespmem:$0x18760] =	vst v1  }
0x2b: {  	[tilespmem:$0x18770] =	vst v1  }
0x2c: {  	[tilespmem:$0x18780] =	vst v1  }
0x2d: {  	[tilespmem:$0x18790] =	vst v1  }
0x2e: {  	[tilespmem:$0x187A0] =	vst v1  }
0x2f: {  	[tilespmem:$0x187B0] =	vst v1  }
0x30: {  	[tilespmem:$0x187C0] =	vst v1  }
0x31: {  	[tilespmem:$0x187D0] =	vst v1  }
0x32: {  	v4 =	vimm.s32 $0x0;
	s26 =	simm.s32 $0x0;
	[tilespmem:$0x187E0] =	vst v1  }
.LBB2_2:
0x33: {  	s28 =	sshra.s32 s26, $0x2  }
0x34: {  	v3 =	vld [tilespmem:s28+$0xC350];
	_ =	sdelay $0x7  }
0x35: {  	v5 =	vld.idx.msk [tilespmem:v3+s3+$0x0], $0xffff;
	_ =	sdelay $0x4  }
0x36: {  	vm1 =	vne.s32 v5, $0x0  }
0x37: {  	v6 =	vmpcnt.ones.xlane vm1;
	_ =	sdelay $0x1  }
0x38: {  	(v2sf) =	vpush v6, $0x0;
	_ =	sdelay $0xe  }
0x39: {  	s29 =	spop (v2sf)  }
0x3a: {  	p0 =	slt.s32 s29, $0x1  }
0x3b: {  	vm1 =	vne.s32 @!p0 v5, $0x0;
	v5 =	vimm.s32 @!p0 $0x0  }
0x3c: {  	v5 =	vsel @!p0 vm1, $0x1, v5  }
0x3d: {  	(xrf0) =	vadd.scan.msk.s32 @!p0 $0xffff, v5;
	_ =	sdelay $0x5  }
0x3e: {  	v5, _, _ =	vpop @!p0 (xrf0)  }
0x3f: {  	s29 =	sshra.s32 @!p0 s26, $0x2;
	v5 =	vadd.s32 @!p0 v5, v4  }
0x40: {  	v7 =	vld @!p0 [tilespmem:s29+$0x12500];
	v5 =	vadd.s32 @!p0 $0xFFFFFFFF, v5;
	_ =	sdelay $0x3  }
0x41: {  	s29 =	simm.s32 @!p0 $0x186B0  }
0x42: {  	[tilespmem:v5+s29+$0x0] =	vst.idx.msk @!p0 vm1, v7;
	s29 =	simm.s32 @!p0 $0x18750  }
0x43: {  	[tilespmem:v5+s29+$0x0] =	vst.idx.msk @!p0 vm1, v3  }
0x44: {  	v3 =	vld [tilespmem:s28+$0xC360];
	_ =	sdelay $0x7  }
0x45: {  	v5 =	vld.idx.msk [tilespmem:v3+s3+$0x0], $0xffff;
	_ =	sdelay $0x4  }
0x46: {  	vm1 =	vne.s32 v5, $0x0  }
0x47: {  	v7 =	vmpcnt.ones.xlane vm1;
	_ =	sdelay $0x1  }
0x48: {  	(v2sf) =	vpush v7, $0x0;
	_ =	sdelay $0xe  }
0x49: {  	s31 =	spop (v2sf)  }
0x4a: {  	p0 =	slt.s32 s31, $0x1  }
0x4b: {  	vm1 =	vne.s32 @!p0 v5, $0x0;
	v5 =	vimm.s32 @!p0 $0x0  }
0x4c: {  	v5 =	vsel @!p0 vm1, $0x1, v5  }
0x4d: {  	(xrf0) =	vadd.scan.msk.s32 @!p0 $0xffff, v5;
	_ =	sdelay $0x3  }
0x4e: {  	v4 =	vadd.s32 v4, v6  }
0x4f: {  	vm2 =	vlt.s32 v4, $0x80  }
0x50: {  	v4 =	vnsel vm2, $0x80, v4;
	v5, _, _ =	vpop @!p0 (xrf0)  }
0x51: {  	s28 =	sshra.s32 @!p0 s26, $0x2;
	v5 =	vadd.s32 @!p0 v5, v4  }
0x52: {  	s26 =	sadd.s32 $0x80, s26;
	v6 =	vld @!p0 [tilespmem:s28+$0x12510];
	v5 =	vadd.s32 @!p0 $0xFFFFFFFF, v5  }
0x53: {  	p1 =	sne.s32 s26, $0x18680  }
.Ltmp0:
0x54: {  	_ = 	snop;
	(pc) =	sbr.rel @p1 .LBB2_2-.Ltmp0, $4  }
0x55: {  	_ = 	snop  }
0x56: {  	s28 =	simm.s32 @!p0 $0x186B0;
	v4 =	vadd.s32 v4, v7  }
0x57: {  	vm2 =	vlt.s32 v4, $0x80;
	[tilespmem:v5+s28+$0x0] =	vst.idx.msk @!p0 vm1, v6;
	s28 =	simm.s32 @!p0 $0x18750  }
0x58: {  	v4 =	vnsel vm2, $0x80, v4;
	[tilespmem:v5+s28+$0x0] =	vst.idx.msk @!p0 vm1, v3  }
0x59: {  	v5 =	vld [tilespmem:$0x124F0];
	_ =	sdelay $0x7  }
0x5a: {  	v3 =	vld.idx.msk [tilespmem:v5+s3+$0x0], $0xff;
	_ =	sdelay $0x4  }
0x5b: {  	vm1 =	vne.s32 v3, $0x0  }
0x5c: {  	vm1 =	vmand vm1, vm0  }
0x5d: {  	v6 =	vmpcnt.ones.xlane vm1;
	_ =	sdelay $0x1  }
0x5e: {  	(v2sf) =	vpush v6, $0x0;
	_ =	sdelay $0xe  }
0x5f: {  	s26 =	spop (v2sf)  }
0x60: {  	p0 =	slt.s32 s26, $0x1  }
0x61: {  	v3 =	vimm.s32 @!p0 $0x0  }
0x62: {  	v3 =	vsel @!p0 vm1, $0x1, v3  }
0x63: {  	(xrf0) =	vadd.scan.msk.s32 @!p0 $0xffff, v3;
	_ =	sdelay $0x5  }
0x64: {  	v3, _, _ =	vpop @!p0 (xrf0)  }
0x65: {  	v3 =	vadd.s32 @!p0 v3, v4  }
0x66: {  	v7 =	vld @!p0 [tilespmem:$0x186A0];
	v8 =	vadd.s32 @!p0 $0xFFFFFFFF, v3  }
0x67: {  	v3 =	vor.u32 s14, v0  }
0x68: {  	v9 =	vand.u32 v2, v3;
	_ =	sdelay $0x1  }
0x69: {  	s26 =	simm.s32 @!p0 $0x186B0  }
0x6a: {  	[tilespmem:v8+s26+$0x0] =	vst.idx.msk @!p0 vm1, v7;
	s26 =	simm.s32 @!p0 $0x18750  }
0x6b: {  	[tilespmem:v8+s26+$0x0] =	vst.idx.msk @!p0 vm1, v5  }
0x6c: {  	v5 =	vld.idx.msk [tilespmem:v9+s3+$0x0], $0xffff;
	_ =	sdelay $0x4  }
0x6d: {  	vm1 =	vne.s32 v5, $0x0  }
0x6e: {  	v7 =	vmpcnt.ones.xlane vm1;
	_ =	sdelay $0x1  }
0x6f: {  	(v2sf) =	vpush v7, $0x0;
	_ =	sdelay $0xe  }
0x70: {  	s31 =	spop (v2sf)  }
0x71: {  	p1 =	slt.s32 s31, $0x1  }
0x72: {  	vm1 =	vne.s32 @!p1 v5, $0x0;
	v5 =	vimm.s32 @!p1 $0x0  }
0x73: {  	v5 =	vsel @!p1 vm1, $0x1, v5  }
0x74: {  	(xrf0) =	vadd.scan.msk.s32 @!p1 $0xffff, v5;
	_ =	sdelay $0x1  }
0x75: {  	s26 =	sadd.s32 $0xFFFFFFFF, s12  }
0x76: {  	v4 =	vadd.s32 v4, v6;
	p0 =	sne.s32 s26, $0x0  }
.Ltmp1:
0x77: {  	vm2 =	vlt.s32 v4, $0x80;
	(pc) =	sbr.rel @!p0 .LBB2_5-.Ltmp1, $4  }
0x78: {  	v4 =	vnsel vm2, $0x80, v4  }
0x79: {  	v5 =	vadd.s32 v4, v7;
	v6, _, _ =	vpop @!p1 (xrf0)  }
0x7a: {  	vm2 =	vlt.s32 v5, $0x80;
	v6 =	vadd.s32 @!p1 v6, v4  }
0x7b: {  	s28 =	sadd.s32 $0x10, s14;
	v4 =	vnsel vm2, $0x80, v5;
	v5 =	vadd.s32 @!p1 $0xFFFFFFFF, v6  }
.LBB2_4:
0x7c: {  	v6 =	vor.u32 s28, v0;
	v7 =	vmov v4  }
0x7d: {  	s26 =	sadd.s32 $0xFFFFFFFF, s26;
	v8 =	vand.u32 v2, v6  }
0x7e: {  	p0 =	sne.s32 s26, $0x0  }
0x7f: {  	s29 =	simm.s32 @!p1 $0x186B0  }
0x80: {  	[tilespmem:v5+s29+$0x0] =	vst.idx.msk @!p1 vm1, v3;
	s29 =	simm.s32 @!p1 $0x18750  }
0x81: {  	[tilespmem:v5+s29+$0x0] =	vst.idx.msk @!p1 vm1, v3;
	v3 =	vmov v6  }
0x82: {  	v5 =	vld.idx.msk [tilespmem:v8+s3+$0x0], $0xffff;
	_ =	sdelay $0x5  }
0x83: {  	vm1 =	vne.s32 v5, $0x0  }
0x84: {  	v6 =	vmpcnt.ones.xlane vm1;
	_ =	sdelay $0x1  }
0x85: {  	v4 =	vadd.s32 v4, v6;
	(v2sf) =	vpush v6, $0x0  }
0x86: {  	vm1 =	vlt.s32 v4, $0x80  }
0x87: {  	v4 =	vnsel vm1, $0x80, v4;
	_ =	sdelay $0xc  }
0x88: {  	s29 =	spop (v2sf)  }
0x89: {  	p1 =	slt.s32 s29, $0x1  }
0x8a: {  	vm1 =	vne.s32 @!p1 v5, $0x0;
	v5 =	vimm.s32 @!p1 $0x0  }
0x8b: {  	v5 =	vsel @!p1 vm1, $0x1, v5  }
0x8c: {  	(xrf0) =	vadd.scan.msk.s32 @!p1 $0xffff, v5;
	_ =	sdelay $0x3  }
.Ltmp2:
0x8d: {  	(pc) =	sbr.rel @p0 .LBB2_4-.Ltmp2, $4  }
0x8e: {  	_ = 	snop  }
0x8f: {  	v5, _, _ =	vpop @!p1 (xrf0)  }
0x90: {  	v5 =	vadd.s32 @!p1 v5, v7  }
0x91: {  	s28 =	sadd.s32 $0x10, s28;
	v5 =	vadd.s32 @!p1 $0xFFFFFFFF, v5  }
.LBB2_5:
0x92: {  	_ =	sdelay $0x3  }
0x93: {  	s26 =	simm.s32 @!p1 $0x186B0  }
0x94: {  	[tilespmem:v5+s26+$0x0] =	vst.idx.msk @!p1 vm1, v3;
	s26 =	simm.s32 @!p1 $0x18750  }
0x95: {  	[tilespmem:v5+s26+$0x0] =	vst.idx.msk @!p1 vm1, v3  }
0x96: {  	[tilespmem:$0x187F0] =	vst v4  }
0x97: {  	[hbm4b:s8+s3] =	stream.linear.scatter [tilespmem:s18], [sflag:$0x2], $0x10, $0x38;
	[tilespmem:$0x19900] =	vst v63  }
0x98: {  	_ =	swait.ge [sflag:s15], $0x10  }
0x99: {  	[sflag:s15] =	ssyncset.done $0x0  }
0x9a: {  	[sflag:s15] =	ssyncadd.s32 $0xFFFFFFF0  }
0x9b: {  	[hbm4b:s9+s3] =	stream.linear.scatter [tilespmem:s19], [sflag:$0x2], $0x80, $0x38;
	[tilespmem:$0x19900] =	vst v63  }
0x9c: {  	_ =	swait.ge [sflag:s15], $0x80  }
0x9d: {  	[sflag:s15] =	ssyncset.done $0x0  }
0x9e: {  	[sflag:s15] =	ssyncadd.s32 $0xFFFFFF80  }
0x9f: {  	v3 =	vld [tilespmem:$0x186B0]  }
0xa0: {  	v54 =	vld [tilespmem:$0x186C0]  }
0xa1: {  	v55 =	vld [tilespmem:$0x186D0]  }
0xa2: {  	v6 =	vld [tilespmem:$0x186E0]  }
0xa3: {  	v7 =	vld [tilespmem:$0x186F0]  }
0xa4: {  	v56 =	vld [tilespmem:$0x18710];
	[tilespmem:$0x18800] =	vst v3  }
0xa5: {  	v57 =	vld [tilespmem:$0x18720];
	[tilespmem:$0x18810] =	vst v54  }
0xa6: {  	v3 =	vld [tilespmem:$0x18700];
	[tilespmem:$0x18820] =	vst v55  }
0xa7: {  	[tilespmem:$0x18830] =	vst v6  }
0xa8: {  	[tilespmem:$0x18840] =	vst v7  }
0xa9: {  	[tilespmem:$0x18860] =	vst v56  }
0xaa: {  	[tilespmem:$0x18870] =	vst v57  }
0xab: {  	[tilespmem:$0x18850] =	vst v3  }
0xac: {  	[tilespmem:s22], [sflag:$0x1] =	stream.indirect.gather [hbm4b:s2+s20], $0x1, s21, s20, $0xb8;
	[tilespmem:$0x19900] =	vst v63  }
0xad: {  	_ =	swait.ge [sflag:s23], $0x80  }
0xae: {  	[sflag:s23] =	ssyncset.done $0x0  }
0xaf: {  	[sflag:s23] =	ssyncadd.s32 $0xFFFFFF80  }
0xb0: {  	[tilespmem:s24], [sflag:$0x1] =	stream.indirect.gather [hbm4b:s5+s20], $0x20, s22, s20, $0xb8;
	[tilespmem:$0x19900] =	vst v63  }
0xb1: {  	_ =	swait.ge [sflag:s23], $0x1000  }
0xb2: {  	[sflag:s23] =	ssyncset.done $0x0  }
0xb3: {  	[sflag:s23] =	ssyncadd.s32 $0xFFFFF000  }
0xb4: {  	[hbm4b:s10+s3] =	stream.linear.scatter [tilespmem:s24], [sflag:$0x2], $0x1000, $0x38;
	[tilespmem:$0x19900] =	vst v63  }
0xb5: {  	_ =	swait.ge [sflag:s15], $0x1000  }
0xb6: {  	[sflag:s15] =	ssyncset.done $0x0  }
0xb7: {  	[sflag:s15] =	ssyncadd.s32 $0xFFFFF000  }
0xb8: {  	v3 =	vld [tilespmem:$0x18750]  }
0xb9: {  	v58 =	vld [tilespmem:$0x18760]  }
0xba: {  	v59 =	vld [tilespmem:$0x18770]  }
0xbb: {  	v60 =	vld [tilespmem:$0x18780]  }
0xbc: {  	v61 =	vld [tilespmem:$0x18790]  }
0xbd: {  	v62 =	vld [tilespmem:$0x187B0];
	[tilespmem:$0x18800] =	vst v3  }
0xbe: {  	v63 =	vld [tilespmem:$0x187C0];
	[tilespmem:$0x18810] =	vst v58  }
0xbf: {  	v3 =	vld [tilespmem:$0x187A0];
	[tilespmem:$0x18820] =	vst v59  }
0xc0: {  	[tilespmem:$0x18830] =	vst v60  }
0xc1: {  	[tilespmem:$0x18840] =	vst v61  }
0xc2: {  	[tilespmem:$0x18860] =	vst v62  }
0xc3: {  	[tilespmem:$0x18870] =	vst v63  }
0xc4: {  	[tilespmem:$0x18850] =	vst v3  }
0xc5: {  	[tilespmem:s22], [sflag:$0x1] =	stream.indirect.gather [hbm4b:s2+s20], $0x1, s21, s20, $0xb8;
	[tilespmem:$0x19900] =	vst v63  }
0xc6: {  	_ =	swait.ge [sflag:s23], $0x80  }
0xc7: {  	[sflag:s23] =	ssyncset.done $0x0  }
0xc8: {  	[sflag:s23] =	ssyncadd.s32 $0xFFFFFF80  }
0xc9: {  	[tilespmem:s24], [sflag:$0x1] =	stream.indirect.gather [hbm4b:s5+s20], $0x20, s22, s20, $0xb8;
	[tilespmem:$0x19900] =	vst v63  }
0xca: {  	s25 =	sadd.s32 $0x1, s25;
	_ =	swait.ge [sflag:s23], $0x1000  }
0xcb: {  	p0 =	sne.s32 s25, s13;
	[sflag:s23] =	ssyncset.done $0x0  }
.Ltmp3:
0xcc: {  	[sflag:s23] =	ssyncadd.s32 $0xFFFFF000;
	(pc) =	sbr.rel @p0 .LBB2_1-.Ltmp3, $4  }
0xcd: {  	[hbm4b:s11+s3] =	stream.linear.scatter [tilespmem:s24], [sflag:$0x2], $0x1000, $0x38;
	[tilespmem:$0x19900] =	vst v63  }
0xce: {  	_ =	swait.ge [sflag:s15], $0x1000  }
0xcf: {  	[sflag:s15] =	ssyncset.done $0x0  }
0xd0: {  	[sflag:s15] =	ssyncadd.s32 $0xFFFFF000  }
0xd1: {  	_ =	sfence.sel $0x180000  }
0xd2: {  	[bflag:$0x0] =	sbarrier.arrive $0xFFFF  }
0xd3: {  	p0 =	sne.s32 s0, $0x0;
	_ =	strace $0x9000004D  }
0xd4: {  	s0 =	sadd.s32 @!p0 $0x100000, s1;
	[bflag:$0x2] =	sbarrier.arrive $0xFFFF  }
0xd5: {  	[sflag:s0] =	ssyncadd.tile.s32 @!p0 $0x1;
	_ =	shalt  }
.Lfunc_end2:
_tile_overlayer_lowered:
.L_overlay_start_2:
0xd6: {  	(tag) =	ssettag $0x2  }
0xd7: {  	s0 =	rddreg [dreg:$0x0];
	s2 =	stileid.u32  }
0xd8: {  	s1 =	rddreg [dreg:$0x1];
	p0 =	sne.s32 s2, $0x0  }
0xd9: {  	s3 =	rddreg [dreg:$0x2];
	[bflag:$0x3] =	sbarrier.arrive $0xFFFF;
	s2 =	simm.s32 @!p0 $0x1C02  }
0xda: {  	[timem:s3], [sflag:s2] =	dma.local @!p0 [hbm:s0], s1  }
0xdb: {  	s0 =	simm.s32 @!p0 $0x2  }
0xdc: {  	_ =	swait.ge @!p0 [sflag:s0], s1  }
0xdd: {  	s1 =	ssub.s32 @!p0 $0x0, s1;
	[sflag:s0] =	ssyncset.done @!p0 $0x0  }
0xde: {  	[sflag:s0] =	ssyncadd.s32 @!p0 s1  }
0xdf: {  	[bflag:$0x3] =	sbarrier.arrive $0xFFFF  }
0xe0: {  	_ =	shalt  }

// kernel: kernel.7.cloned.1.call-start
scs
__scs_entry_jumppad:
0x0: {  	(pc) =	sbr.rel $0x88, $3  }
0x1: {  	(tag) =	ssettag $0x0;
	lr =	simm.s32 $0x1  }
0x2: {  	[smem:$0x3F92] =	sst lr;
	_ =	strace $0xD0000000  }
0x3: {  	_ = 	snop  }
0x4: {  	_ = 	snop  }
0x5: {  	_ = 	snop  }
0x6: {  	_ = 	snop  }
0x7: {  	_ = 	snop  }
__scs_overlays_trampoline_lowered:
0x8: {  	[smem:$0x3FA1] =	sst s0  }
0x9: {  	[smem:$0x3FA2] =	sst s1  }
0xa: {  	[smem:$0x3FA3] =	sst s2  }
0xb: {  	[smem:$0x3FA4] =	sst s3  }
0xc: {  	[smem:$0x3FA5] =	sst s4  }
0xd: {  	[smem:$0x3FA6] =	sst s5  }
0xe: {  	[smem:$0x3FA7] =	sst s6  }
0xf: {  	[smem:$0x3FA8] =	sst s7  }
0x10: {  	[smem:$0x3FA9] =	sst s8  }
0x11: {  	[smem:$0x3FAA] =	sst s9;
	s0 =	simm.s32 @!p0 $0x0  }
0x12: {  	s1 =	sld [smem:$0x3F90];
	s0 =	simm.s32 @p0 $0x1  }
0x13: {  	[smem:$0x3FAB] =	sst s0;
	s0 =	simm.s32 @!p1 $0x0  }
0x14: {  	s2 =	sld [smem:$0x3F8F];
	s0 =	simm.s32 @p1 $0x1  }
0x15: {  	[smem:$0x3FAC] =	sst s0;
	s0 =	simm.s32 @!p2 $0x0  }
0x16: {  	s3 =	sld [smem:$0x3FDB];
	s0 =	simm.s32 @p2 $0x1  }
0x17: {  	s4 =	simm.s32 $0x1BF5;
	[smem:$0x3FAE] =	sst s0  }
0x18: {  	s0 =	sld [smem:$0x3F91];
	_ =	swait.ge [sflag:s4], $0x0  }
0x19: {  	s7 =	sld [smem:$0x3F92]  }
0x1a: {  	s8 =	sadd.s32 $0xFFFFE003, lr  }
0x1b: {  	s9 =	sadd.s32 $0xFFFFFEF7, lr;
	s5 =	simm.s32 $0xFFFFFFFF;
	p2 =	slt.u32 s8, $0xFFFFF086  }
0x1c: {  	p1 =	slt.u32 s9, $0xF7A;
	s5 =	simm.s32 @!p2 $0x0  }
0x1d: {  	s5 =	simm.s32 @p1 $0x1;
	p0 =	seq.s32 s7, s2  }
0x1e: {  	s7 =	smul.u32 @!p0 $0xF7A, s2;
	p2 =	seq.s32 @!p0 s5, $0x0  }
0x1f: {  	s9 =	smul.u32 $0xF7A, s1;
	s8 =	simm.s32 @!p0 $0x1BF5;
	p2 =	por !p2, p0  }
0x20: {  	[sflag:s8] =	ssyncset.s32 @!p0 $0xFFFFF086;
	s6 =	sadd.s32 @!p0 s3, s7;
	s7 =	simm.s32 @!p0 $0x108  }
0x21: {  	s3 =	sadd.s32 s3, s9;
	s6 =	sadd.s32 @!p0 $0x88, s6;
	s7 =	simm.s32 @p2 $0x1082  }
0x22: {  	[simem:s7], [sflag:s8] =	dma.local @!p0 [hbm:s6], $0xF7A  }
0x23: {  	s9 =	sor.u32 $0xD0000000, s2;
	s6 =	simm.s32 $0x108;
	_ =	swait.ge @!p0 [sflag:s8], $0x0  }
0x24: {  	s3 =	sadd.s32 $0x88, s3;
	s6 =	simm.s32 @!p1 $0x1082;
	[sflag:s4] =	ssyncset.s32 $0xFFFFF086  }
0x25: {  	[simem:s6], [sflag:s4] =	dma.local [hbm:s3], $0xF7A  }
0x26: {  	[smem:$0x3F92] =	sst s1;
	(tag) =	ssettag s2;
	_ =	strace s9  }
0x27: {  	s1 =	sld [smem:$0x3FA2]  }
0x28: {  	s2 =	sld [smem:$0x3FA3]  }
0x29: {  	s4 =	sld [smem:$0x3FA5]  }
0x2a: {  	p0 =	seq.s32 s5, $0x0;
	s5 =	sld [smem:$0x3FA6]  }
0x2b: {  	s6 =	sld [smem:$0x3FA7]  }
0x2c: {  	s7 =	sld [smem:$0x3FA8]  }
0x2d: {  	s3 =	simm.s32 $0x108;
	s8 =	sld [smem:$0x3FA9]  }
0x2e: {  	s3 =	simm.s32 @!p0 $0x1082;
	s9 =	sld [smem:$0x3FAA]  }
0x2f: {  	lr =	sadd.s32 s0, s3;
	s0 =	sld [smem:$0x3FA1]  }
0x30: {  	s3 =	sld [smem:$0x3FA4]  }
0x31: {  	[smem:$0x3FAD] =	sst s10  }
0x32: {  	s10 =	sld [smem:$0x3FAB];
	_ =	sdelay $0x3  }
0x33: {  	p0 =	seq.s32 s10, $0x1;
	s10 =	sld [smem:$0x3FAD];
	_ =	sdelay $0x3  }
0x34: {  	[smem:$0x3FAD] =	sst s10  }
0x35: {  	s10 =	sld [smem:$0x3FAC];
	_ =	sdelay $0x3  }
0x36: {  	p1 =	seq.s32 s10, $0x1;
	s10 =	sld [smem:$0x3FAD];
	_ =	sdelay $0x3  }
0x37: {  	[smem:$0x3FAD] =	sst s10  }
0x38: {  	s10 =	sld [smem:$0x3FAE]  }
0x39: {  	_ = 	snop;
	(pc) =	sbr.ind lr, $3  }
0x3a: {  	_ = 	snop  }
0x3b: {  	_ = 	snop  }
0x3c: {  	p2 =	seq.s32 s10, $0x1;
	s10 =	sld [smem:$0x3FAD]  }
0x3d: {  	_ =	shalt  }
0x3e: {  	_ =	shalt  }
0x3f: {  	_ =	shalt  }
0x40: {  	_ =	shalt  }
0x41: {  	_ =	shalt  }
0x42: {  	_ =	shalt  }
0x43: {  	_ =	shalt  }
0x44: {  	_ =	shalt  }
0x45: {  	_ =	shalt  }
0x46: {  	_ =	shalt  }
0x47: {  	_ =	shalt  }
0x48: {  	_ =	shalt  }
0x49: {  	_ =	shalt  }
0x4a: {  	_ =	shalt  }
0x4b: {  	_ =	shalt  }
0x4c: {  	_ =	shalt  }
0x4d: {  	_ =	shalt  }
0x4e: {  	_ =	shalt  }
0x4f: {  	_ =	shalt  }
0x50: {  	_ =	shalt  }
0x51: {  	_ =	shalt  }
0x52: {  	_ =	shalt  }
0x53: {  	_ =	shalt  }
0x54: {  	_ =	shalt  }
0x55: {  	_ =	shalt  }
0x56: {  	_ =	shalt  }
0x57: {  	_ =	shalt  }
0x58: {  	_ =	shalt  }
0x59: {  	_ =	shalt  }
0x5a: {  	_ =	shalt  }
0x5b: {  	_ =	shalt  }
0x5c: {  	_ =	shalt  }
0x5d: {  	_ =	shalt  }
0x5e: {  	_ =	shalt  }
0x5f: {  	_ =	shalt  }
0x60: {  	_ =	shalt  }
0x61: {  	_ =	shalt  }
0x62: {  	_ =	shalt  }
0x63: {  	_ =	shalt  }
0x64: {  	_ =	shalt  }
0x65: {  	_ =	shalt  }
0x66: {  	_ =	shalt  }
0x67: {  	_ =	shalt  }
0x68: {  	_ =	shalt  }
0x69: {  	_ =	shalt  }
0x6a: {  	_ =	shalt  }
0x6b: {  	_ =	shalt  }
0x6c: {  	_ =	shalt  }
0x6d: {  	_ =	shalt  }
0x6e: {  	_ =	shalt  }
0x6f: {  	_ =	shalt  }
0x70: {  	_ =	shalt  }
0x71: {  	_ =	shalt  }
0x72: {  	_ =	shalt  }
0x73: {  	_ =	shalt  }
0x74: {  	_ =	shalt  }
0x75: {  	_ =	shalt  }
0x76: {  	_ =	shalt  }
0x77: {  	_ =	shalt  }
0x78: {  	_ =	shalt  }
0x79: {  	_ =	shalt  }
0x7a: {  	_ =	shalt  }
0x7b: {  	_ =	shalt  }
0x7c: {  	_ =	shalt  }
0x7d: {  	_ =	shalt  }
0x7e: {  	_ =	shalt  }
0x7f: {  	_ =	shalt  }
0x80: {  	_ =	shalt  }
0x81: {  	_ =	shalt  }
0x82: {  	_ =	shalt  }
0x83: {  	_ =	shalt  }
0x84: {  	_ =	shalt  }
0x85: {  	_ =	shalt  }
0x86: {  	_ =	shalt  }
0x87: {  	_ =	shalt  }
.Lfunc_end0:
.L_simem_size_0:
called_computation_lowered:
.L_overlay_start_0:
0x88: {  	s2 =	sld [smem:$0x3FD9]  }
0x89: {  	s3 =	sld [smem:$0x3FFE];
	_ =	sdelay $0x1  }
0x8a: {  	s1 =	srdreg.scid  }
0x8b: {  	s0 =	sand.u32 $0x1, s1  }
0x8c: {  	s16 =	sshll.u32 s0, $0xA;
	s2 =	sadd.s32 s3, s2  }
0x8d: {  	s2 =	sadd.s32 s2, s16  }
0x8e: {  	[smem:$0x3FB9] =	sst s2  }
0x8f: {  	_ = 	snop  }
0x90: {  	(tm) =	ssettm $0x1  }
0x91: {  	s17 =	sld [smem:$0x3FFB];
	_ =	sdelay $0x3  }
0x92: {  	_ =	strace s17  }
0x93: {  	s2 =	sld [smem:$0x3FFC];
	_ =	sdelay $0x3  }
0x94: {  	_ =	strace s2  }
0x95: {  	s2 =	sld [smem:$0x3FFD];
	_ =	sdelay $0x3  }
0x96: {  	_ =	strace s2  }
0x97: {  	_ =	strace $0x8FFFFFFF  }
0x98: {  	s18 =	sld [smem:$0x3FDB];
	_ =	sdelay $0x1  }
0x99: {  	s19 =	simm.s32 $_scs_section_size  }
0x9a: {  	s4 =	simm.s32 $_size__tile_overlayer_lowered;
	s5 =	simm.s32 $_tile_overlayer_lowered  }
0x9b: {  	s22 =	simm.s32 $0x1BFF;
	s21 =	sshll.u32 s5, $0x1;
	s2 =	sadd.s32 s19, s18  }
0x9c: {  	s6 =	simm.s32 $0x0;
	s20 =	sshll.u32 s4, $0x1;
	s4 =	sadd.s32 s21, s2  }
0x9d: {  	[timem:s6], [sflag:s22] =	dma.local [hbm:s4], s20  }
0x9e: {  	_ =	swait.ge [sflag:s22], s20  }
0x9f: {  	s3 =	ssub.s32 $0x0, s20;
	[sflag:s22] =	ssyncset.done $0x0  }
0xa0: {  	[sflag:s22] =	ssyncadd.s32 s3;
	_ =	sdelay $0x1  }
0xa1: {  	s23 =	simm.s32 $0x1B8B  }
0xa2: {  	_ =	swait.ge [sflag:s23], $0x1  }
0xa3: {  	[sflag:s23] =	ssyncset.done $0x0  }
0xa4: {  	s25 =	simm.s32 $0x1B8E;
	s24 =	sld [smem:$0x3FFE];
	[sflag:s23] =	ssyncadd.s32 $0xFFFFFFFF  }
0xa5: {  	s26 =	simm.s32 $execute0_lowered;
	[smem:$0x3FD2] =	sst s25  }
0xa6: {  	s4 =	sshll.u32 s26, $0x1;
	_ =	strace $0x80000046;
	[dreg:$0x1] =	wrdreg $0xFFFFFFFF  }
0xa7: {  	s28 =	simm.s32 $_size_execute0_lowered;
	s2 =	sadd.s32 s2, s4;
	[dreg:$0x0] =	wrdreg $0x0  }
0xa8: {  	s4 =	sshll.u32 s28, $0x1;
	[dreg:$0x2] =	wrdreg s2  }
0xa9: {  	[dreg:$0x3] =	wrdreg s4  }
0xaa: {  	[dreg:$0x4] =	wrdreg $0xC0  }
0xab: {  	_ =	task [dreg:s6], $0x5FFFF  }
0xac: {  	[dreg:$0x1] =	wrdreg $0xFFFFFFFF  }
0xad: {  	[dreg:$0x0] =	wrdreg $0x60  }
0xae: {  	[dreg:$0x2] =	wrdreg s24  }
0xaf: {  	[dreg:$0x3] =	wrdreg $0x9  }
0xb0: {  	_ =	task.clear_ibuf [dreg:s6], $0x4FFFF;
	_ =	strace $0x90000046  }
0xb1: {  	s29 =	simm.s32 $0x9;
	_ =	strace $0x80000048  }
0xb2: {  	_ =	swait.ge [sflag:s29], $0x1  }
0xb3: {  	[sflag:s29] =	ssyncadd.s32 $0xFFFFFFFF  }
0xb4: {  	_ =	strace $0x90000048  }
0xb5: {  	_ =	sfence  }
0xb6: {  	s30 =	sld [smem:$0x0];
	_ =	sdelay $0x2  }
0xb7: {  	s31 =	sshll.u32 s1, $0xD;
	s1 =	sshrl.u32 s1, $0x2  }
0xb8: {  	s3 =	sand.u32 $0x4000, s31;
	s1 =	sadd.s32 s1, s30  }
0xb9: {  	s0 =	sor.u32 s3, s0;
	s1 =	sshll.u32 s1, $0x11  }
0xba: {  	s0 =	sor.u32 s1, s0  }
0xbb: {  	s0 =	sadd.s32 $0x8F2B, s0  }
0xbc: {  	[sflag:s0] =	ssyncadd.remote.s32 $0x1  }
0xbd: {  	_ =	sfence.sel $0xFFFF  }
0xbe: {  	[dreg:$0x0] =	wrdreg $0xFFFFFFFF;
	(pc) =	sbr.abs _section_cstart, $3  }
0xbf: {  	[dreg:$0x1] =	wrdreg $0xFFFFFFFF  }
0xc0: {  	_ =	task.clear_ibuf [dreg:s6], $0x2FFFF;
	_ =	strace $0x9FFFFFFF  }
0xc1: {  	(tm) =	ssettm $0x7FFFFFFF  }
tec
execute0_lowered:
.L_overlay_start_1:
0x0: {  	(tag) =	ssettag $0x1  }
0x1: {  	s1 =	srdreg.scid  }
0x2: {  	s0 =	stileid.u32;
	s4 =	rddreg [dreg:$0x0]  }
0x3: {  	s2 =	simm.s32 $0x0;
	s9 =	simm.s32 $0x61B0;
	s10 =	simm.s32 $0xC390  }
0x4: {  	s11 =	simm.s32 $0xC360;
	s3 =	sand.u32 $0x1, s1;
	s31 =	sshll.u32 s0, $0x1  }
0x5: {  	s12 =	simm.s32 $0x0;
	[smem:$0x7FF] =	sst s2;
	s5 =	sor.u32 s3, s31  }
0x6: {  	s1 =	rddreg [dreg:$0x1];
	_ =	strace $0x80000047;
	s6 =	smul.u32 $0x61A8, s5  }
0x7: {  	s3 =	ssub.s32 $0x2, s3;
	s7 =	sshll.u32 s5, $0x2;
	s5 =	sshll.u32 s5, $0x1  }
0x8: {  	s8 =	sshrl.u32 s3, $0x1;
	s7 =	sadd.s32 s7, s4;
	s6 =	sshrl.u32 s6, $0x3  }
0x9: {  	s5 =	sadd.s32 s5, s4;
	s8 =	ssub.s32 s3, s8;
	s6 =	sadd.s32 s6, s4  }
0xa: {  	s5 =	sadd.s32 $0x34E00, s5;
	s3 =	sadd.s32 $0x1C6A0, s6;
	s4 =	sadd.s32 $0x4000, s6  }
0xb: {  	v0 =	vimm.s32 $0xC34F;
	vm0 =	vmmov $0xff;
	s6 =	sadd.s32 $0x35000, s7;
	s7 =	smax.u32 s8, $0x1;
	s8 =	simm.s32 $0x1  }
.LBB2_1:
0xc: {  	[tilespmem:s2], [sflag:$0x1] =	stream.linear.gather [hbm4b:s3+s2], $0x61A8, $0x38;
	[tilespmem:$0xC3A0] =	vst v63  }
0xd: {  	_ =	swait.ge [sflag:s8], $0x61A8  }
0xe: {  	[sflag:s8] =	ssyncset.done $0x0  }
0xf: {  	[sflag:s8] =	ssyncadd.s32 $0xFFFF9E58  }
0x10: {  	[tilespmem:s9], [sflag:$0x1] =	stream.linear.gather [hbm4b:s4+s2], $0x61A8, $0x38;
	[tilespmem:$0xC3A0] =	vst v63  }
0x11: {  	_ =	swait.ge [sflag:s8], $0x61A8  }
0x12: {  	[sflag:s8] =	ssyncset.done $0x0  }
0x13: {  	[sflag:s8] =	ssyncadd.s32 $0xFFFF9E58  }
0x14: {  	[tilespmem:$0xC360] =	vst v0  }
0x15: {  	[tilespmem:$0xC370] =	vst v0  }
0x16: {  	v1 =	vimm.s32 $0x0;
	s13 =	simm.s32 $0x0;
	[tilespmem:$0xC380] =	vst v0  }
.LBB2_2:
0x17: {  	s14 =	sshra.s32 s13, $0x2  }
0x18: {  	v2 =	vld [tilespmem:s14+$0x0];
	_ =	sdelay $0x4  }
0x19: {  	vm1 =	veq.s32 v2, $0xC34F  }
0x1a: {  	v3 =	vmpcnt.ones.xlane vm1;
	_ =	sdelay $0x1  }
0x1b: {  	(v2sf) =	vpush v3, $0x0;
	_ =	sdelay $0xe  }
0x1c: {  	s15 =	spop (v2sf)  }
0x1d: {  	p0 =	slt.s32 s15, $0x1  }
0x1e: {  	vm1 =	veq.s32 @!p0 v2, $0xC34F;
	v2 =	vimm.s32 @!p0 $0x0  }
0x1f: {  	v2 =	vsel @!p0 vm1, $0x1, v2  }
0x20: {  	(xrf0) =	vadd.scan.msk.s32 @!p0 $0xffff, v2;
	_ =	sdelay $0x5  }
0x21: {  	v2, _, _ =	vpop @!p0 (xrf0)  }
0x22: {  	s15 =	sshra.s32 @!p0 s13, $0x2;
	v2 =	vadd.s32 @!p0 v2, v1  }
0x23: {  	v4 =	vld @!p0 [tilespmem:s15+$0x61B0];
	v2 =	vadd.s32 @!p0 $0xFFFFFFFF, v2;
	_ =	sdelay $0x3  }
0x24: {  	s15 =	simm.s32 @!p0 $0xC360  }
0x25: {  	[tilespmem:v2+s15+$0x0] =	vst.idx.msk @!p0 vm1, v4  }
0x26: {  	v2 =	vld [tilespmem:s14+$0x10];
	_ =	sdelay $0x4  }
0x27: {  	vm1 =	veq.s32 v2, $0xC34F  }
0x28: {  	v63 =	vmpcnt.ones.xlane vm1;
	_ =	sdelay $0x1  }
0x29: {  	(v2sf) =	vpush v63, $0x0;
	_ =	sdelay $0xe  }
0x2a: {  	s31 =	spop (v2sf)  }
0x2b: {  	p0 =	slt.s32 s31, $0x1  }
0x2c: {  	vm1 =	veq.s32 @!p0 v2, $0xC34F;
	v2 =	vimm.s32 @!p0 $0x0  }
0x2d: {  	v2 =	vsel @!p0 vm1, $0x1, v2  }
0x2e: {  	(xrf0) =	vadd.scan.msk.s32 @!p0 $0xffff, v2;
	_ =	sdelay $0x3  }
0x2f: {  	v1 =	vadd.s32 v1, v3  }
0x30: {  	vm2 =	vlt.s32 v1, $0x10  }
0x31: {  	v1 =	vnsel vm2, $0x10, v1;
	v2, _, _ =	vpop @!p0 (xrf0)  }
0x32: {  	s14 =	sshra.s32 @!p0 s13, $0x2;
	s13 =	sadd.s32 $0x80, s13;
	v2 =	vadd.s32 @!p0 v2, v1  }
0x33: {  	v3 =	vld @!p0 [tilespmem:s14+$0x61C0];
	p1 =	sne.s32 s13, $0x18680;
	v2 =	vadd.s32 @!p0 $0xFFFFFFFF, v2  }
.Ltmp0:
0x34: {  	_ = 	snop;
	(pc) =	sbr.rel @p1 .LBB2_2-.Ltmp0, $4  }
0x35: {  	_ = 	snop  }
0x36: {  	v1 =	vadd.s32 v1, v63  }
0x37: {  	s14 =	simm.s32 @!p0 $0xC360;
	vm2 =	vlt.s32 v1, $0x10  }
0x38: {  	v1 =	vnsel vm2, $0x10, v1;
	[tilespmem:v2+s14+$0x0] =	vst.idx.msk @!p0 vm1, v3  }
0x39: {  	v2 =	vld [tilespmem:$0x61A0];
	_ =	sdelay $0x4  }
0x3a: {  	vm1 =	veq.s32 v2, $0xC34F  }
0x3b: {  	vm1 =	vmand vm1, vm0  }
0x3c: {  	v2 =	vmpcnt.ones.xlane vm1;
	_ =	sdelay $0x1  }
0x3d: {  	(v2sf) =	vpush v2, $0x0;
	_ =	sdelay $0xe  }
0x3e: {  	s13 =	spop (v2sf)  }
0x3f: {  	p0 =	slt.s32 s13, $0x1  }
0x40: {  	v3 =	vimm.s32 @!p0 $0x0  }
0x41: {  	v3 =	vsel @!p0 vm1, $0x1, v3  }
0x42: {  	(xrf0) =	vadd.scan.msk.s32 @!p0 $0xffff, v3;
	_ =	sdelay $0x5  }
0x43: {  	v3, _, _ =	vpop @!p0 (xrf0)  }
0x44: {  	v3 =	vadd.s32 @!p0 v3, v1  }
0x45: {  	v4 =	vld @!p0 [tilespmem:$0xC350];
	v3 =	vadd.s32 @!p0 $0xFFFFFFFF, v3;
	_ =	sdelay $0x2  }
0x46: {  	v1 =	vadd.s32 v1, v2  }
0x47: {  	s13 =	simm.s32 @!p0 $0xC360;
	vm2 =	vlt.s32 v1, $0x10  }
0x48: {  	v1 =	vnsel vm2, $0x10, v1;
	[tilespmem:v3+s13+$0x0] =	vst.idx.msk @!p0 vm1, v4  }
0x49: {  	[tilespmem:$0xC390] =	vst v1  }
0x4a: {  	[hbm4b:s5+s2] =	stream.linear.scatter [tilespmem:s10], [sflag:$0x1], $0x10, $0x38;
	[tilespmem:$0xC3A0] =	vst v63  }
0x4b: {  	s12 =	sadd.s32 $0x1, s12;
	_ =	swait.ge [sflag:s8], $0x10  }
0x4c: {  	p0 =	sne.s32 s12, s7;
	[sflag:s8] =	ssyncset.done $0x0  }
.Ltmp1:
0x4d: {  	[sflag:s8] =	ssyncadd.s32 $0xFFFFFFF0;
	(pc) =	sbr.rel @p0 .LBB2_1-.Ltmp1, $4  }
0x4e: {  	[hbm4b:s6+s2] =	stream.linear.scatter [tilespmem:s11], [sflag:$0x1], $0x20, $0x38;
	[tilespmem:$0xC3A0] =	vst v63  }
0x4f: {  	_ =	swait.ge [sflag:s8], $0x20  }
0x50: {  	[sflag:s8] =	ssyncset.done $0x0  }
0x51: {  	[sflag:s8] =	ssyncadd.s32 $0xFFFFFFE0  }
0x52: {  	_ =	sfence.sel $0x180000  }
0x53: {  	[bflag:$0x0] =	sbarrier.arrive $0xFFFF  }
0x54: {  	p0 =	sne.s32 s0, $0x0;
	_ =	strace $0x90000047  }
0x55: {  	s0 =	sadd.s32 @!p0 $0x100000, s1;
	[bflag:$0x2] =	sbarrier.arrive $0xFFFF  }
0x56: {  	[sflag:s0] =	ssyncadd.tile.s32 @!p0 $0x1;
	_ =	shalt  }
.Lfunc_end2:
_tile_overlayer_lowered:
.L_overlay_start_2:
0x57: {  	(tag) =	ssettag $0x2  }
0x58: {  	s0 =	rddreg [dreg:$0x0];
	s2 =	stileid.u32  }
0x59: {  	s1 =	rddreg [dreg:$0x1];
	p0 =	sne.s32 s2, $0x0  }
0x5a: {  	s3 =	rddreg [dreg:$0x2];
	[bflag:$0x3] =	sbarrier.arrive $0xFFFF;
	s2 =	simm.s32 @!p0 $0x1C01  }
0x5b: {  	[timem:s3], [sflag:s2] =	dma.local @!p0 [hbm:s0], s1  }
0x5c: {  	s0 =	simm.s32 @!p0 $0x1  }
0x5d: {  	_ =	swait.ge @!p0 [sflag:s0], s1  }
0x5e: {  	s1 =	ssub.s32 @!p0 $0x0, s1;
	[sflag:s0] =	ssyncset.done @!p0 $0x0  }
0x5f: {  	[sflag:s0] =	ssyncadd.s32 @!p0 s1  }
0x60: {  	[bflag:$0x3] =	sbarrier.arrive $0xFFFF  }
0x61: {  	_ =	shalt  }

</sc_bundles>
